<compile_context>
chip_gen: v7x
topology: tpu7x:2x2x1
jax: 0.10.2.dev20260603
libtpu: 0.0.44.dev20260713+nightly
codegen_flags: <defaults>
</compile_context>

<pallas_src>
import functools

import jax
import jax.numpy as jnp
from jax import lax
from jax.experimental import pallas as pl
from jax.experimental.pallas import tpu as pltpu
from jax.experimental.pallas import tpu_sc as plsc

_NC, _NS = 2, 16
_NW = _NC * _NS
_CH = 112
_LANES = 16


def _proj_body(x_ref, w0_ref, w1_ref, b_ref, y0_ref, y1_ref):
    xb = x_ref[...]
    dn = (((0,), (1,)), ((), ()))
    y0_ref[...] = lax.dot_general(
        xb, w0_ref[...], dn, preferred_element_type=jnp.float32) + b_ref[...]
    y1_ref[...] = lax.dot_general(
        xb, w1_ref[...], dn, preferred_element_type=jnp.float32)


def _xpose_body(x_ref, o_ref):
    o_ref[...] = x_ref[...].T


def _make_sc_kernel(vp, c):
    nchunks = vp // (_NW * _CH)
    assert nchunks % 2 == 0
    mesh = plsc.VectorSubcoreMesh(
        core_axis_name="c", subcore_axis_name="s",
        num_cores=_NC, num_subcores=_NS)

    @functools.partial(
        pl.kernel,
        out_type=jax.ShapeDtypeStruct((vp, c), jnp.float32),
        mesh=mesh,
        scratch_types=(
            [pltpu.VMEM((nchunks, 4, _CH), jnp.int32)]
            + [pltpu.VMEM((_CH, c), jnp.float32) for _ in range(8)]
            + [pltpu.SemaphoreType.DMA for _ in range(4)]
        ),
    )
    def sc_fn(y0_hbm, y1_hbm, idx_hbm, out_hbm, idxall, *rest):
        g = [list(rest[0:4]), list(rest[4:8])]
        gsem = rest[8:10]
        wsem = rest[10:12]
        wid = lax.axis_index("s") * _NC + lax.axis_index("c")
        base_chunk = wid * nchunks
        pltpu.sync_copy(idx_hbm.at[pl.ds(base_chunk, nchunks)], idxall)

        def fire(cl, s):
            for k, tab in enumerate((y0_hbm, y1_hbm, y1_hbm, y1_hbm)):
                buf = g[s][k]
                for qq in range(_CH // _LANES):
                    idxv = idxall[cl, k, pl.ds(qq * _LANES, _LANES)]
                    pltpu.async_copy(
                        tab.at[idxv],
                        buf.at[pl.ds(qq * _LANES, _LANES)], gsem[s])

        def drain(sem, buf):
            pltpu.make_async_copy(y0_hbm.at[pl.ds(0, _CH)], buf, sem).wait()

        fire(0, 0)

        def body(jj, carry):
            for p in range(2):
                cl = jj * 2 + p
                sn = 1 - p

                @pl.when(cl + 1 < nchunks)
                def _():
                    @pl.when(cl >= 1)
                    def _():
                        drain(wsem[sn], g[sn][0])
                    fire(cl + 1, sn)

                for _ in range(4):
                    drain(gsem[p], g[p][0])

                ba, bb, bc, bd = g[p]

                def row(r, rcarry):
                    for q in range(c // _LANES):
                        s = pl.ds(q * _LANES, _LANES)
                        ba[r, s] = ba[r, s] + bb[r, s] + bc[r, s] + bd[r, s]
                    return rcarry

                lax.fori_loop(0, _CH, row, 0)
                pltpu.async_copy(
                    ba, out_hbm.at[pl.ds((base_chunk + cl) * _CH, _CH)],
                    wsem[p])
            return carry

        lax.fori_loop(0, nchunks // 2, body, 0)
        for p in range(2):
            drain(wsem[p], g[p][0])

    return sc_fn


def kernel(x, Gi, W, b):
    bsz, cin, v, _ = x.shape
    cout = W.shape[0]
    x2d = x[0, :, :, 0]
    w0 = W[:, :, 0, 0]
    w1 = W[:, :, 0, 1]
    b2 = b.reshape(1, cout)

    vt = 2048
    y0, y1 = pl.pallas_call(
        _proj_body,
        grid=(pl.cdiv(v, vt),),
        in_specs=[
            pl.BlockSpec((cin, vt), lambda i: (0, i)),
            pl.BlockSpec((cout, cin), lambda i: (0, 0)),
            pl.BlockSpec((cout, cin), lambda i: (0, 0)),
            pl.BlockSpec((1, cout), lambda i: (0, 0)),
        ],
        out_specs=[
            pl.BlockSpec((vt, cout), lambda i: (i, 0)),
            pl.BlockSpec((vt, cout), lambda i: (i, 0)),
        ],
        out_shape=[
            jax.ShapeDtypeStruct((v, cout), jnp.float32),
            jax.ShapeDtypeStruct((v, cout), jnp.float32),
        ],
        compiler_params=pltpu.CompilerParams(
            dimension_semantics=("arbitrary",)),
    )(x2d, w0, w1, b2)

    grain = _NW * _CH * 2
    vp = ((v + grain - 1) // grain) * grain
    idx = Gi[0, :, :4].astype(jnp.int32)
    idx = jnp.pad(idx, ((0, vp - v), (0, 0)))
    idxb = idx.T.reshape(4, vp // _CH, _CH).transpose(1, 0, 2)

    out_t = _make_sc_kernel(vp, cout)(y0, y1, idxb)

    out = out_t[:v].T
    return out[None, :, :, None]

# --- scband reference (transcript-rebuilt; emitter-appended) ---
"""Pipeline reference for scband-mesh-conv-point-23441931502099 (READ-ONLY COPY).

The authoritative reference and input builder live on the scoring server;
editing this copy changes nothing except your own understanding.
"""

import jax, jax.numpy as jnp
import numpy as np

B, C_IN, C_OUT, V, K = 1, 128, 128, 100000, 7

def setup_inputs(seed: int = 0) -> dict:
    key = jax.random.key(seed)
    k1, k2, k3, k4 = jax.random.split(key, 4)
    x = jax.random.normal(k1, (B, C_IN, V, 1), dtype=jnp.float32)
    Gi = jax.random.randint(k2, (B, V, K), 0, V, dtype=jnp.int64 if jax.config.jax_enable_x64 else jnp.int32).astype(jnp.int32)
    W = jax.random.normal(k3, (C_OUT, C_IN, 1, 2), dtype=jnp.float32) * 0.05
    b = jax.random.normal(k4, (C_OUT,), dtype=jnp.float32) * 0.05
    return {"x": x, "Gi": Gi, "W": W, "b": b}

def reference(x, Gi, W, b):
    # MeshConvPoint.forward with neighbor_order='random', symm_oper=[1], n_neighbors=6
    x = x[..., 0]  # squeeze(-1) -> [B, C, V]
    Bb, Cc, Vv = x.shape
    # create_GeMM: prepend zero padding column at index 0
    padding = jnp.zeros((Bb, Cc, 1), dtype=x.dtype)
    xp = jnp.concatenate([padding, x], axis=2)  # [B, C, V+1]
    Gi1 = Gi + 1  # shift for padding row (pad entries -1 -> 0)
    ne = Vv + 1
    # flatten_gemm_inds: per-batch offset of ne rows
    batch_off = (jnp.arange(Bb) * ne)[:, None, None]
    Gi_flat = (Gi1.astype(jnp.int32) + batch_off).reshape(-1)
    xf = jnp.transpose(xp, (0, 2, 1)).reshape(Bb * ne, Cc)  # [(B*(V+1)), C]
    f = jnp.take(xf, Gi_flat, axis=0)  # gather
    f = f.reshape(Bb, Vv, Gi.shape[2], Cc)
    f = jnp.transpose(f, (0, 3, 1, 2))  # [B, C, V, K]
    # symm_oper = [1]: complete_f = [self, n1+n2+n3]
    f0 = f[:, :, :, 0]
    x1 = f[:, :, :, 1] + f[:, :, :, 2] + f[:, :, :, 3]
    G = jnp.stack([f0, x1], axis=3)  # [B, C, V, 2]
    # Conv2d with kernel (1, 2) over the fake image -> [B, C_out, V, 1]
    out = jnp.einsum('bcvk,ock->bov', G, W[:, :, 0, :]) + b[None, :, None]
    return out[..., None]

if __name__ == "__main__":
    import jax
    _d = setup_inputs()
    print(jax.jit(kernel)(*tuple(_d.values())))

</pallas_src>

<mosaic_0001>
#map = affine_map<(d0, d1) -> (0, 0)>
#map1 = affine_map<(d0, d1) -> (0, 0, 0)>
module attributes {stable_mosaic.version = 14 : i64} {
  func.func @sc_fn(%arg0: i32, %arg1: i32, %arg2: memref<100000x128xf32, #tpu.memory_space<hbm>>, %arg3: memref<100000x128xf32, #tpu.memory_space<hbm>>, %arg4: memref<896x4x112xi32, #tpu.memory_space<hbm>>, %arg5: memref<100352x128xf32, #tpu.memory_space<hbm>>, %arg6: memref<28x4x112xi32, #tpu.memory_space<vmem>>, %arg7: memref<112x128xf32, #tpu.memory_space<vmem>>, %arg8: memref<112x128xf32, #tpu.memory_space<vmem>>, %arg9: memref<112x128xf32, #tpu.memory_space<vmem>>, %arg10: memref<112x128xf32, #tpu.memory_space<vmem>>, %arg11: memref<112x128xf32, #tpu.memory_space<vmem>>, %arg12: memref<112x128xf32, #tpu.memory_space<vmem>>, %arg13: memref<112x128xf32, #tpu.memory_space<vmem>>, %arg14: memref<112x128xf32, #tpu.memory_space<vmem>>, %arg15: memref<!tpu.dma_semaphore, #tpu.memory_space<semaphore_mem>>, %arg16: memref<!tpu.dma_semaphore, #tpu.memory_space<semaphore_mem>>, %arg17: memref<!tpu.dma_semaphore, #tpu.memory_space<semaphore_mem>>, %arg18: memref<!tpu.dma_semaphore, #tpu.memory_space<semaphore_mem>>) attributes {dimension_semantics = [#tpu.dimension_semantics<core_parallel>, #tpu.dimension_semantics<subcore_parallel>], iteration_bounds = array<i64: 2, 16>, scalar_prefetch = 0 : i64, scratch_operands = 13 : i64, tpu.core_type = #tpu.core_type<sc_vector_subcore>, window_params = [{transform_indices = #map}, {transform_indices = #map}, {transform_indices = #map1}, {transform_indices = #map}]} {
    %mul3A = arith.constant 2 : i32
    %mul3A_0 = arith.muli %arg1, %mul3A : i32
    %add3A = arith.addi %mul3A_0, %arg0 : i32
    %mul3A_1 = arith.constant 28 : i32
    %mul3A_2 = arith.muli %add3A, %mul3A_1 : i32
    "tpu.region"() ({
      %run_scoped3A = tpu.sem_alloc : memref<!tpu.dma_semaphore, #tpu.memory_space<semaphore_mem>>
      %dma_start3A_381 = arith.constant 0 : i32
      %dma_start3A_382 = arith.constant 0 : i32
      %dma_start3A_383 = tpu.memref_slice %arg4[%mul3A_2, %dma_start3A_381, %dma_start3A_382] : memref<896x4x112xi32, #tpu.memory_space<hbm>> -> memref<28x4x112xi32, #tpu.memory_space<hbm>>
      %dma_start3A_384 = arith.constant 0 : i32
      %dma_start3A_385 = arith.constant 0 : i32
      %dma_start3A_386 = tpu.memref_slice %arg4[%mul3A_2, %dma_start3A_384, %dma_start3A_385] : memref<896x4x112xi32, #tpu.memory_space<hbm>> -> memref<28x4x112xi32, #tpu.memory_space<hbm>>
      tpu.enqueue_dma source(%dma_start3A_386 : memref<28x4x112xi32, #tpu.memory_space<hbm>>) target(%arg6 : memref<28x4x112xi32, #tpu.memory_space<vmem>>) target_semaphore(%run_scoped3A : memref<!tpu.dma_semaphore, #tpu.memory_space<semaphore_mem>>)
      %dma_wait3A_387 = arith.constant 0 : i32
      %dma_wait3A_388 = arith.constant 0 : i32
      %dma_wait3A_389 = tpu.memref_slice %arg4[%mul3A_2, %dma_wait3A_387, %dma_wait3A_388] : memref<896x4x112xi32, #tpu.memory_space<hbm>> -> memref<28x4x112xi32, #tpu.memory_space<hbm>>
      %dma_wait3A_390 = arith.constant 0 : i32
      %dma_wait3A_391 = arith.constant 0 : i32
      %dma_wait3A_392 = tpu.memref_slice %arg4[%mul3A_2, %dma_wait3A_390, %dma_wait3A_391] : memref<896x4x112xi32, #tpu.memory_space<hbm>> -> memref<28x4x112xi32, #tpu.memory_space<hbm>>
      tpu.wait_dma2 semaphore(%run_scoped3A : memref<!tpu.dma_semaphore, #tpu.memory_space<semaphore_mem>>) src(%dma_wait3A_392 : memref<28x4x112xi32, #tpu.memory_space<hbm>>) dst(%arg6 : memref<28x4x112xi32, #tpu.memory_space<vmem>>)
      tpu.yield
    }) : () -> ()
    %get3A = arith.constant 0 : i32
    %get3A_3 = arith.constant 0 : i32
    %get3A_4 = arith.index_cast %get3A : i32 to index
    %get3A_5 = arith.index_cast %get3A_3 : i32 to index
    %get3A_6 = arith.constant 0 : index
    %get3A_7 = tpu.vector_load %arg6[%get3A_4, %get3A_5, %get3A_6] {strides = array<i32>} : memref<28x4x112xi32, #tpu.memory_space<vmem>>, vector<1x1x16xi32>,
    %get3A_8 = vector.shape_cast %get3A_7 : vector<1x1x16xi32> to vector<16xi32>
    %dma_start3A = arith.constant 0 : i32
    %dma_start3A_9 = arith.constant 0 : i32
    %dma_start3A_10 = tpu.memref_slice %arg7[%dma_start3A, %dma_start3A_9] : memref<112x128xf32, #tpu.memory_space<vmem>> -> memref<16x128xf32, #tpu.memory_space<vmem>>
    %dma_start3A_11 = arith.constant 0 : i32
    %dma_start3A_12 = arith.constant 0 : i32
    %dma_start3A_13 = tpu.memref_slice %arg2[%dma_start3A_11, %dma_start3A_12] : memref<100000x128xf32, #tpu.memory_space<hbm>> -> memref<100000x128xf32, #tpu.memory_space<hbm>>
    tpu.enqueue_indirect_dma source(%dma_start3A_13 : memref<100000x128xf32, #tpu.memory_space<hbm>>) target(%dma_start3A_10 : memref<16x128xf32, #tpu.memory_space<vmem>>) offsets(%get3A_8 : vector<16xi32>) semaphore(%arg15 : memref<!tpu.dma_semaphore, #tpu.memory_space<semaphore_mem>>)
    %get3A_14 = arith.constant 0 : i32
    %get3A_15 = arith.constant 0 : i32
    %get3A_16 = arith.index_cast %get3A_14 : i32 to index
    %get3A_17 = arith.index_cast %get3A_15 : i32 to index
    %get3A_18 = arith.constant 16 : index
    %get3A_19 = tpu.vector_load %arg6[%get3A_16, %get3A_17, %get3A_18] {strides = array<i32>} : memref<28x4x112xi32, #tpu.memory_space<vmem>>, vector<1x1x16xi32>,
    %get3A_20 = vector.shape_cast %get3A_19 : vector<1x1x16xi32> to vector<16xi32>
    %dma_start3A_21 = arith.constant 16 : i32
    %dma_start3A_22 = arith.constant 0 : i32
    %dma_start3A_23 = tpu.memref_slice %arg7[%dma_start3A_21, %dma_start3A_22] : memref<112x128xf32, #tpu.memory_space<vmem>> -> memref<16x128xf32, #tpu.memory_space<vmem>>
    %dma_start3A_24 = arith.constant 0 : i32
    %dma_start3A_25 = arith.constant 0 : i32
    %dma_start3A_26 = tpu.memref_slice %arg2[%dma_start3A_24, %dma_start3A_25] : memref<100000x128xf32, #tpu.memory_space<hbm>> -> memref<100000x128xf32, #tpu.memory_space<hbm>>
    tpu.enqueue_indirect_dma source(%dma_start3A_26 : memref<100000x128xf32, #tpu.memory_space<hbm>>) target(%dma_start3A_23 : memref<16x128xf32, #tpu.memory_space<vmem>>) offsets(%get3A_20 : vector<16xi32>) semaphore(%arg15 : memref<!tpu.dma_semaphore, #tpu.memory_space<semaphore_mem>>)
    %get3A_27 = arith.constant 0 : i32
    %get3A_28 = arith.constant 0 : i32
    %get3A_29 = arith.index_cast %get3A_27 : i32 to index
    %get3A_30 = arith.index_cast %get3A_28 : i32 to index
    %get3A_31 = arith.constant 32 : index
    %get3A_32 = tpu.vector_load %arg6[%get3A_29, %get3A_30, %get3A_31] {strides = array<i32>} : memref<28x4x112xi32, #tpu.memory_space<vmem>>, vector<1x1x16xi32>,
    %get3A_33 = vector.shape_cast %get3A_32 : vector<1x1x16xi32> to vector<16xi32>
    %dma_start3A_34 = arith.constant 32 : i32
    %dma_start3A_35 = arith.constant 0 : i32
    %dma_start3A_36 = tpu.memref_slice %arg7[%dma_start3A_34, %dma_start3A_35] : memref<112x128xf32, #tpu.memory_space<vmem>> -> memref<16x128xf32, #tpu.memory_space<vmem>>
    %dma_start3A_37 = arith.constant 0 : i32
    %dma_start3A_38 = arith.constant 0 : i32
    %dma_start3A_39 = tpu.memref_slice %arg2[%dma_start3A_37, %dma_start3A_38] : memref<100000x128xf32, #tpu.memory_space<hbm>> -> memref<100000x128xf32, #tpu.memory_space<hbm>>
    tpu.enqueue_indirect_dma source(%dma_start3A_39 : memref<100000x128xf32, #tpu.memory_space<hbm>>) target(%dma_start3A_36 : memref<16x128xf32, #tpu.memory_space<vmem>>) offsets(%get3A_33 : vector<16xi32>) semaphore(%arg15 : memref<!tpu.dma_semaphore, #tpu.memory_space<semaphore_mem>>)
    %get3A_40 = arith.constant 0 : i32
    %get3A_41 = arith.constant 0 : i32
    %get3A_42 = arith.index_cast %get3A_40 : i32 to index
    %get3A_43 = arith.index_cast %get3A_41 : i32 to index
    %get3A_44 = arith.constant 48 : index
    %get3A_45 = tpu.vector_load %arg6[%get3A_42, %get3A_43, %get3A_44] {strides = array<i32>} : memref<28x4x112xi32, #tpu.memory_space<vmem>>, vector<1x1x16xi32>,
    %get3A_46 = vector.shape_cast %get3A_45 : vector<1x1x16xi32> to vector<16xi32>
    %dma_start3A_47 = arith.constant 48 : i32
    %dma_start3A_48 = arith.constant 0 : i32
    %dma_start3A_49 = tpu.memref_slice %arg7[%dma_start3A_47, %dma_start3A_48] : memref<112x128xf32, #tpu.memory_space<vmem>> -> memref<16x128xf32, #tpu.memory_space<vmem>>
    %dma_start3A_50 = arith.constant 0 : i32
    %dma_start3A_51 = arith.constant 0 : i32
    %dma_start3A_52 = tpu.memref_slice %arg2[%dma_start3A_50, %dma_start3A_51] : memref<100000x128xf32, #tpu.memory_space<hbm>> -> memref<100000x128xf32, #tpu.memory_space<hbm>>
    tpu.enqueue_indirect_dma source(%dma_start3A_52 : memref<100000x128xf32, #tpu.memory_space<hbm>>) target(%dma_start3A_49 : memref<16x128xf32, #tpu.memory_space<vmem>>) offsets(%get3A_46 : vector<16xi32>) semaphore(%arg15 : memref<!tpu.dma_semaphore, #tpu.memory_space<semaphore_mem>>)
    %get3A_53 = arith.constant 0 : i32
    %get3A_54 = arith.constant 0 : i32
    %get3A_55 = arith.index_cast %get3A_53 : i32 to index
    %get3A_56 = arith.index_cast %get3A_54 : i32 to index
    %get3A_57 = arith.constant 64 : index
    %get3A_58 = tpu.vector_load %arg6[%get3A_55, %get3A_56, %get3A_57] {strides = array<i32>} : memref<28x4x112xi32, #tpu.memory_space<vmem>>, vector<1x1x16xi32>,
    %get3A_59 = vector.shape_cast %get3A_58 : vector<1x1x16xi32> to vector<16xi32>
    %dma_start3A_60 = arith.constant 64 : i32
    %dma_start3A_61 = arith.constant 0 : i32
    %dma_start3A_62 = tpu.memref_slice %arg7[%dma_start3A_60, %dma_start3A_61] : memref<112x128xf32, #tpu.memory_space<vmem>> -> memref<16x128xf32, #tpu.memory_space<vmem>>
    %dma_start3A_63 = arith.constant 0 : i32
    %dma_start3A_64 = arith.constant 0 : i32
    %dma_start3A_65 = tpu.memref_slice %arg2[%dma_start3A_63, %dma_start3A_64] : memref<100000x128xf32, #tpu.memory_space<hbm>> -> memref<100000x128xf32, #tpu.memory_space<hbm>>
    tpu.enqueue_indirect_dma source(%dma_start3A_65 : memref<100000x128xf32, #tpu.memory_space<hbm>>) target(%dma_start3A_62 : memref<16x128xf32, #tpu.memory_space<vmem>>) offsets(%get3A_59 : vector<16xi32>) semaphore(%arg15 : memref<!tpu.dma_semaphore, #tpu.memory_space<semaphore_mem>>)
    %get3A_66 = arith.constant 0 : i32
    %get3A_67 = arith.constant 0 : i32
    %get3A_68 = arith.index_cast %get3A_66 : i32 to index
    %get3A_69 = arith.index_cast %get3A_67 : i32 to index
    %get3A_70 = arith.constant 80 : index
    %get3A_71 = tpu.vector_load %arg6[%get3A_68, %get3A_69, %get3A_70] {strides = array<i32>} : memref<28x4x112xi32, #tpu.memory_space<vmem>>, vector<1x1x16xi32>,
    %get3A_72 = vector.shape_cast %get3A_71 : vector<1x1x16xi32> to vector<16xi32>
    %dma_start3A_73 = arith.constant 80 : i32
    %dma_start3A_74 = arith.constant 0 : i32
    %dma_start3A_75 = tpu.memref_slice %arg7[%dma_start3A_73, %dma_start3A_74] : memref<112x128xf32, #tpu.memory_space<vmem>> -> memref<16x128xf32, #tpu.memory_space<vmem>>
    %dma_start3A_76 = arith.constant 0 : i32
    %dma_start3A_77 = arith.constant 0 : i32
    %dma_start3A_78 = tpu.memref_slice %arg2[%dma_start3A_76, %dma_start3A_77] : memref<100000x128xf32, #tpu.memory_space<hbm>> -> memref<100000x128xf32, #tpu.memory_space<hbm>>
    tpu.enqueue_indirect_dma source(%dma_start3A_78 : memref<100000x128xf32, #tpu.memory_space<hbm>>) target(%dma_start3A_75 : memref<16x128xf32, #tpu.memory_space<vmem>>) offsets(%get3A_72 : vector<16xi32>) semaphore(%arg15 : memref<!tpu.dma_semaphore, #tpu.memory_space<semaphore_mem>>)
    %get3A_79 = arith.constant 0 : i32
    %get3A_80 = arith.constant 0 : i32
    %get3A_81 = arith.index_cast %get3A_79 : i32 to index
    %get3A_82 = arith.index_cast %get3A_80 : i32 to index
    %get3A_83 = arith.constant 96 : index
    %get3A_84 = tpu.vector_load %arg6[%get3A_81, %get3A_82, %get3A_83] {strides = array<i32>} : memref<28x4x112xi32, #tpu.memory_space<vmem>>, vector<1x1x16xi32>,
    %get3A_85 = vector.shape_cast %get3A_84 : vector<1x1x16xi32> to vector<16xi32>
    %dma_start3A_86 = arith.constant 96 : i32
    %dma_start3A_87 = arith.constant 0 : i32
    %dma_start3A_88 = tpu.memref_slice %arg7[%dma_start3A_86, %dma_start3A_87] : memref<112x128xf32, #tpu.memory_space<vmem>> -> memref<16x128xf32, #tpu.memory_space<vmem>>
    %dma_start3A_89 = arith.constant 0 : i32
    %dma_start3A_90 = arith.constant 0 : i32
    %dma_start3A_91 = tpu.memref_slice %arg2[%dma_start3A_89, %dma_start3A_90] : memref<100000x128xf32, #tpu.memory_space<hbm>> -> memref<100000x128xf32, #tpu.memory_space<hbm>>
    tpu.enqueue_indirect_dma source(%dma_start3A_91 : memref<100000x128xf32, #tpu.memory_space<hbm>>) target(%dma_start3A_88 : memref<16x128xf32, #tpu.memory_space<vmem>>) offsets(%get3A_85 : vector<16xi32>) semaphore(%arg15 : memref<!tpu.dma_semaphore, #tpu.memory_space<semaphore_mem>>)
    %get3A_92 = arith.constant 0 : i32
    %get3A_93 = arith.constant 1 : i32
    %get3A_94 = arith.index_cast %get3A_92 : i32 to index
    %get3A_95 = arith.index_cast %get3A_93 : i32 to index
    %get3A_96 = arith.constant 0 : index
    %get3A_97 = tpu.vector_load %arg6[%get3A_94, %get3A_95, %get3A_96] {strides = array<i32>} : memref<28x4x112xi32, #tpu.memory_space<vmem>>, vector<1x1x16xi32>,
    %get3A_98 = vector.shape_cast %get3A_97 : vector<1x1x16xi32> to vector<16xi32>
    %dma_start3A_99 = arith.constant 0 : i32
    %dma_start3A_100 = arith.constant 0 : i32
    %dma_start3A_101 = tpu.memref_slice %arg8[%dma_start3A_99, %dma_start3A_100] : memref<112x128xf32, #tpu.memory_space<vmem>> -> memref<16x128xf32, #tpu.memory_space<vmem>>
    %dma_start3A_102 = arith.constant 0 : i32
    %dma_start3A_103 = arith.constant 0 : i32
    %dma_start3A_104 = tpu.memref_slice %arg3[%dma_start3A_102, %dma_start3A_103] : memref<100000x128xf32, #tpu.memory_space<hbm>> -> memref<100000x128xf32, #tpu.memory_space<hbm>>
    tpu.enqueue_indirect_dma source(%dma_start3A_104 : memref<100000x128xf32, #tpu.memory_space<hbm>>) target(%dma_start3A_101 : memref<16x128xf32, #tpu.memory_space<vmem>>) offsets(%get3A_98 : vector<16xi32>) semaphore(%arg15 : memref<!tpu.dma_semaphore, #tpu.memory_space<semaphore_mem>>)
    %get3A_105 = arith.constant 0 : i32
    %get3A_106 = arith.constant 1 : i32
    %get3A_107 = arith.index_cast %get3A_105 : i32 to index
    %get3A_108 = arith.index_cast %get3A_106 : i32 to index
    %get3A_109 = arith.constant 16 : index
    %get3A_110 = tpu.vector_load %arg6[%get3A_107, %get3A_108, %get3A_109] {strides = array<i32>} : memref<28x4x112xi32, #tpu.memory_space<vmem>>, vector<1x1x16xi32>,
    %get3A_111 = vector.shape_cast %get3A_110 : vector<1x1x16xi32> to vector<16xi32>
    %dma_start3A_112 = arith.constant 16 : i32
    %dma_start3A_113 = arith.constant 0 : i32
    %dma_start3A_114 = tpu.memref_slice %arg8[%dma_start3A_112, %dma_start3A_113] : memref<112x128xf32, #tpu.memory_space<vmem>> -> memref<16x128xf32, #tpu.memory_space<vmem>>
    %dma_start3A_115 = arith.constant 0 : i32
    %dma_start3A_116 = arith.constant 0 : i32
    %dma_start3A_117 = tpu.memref_slice %arg3[%dma_start3A_115, %dma_start3A_116] : memref<100000x128xf32, #tpu.memory_space<hbm>> -> memref<100000x128xf32, #tpu.memory_space<hbm>>
    tpu.enqueue_indirect_dma source(%dma_start3A_117 : memref<100000x128xf32, #tpu.memory_space<hbm>>) target(%dma_start3A_114 : memref<16x128xf32, #tpu.memory_space<vmem>>) offsets(%get3A_111 : vector<16xi32>) semaphore(%arg15 : memref<!tpu.dma_semaphore, #tpu.memory_space<semaphore_mem>>)
    %get3A_118 = arith.constant 0 : i32
    %get3A_119 = arith.constant 1 : i32
    %get3A_120 = arith.index_cast %get3A_118 : i32 to index
    %get3A_121 = arith.index_cast %get3A_119 : i32 to index
    %get3A_122 = arith.constant 32 : index
    %get3A_123 = tpu.vector_load %arg6[%get3A_120, %get3A_121, %get3A_122] {strides = array<i32>} : memref<28x4x112xi32, #tpu.memory_space<vmem>>, vector<1x1x16xi32>,
    %get3A_124 = vector.shape_cast %get3A_123 : vector<1x1x16xi32> to vector<16xi32>
    %dma_start3A_125 = arith.constant 32 : i32
    %dma_start3A_126 = arith.constant 0 : i32
    %dma_start3A_127 = tpu.memref_slice %arg8[%dma_start3A_125, %dma_start3A_126] : memref<112x128xf32, #tpu.memory_space<vmem>> -> memref<16x128xf32, #tpu.memory_space<vmem>>
    %dma_start3A_128 = arith.constant 0 : i32
    %dma_start3A_129 = arith.constant 0 : i32
    %dma_start3A_130 = tpu.memref_slice %arg3[%dma_start3A_128, %dma_start3A_129] : memref<100000x128xf32, #tpu.memory_space<hbm>> -> memref<100000x128xf32, #tpu.memory_space<hbm>>
    tpu.enqueue_indirect_dma source(%dma_start3A_130 : memref<100000x128xf32, #tpu.memory_space<hbm>>) target(%dma_start3A_127 : memref<16x128xf32, #tpu.memory_space<vmem>>) offsets(%get3A_124 : vector<16xi32>) semaphore(%arg15 : memref<!tpu.dma_semaphore, #tpu.memory_space<semaphore_mem>>)
    %get3A_131 = arith.constant 0 : i32
    %get3A_132 = arith.constant 1 : i32
    %get3A_133 = arith.index_cast %get3A_131 : i32 to index
    %get3A_134 = arith.index_cast %get3A_132 : i32 to index
    %get3A_135 = arith.constant 48 : index
    %get3A_136 = tpu.vector_load %arg6[%get3A_133, %get3A_134, %get3A_135] {strides = array<i32>} : memref<28x4x112xi32, #tpu.memory_space<vmem>>, vector<1x1x16xi32>,
    %get3A_137 = vector.shape_cast %get3A_136 : vector<1x1x16xi32> to vector<16xi32>
    %dma_start3A_138 = arith.constant 48 : i32
    %dma_start3A_139 = arith.constant 0 : i32
    %dma_start3A_140 = tpu.memref_slice %arg8[%dma_start3A_138, %dma_start3A_139] : memref<112x128xf32, #tpu.memory_space<vmem>> -> memref<16x128xf32, #tpu.memory_space<vmem>>
    %dma_start3A_141 = arith.constant 0 : i32
    %dma_start3A_142 = arith.constant 0 : i32
    %dma_start3A_143 = tpu.memref_slice %arg3[%dma_start3A_141, %dma_start3A_142] : memref<100000x128xf32, #tpu.memory_space<hbm>> -> memref<100000x128xf32, #tpu.memory_space<hbm>>
    tpu.enqueue_indirect_dma source(%dma_start3A_143 : memref<100000x128xf32, #tpu.memory_space<hbm>>) target(%dma_start3A_140 : memref<16x128xf32, #tpu.memory_space<vmem>>) offsets(%get3A_137 : vector<16xi32>) semaphore(%arg15 : memref<!tpu.dma_semaphore, #tpu.memory_space<semaphore_mem>>)
    %get3A_144 = arith.constant 0 : i32
    %get3A_145 = arith.constant 1 : i32
    %get3A_146 = arith.index_cast %get3A_144 : i32 to index
    %get3A_147 = arith.index_cast %get3A_145 : i32 to index
    %get3A_148 = arith.constant 64 : index
    %get3A_149 = tpu.vector_load %arg6[%get3A_146, %get3A_147, %get3A_148] {strides = array<i32>} : memref<28x4x112xi32, #tpu.memory_space<vmem>>, vector<1x1x16xi32>,
    %get3A_150 = vector.shape_cast %get3A_149 : vector<1x1x16xi32> to vector<16xi32>
    %dma_start3A_151 = arith.constant 64 : i32
    %dma_start3A_152 = arith.constant 0 : i32
    %dma_start3A_153 = tpu.memref_slice %arg8[%dma_start3A_151, %dma_start3A_152] : memref<112x128xf32, #tpu.memory_space<vmem>> -> memref<16x128xf32, #tpu.memory_space<vmem>>
    %dma_start3A_154 = arith.constant 0 : i32
    %dma_start3A_155 = arith.constant 0 : i32
    %dma_start3A_156 = tpu.memref_slice %arg3[%dma_start3A_154, %dma_start3A_155] : memref<100000x128xf32, #tpu.memory_space<hbm>> -> memref<100000x128xf32, #tpu.memory_space<hbm>>
    tpu.enqueue_indirect_dma source(%dma_start3A_156 : memref<100000x128xf32, #tpu.memory_space<hbm>>) target(%dma_start3A_153 : memref<16x128xf32, #tpu.memory_space<vmem>>) offsets(%get3A_150 : vector<16xi32>) semaphore(%arg15 : memref<!tpu.dma_semaphore, #tpu.memory_space<semaphore_mem>>)
    %get3A_157 = arith.constant 0 : i32
    %get3A_158 = arith.constant 1 : i32
    %get3A_159 = arith.index_cast %get3A_157 : i32 to index
    %get3A_160 = arith.index_cast %get3A_158 : i32 to index
    %get3A_161 = arith.constant 80 : index
    %get3A_162 = tpu.vector_load %arg6[%get3A_159, %get3A_160, %get3A_161] {strides = array<i32>} : memref<28x4x112xi32, #tpu.memory_space<vmem>>, vector<1x1x16xi32>,
    %get3A_163 = vector.shape_cast %get3A_162 : vector<1x1x16xi32> to vector<16xi32>
    %dma_start3A_164 = arith.constant 80 : i32
    %dma_start3A_165 = arith.constant 0 : i32
    %dma_start3A_166 = tpu.memref_slice %arg8[%dma_start3A_164, %dma_start3A_165] : memref<112x128xf32, #tpu.memory_space<vmem>> -> memref<16x128xf32, #tpu.memory_space<vmem>>
    %dma_start3A_167 = arith.constant 0 : i32
    %dma_start3A_168 = arith.constant 0 : i32
    %dma_start3A_169 = tpu.memref_slice %arg3[%dma_start3A_167, %dma_start3A_168] : memref<100000x128xf32, #tpu.memory_space<hbm>> -> memref<100000x128xf32, #tpu.memory_space<hbm>>
    tpu.enqueue_indirect_dma source(%dma_start3A_169 : memref<100000x128xf32, #tpu.memory_space<hbm>>) target(%dma_start3A_166 : memref<16x128xf32, #tpu.memory_space<vmem>>) offsets(%get3A_163 : vector<16xi32>) semaphore(%arg15 : memref<!tpu.dma_semaphore, #tpu.memory_space<semaphore_mem>>)
    %get3A_170 = arith.constant 0 : i32
    %get3A_171 = arith.constant 1 : i32
    %get3A_172 = arith.index_cast %get3A_170 : i32 to index
    %get3A_173 = arith.index_cast %get3A_171 : i32 to index
    %get3A_174 = arith.constant 96 : index
    %get3A_175 = tpu.vector_load %arg6[%get3A_172, %get3A_173, %get3A_174] {strides = array<i32>} : memref<28x4x112xi32, #tpu.memory_space<vmem>>, vector<1x1x16xi32>,
    %get3A_176 = vector.shape_cast %get3A_175 : vector<1x1x16xi32> to vector<16xi32>
    %dma_start3A_177 = arith.constant 96 : i32
    %dma_start3A_178 = arith.constant 0 : i32
    %dma_start3A_179 = tpu.memref_slice %arg8[%dma_start3A_177, %dma_start3A_178] : memref<112x128xf32, #tpu.memory_space<vmem>> -> memref<16x128xf32, #tpu.memory_space<vmem>>
    %dma_start3A_180 = arith.constant 0 : i32
    %dma_start3A_181 = arith.constant 0 : i32
    %dma_start3A_182 = tpu.memref_slice %arg3[%dma_start3A_180, %dma_start3A_181] : memref<100000x128xf32, #tpu.memory_space<hbm>> -> memref<100000x128xf32, #tpu.memory_space<hbm>>
    tpu.enqueue_indirect_dma source(%dma_start3A_182 : memref<100000x128xf32, #tpu.memory_space<hbm>>) target(%dma_start3A_179 : memref<16x128xf32, #tpu.memory_space<vmem>>) offsets(%get3A_176 : vector<16xi32>) semaphore(%arg15 : memref<!tpu.dma_semaphore, #tpu.memory_space<semaphore_mem>>)
    %get3A_183 = arith.constant 0 : i32
    %get3A_184 = arith.constant 2 : i32
    %get3A_185 = arith.index_cast %get3A_183 : i32 to index
    %get3A_186 = arith.index_cast %get3A_184 : i32 to index
    %get3A_187 = arith.constant 0 : index
    %get3A_188 = tpu.vector_load %arg6[%get3A_185, %get3A_186, %get3A_187] {strides = array<i32>} : memref<28x4x112xi32, #tpu.memory_space<vmem>>, vector<1x1x16xi32>,
    %get3A_189 = vector.shape_cast %get3A_188 : vector<1x1x16xi32> to vector<16xi32>
    %dma_start3A_190 = arith.constant 0 : i32
    %dma_start3A_191 = arith.constant 0 : i32
    %dma_start3A_192 = tpu.memref_slice %arg9[%dma_start3A_190, %dma_start3A_191] : memref<112x128xf32, #tpu.memory_space<vmem>> -> memref<16x128xf32, #tpu.memory_space<vmem>>
    %dma_start3A_193 = arith.constant 0 : i32
    %dma_start3A_194 = arith.constant 0 : i32
    %dma_start3A_195 = tpu.memref_slice %arg3[%dma_start3A_193, %dma_start3A_194] : memref<100000x128xf32, #tpu.memory_space<hbm>> -> memref<100000x128xf32, #tpu.memory_space<hbm>>
    tpu.enqueue_indirect_dma source(%dma_start3A_195 : memref<100000x128xf32, #tpu.memory_space<hbm>>) target(%dma_start3A_192 : memref<16x128xf32, #tpu.memory_space<vmem>>) offsets(%get3A_189 : vector<16xi32>) semaphore(%arg15 : memref<!tpu.dma_semaphore, #tpu.memory_space<semaphore_mem>>)
    %get3A_196 = arith.constant 0 : i32
    %get3A_197 = arith.constant 2 : i32
    %get3A_198 = arith.index_cast %get3A_196 : i32 to index
    %get3A_199 = arith.index_cast %get3A_197 : i32 to index
    %get3A_200 = arith.constant 16 : index
    %get3A_201 = tpu.vector_load %arg6[%get3A_198, %get3A_199, %get3A_200] {strides = array<i32>} : memref<28x4x112xi32, #tpu.memory_space<vmem>>, vector<1x1x16xi32>,
    %get3A_202 = vector.shape_cast %get3A_201 : vector<1x1x16xi32> to vector<16xi32>
    %dma_start3A_203 = arith.constant 16 : i32
    %dma_start3A_204 = arith.constant 0 : i32
    %dma_start3A_205 = tpu.memref_slice %arg9[%dma_start3A_203, %dma_start3A_204] : memref<112x128xf32, #tpu.memory_space<vmem>> -> memref<16x128xf32, #tpu.memory_space<vmem>>
    %dma_start3A_206 = arith.constant 0 : i32
    %dma_start3A_207 = arith.constant 0 : i32
    %dma_start3A_208 = tpu.memref_slice %arg3[%dma_start3A_206, %dma_start3A_207] : memref<100000x128xf32, #tpu.memory_space<hbm>> -> memref<100000x128xf32, #tpu.memory_space<hbm>>
    tpu.enqueue_indirect_dma source(%dma_start3A_208 : memref<100000x128xf32, #tpu.memory_space<hbm>>) target(%dma_start3A_205 : memref<16x128xf32, #tpu.memory_space<vmem>>) offsets(%get3A_202 : vector<16xi32>) semaphore(%arg15 : memref<!tpu.dma_semaphore, #tpu.memory_space<semaphore_mem>>)
    %get3A_209 = arith.constant 0 : i32
    %get3A_210 = arith.constant 2 : i32
    %get3A_211 = arith.index_cast %get3A_209 : i32 to index
    %get3A_212 = arith.index_cast %get3A_210 : i32 to index
    %get3A_213 = arith.constant 32 : index
    %get3A_214 = tpu.vector_load %arg6[%get3A_211, %get3A_212, %get3A_213] {strides = array<i32>} : memref<28x4x112xi32, #tpu.memory_space<vmem>>, vector<1x1x16xi32>,
    %get3A_215 = vector.shape_cast %get3A_214 : vector<1x1x16xi32> to vector<16xi32>
    %dma_start3A_216 = arith.constant 32 : i32
    %dma_start3A_217 = arith.constant 0 : i32
    %dma_start3A_218 = tpu.memref_slice %arg9[%dma_start3A_216, %dma_start3A_217] : memref<112x128xf32, #tpu.memory_space<vmem>> -> memref<16x128xf32, #tpu.memory_space<vmem>>
    %dma_start3A_219 = arith.constant 0 : i32
    %dma_start3A_220 = arith.constant 0 : i32
    %dma_start3A_221 = tpu.memref_slice %arg3[%dma_start3A_219, %dma_start3A_220] : memref<100000x128xf32, #tpu.memory_space<hbm>> -> memref<100000x128xf32, #tpu.memory_space<hbm>>
    tpu.enqueue_indirect_dma source(%dma_start3A_221 : memref<100000x128xf32, #tpu.memory_space<hbm>>) target(%dma_start3A_218 : memref<16x128xf32, #tpu.memory_space<vmem>>) offsets(%get3A_215 : vector<16xi32>) semaphore(%arg15 : memref<!tpu.dma_semaphore, #tpu.memory_space<semaphore_mem>>)
    %get3A_222 = arith.constant 0 : i32
    %get3A_223 = arith.constant 2 : i32
    %get3A_224 = arith.index_cast %get3A_222 : i32 to index
    %get3A_225 = arith.index_cast %get3A_223 : i32 to index
    %get3A_226 = arith.constant 48 : index
    %get3A_227 = tpu.vector_load %arg6[%get3A_224, %get3A_225, %get3A_226] {strides = array<i32>} : memref<28x4x112xi32, #tpu.memory_space<vmem>>, vector<1x1x16xi32>,
    %get3A_228 = vector.shape_cast %get3A_227 : vector<1x1x16xi32> to vector<16xi32>
    %dma_start3A_229 = arith.constant 48 : i32
    %dma_start3A_230 = arith.constant 0 : i32
    %dma_start3A_231 = tpu.memref_slice %arg9[%dma_start3A_229, %dma_start3A_230] : memref<112x128xf32, #tpu.memory_space<vmem>> -> memref<16x128xf32, #tpu.memory_space<vmem>>
    %dma_start3A_232 = arith.constant 0 : i32
    %dma_start3A_233 = arith.constant 0 : i32
    %dma_start3A_234 = tpu.memref_slice %arg3[%dma_start3A_232, %dma_start3A_233] : memref<100000x128xf32, #tpu.memory_space<hbm>> -> memref<100000x128xf32, #tpu.memory_space<hbm>>
    tpu.enqueue_indirect_dma source(%dma_start3A_234 : memref<100000x128xf32, #tpu.memory_space<hbm>>) target(%dma_start3A_231 : memref<16x128xf32, #tpu.memory_space<vmem>>) offsets(%get3A_228 : vector<16xi32>) semaphore(%arg15 : memref<!tpu.dma_semaphore, #tpu.memory_space<semaphore_mem>>)
    %get3A_235 = arith.constant 0 : i32
    %get3A_236 = arith.constant 2 : i32
    %get3A_237 = arith.index_cast %get3A_235 : i32 to index
    %get3A_238 = arith.index_cast %get3A_236 : i32 to index
    %get3A_239 = arith.constant 64 : index
    %get3A_240 = tpu.vector_load %arg6[%get3A_237, %get3A_238, %get3A_239] {strides = array<i32>} : memref<28x4x112xi32, #tpu.memory_space<vmem>>, vector<1x1x16xi32>,
    %get3A_241 = vector.shape_cast %get3A_240 : vector<1x1x16xi32> to vector<16xi32>
    %dma_start3A_242 = arith.constant 64 : i32
    %dma_start3A_243 = arith.constant 0 : i32
    %dma_start3A_244 = tpu.memref_slice %arg9[%dma_start3A_242, %dma_start3A_243] : memref<112x128xf32, #tpu.memory_space<vmem>> -> memref<16x128xf32, #tpu.memory_space<vmem>>
    %dma_start3A_245 = arith.constant 0 : i32
    %dma_start3A_246 = arith.constant 0 : i32
    %dma_start3A_247 = tpu.memref_slice %arg3[%dma_start3A_245, %dma_start3A_246] : memref<100000x128xf32, #tpu.memory_space<hbm>> -> memref<100000x128xf32, #tpu.memory_space<hbm>>
    tpu.enqueue_indirect_dma source(%dma_start3A_247 : memref<100000x128xf32, #tpu.memory_space<hbm>>) target(%dma_start3A_244 : memref<16x128xf32, #tpu.memory_space<vmem>>) offsets(%get3A_241 : vector<16xi32>) semaphore(%arg15 : memref<!tpu.dma_semaphore, #tpu.memory_space<semaphore_mem>>)
    %get3A_248 = arith.constant 0 : i32
    %get3A_249 = arith.constant 2 : i32
    %get3A_250 = arith.index_cast %get3A_248 : i32 to index
    %get3A_251 = arith.index_cast %get3A_249 : i32 to index
    %get3A_252 = arith.constant 80 : index
    %get3A_253 = tpu.vector_load %arg6[%get3A_250, %get3A_251, %get3A_252] {strides = array<i32>} : memref<28x4x112xi32, #tpu.memory_space<vmem>>, vector<1x1x16xi32>,
    %get3A_254 = vector.shape_cast %get3A_253 : vector<1x1x16xi32> to vector<16xi32>
    %dma_start3A_255 = arith.constant 80 : i32
    %dma_start3A_256 = arith.constant 0 : i32
    %dma_start3A_257 = tpu.memref_slice %arg9[%dma_start3A_255, %dma_start3A_256] : memref<112x128xf32, #tpu.memory_space<vmem>> -> memref<16x128xf32, #tpu.memory_space<vmem>>
    %dma_start3A_258 = arith.constant 0 : i32
    %dma_start3A_259 = arith.constant 0 : i32
    %dma_start3A_260 = tpu.memref_slice %arg3[%dma_start3A_258, %dma_start3A_259] : memref<100000x128xf32, #tpu.memory_space<hbm>> -> memref<100000x128xf32, #tpu.memory_space<hbm>>
    tpu.enqueue_indirect_dma source(%dma_start3A_260 : memref<100000x128xf32, #tpu.memory_space<hbm>>) target(%dma_start3A_257 : memref<16x128xf32, #tpu.memory_space<vmem>>) offsets(%get3A_254 : vector<16xi32>) semaphore(%arg15 : memref<!tpu.dma_semaphore, #tpu.memory_space<semaphore_mem>>)
    %get3A_261 = arith.constant 0 : i32
    %get3A_262 = arith.constant 2 : i32
    %get3A_263 = arith.index_cast %get3A_261 : i32 to index
    %get3A_264 = arith.index_cast %get3A_262 : i32 to index
    %get3A_265 = arith.constant 96 : index
    %get3A_266 = tpu.vector_load %arg6[%get3A_263, %get3A_264, %get3A_265] {strides = array<i32>} : memref<28x4x112xi32, #tpu.memory_space<vmem>>, vector<1x1x16xi32>,
    %get3A_267 = vector.shape_cast %get3A_266 : vector<1x1x16xi32> to vector<16xi32>
    %dma_start3A_268 = arith.constant 96 : i32
    %dma_start3A_269 = arith.constant 0 : i32
    %dma_start3A_270 = tpu.memref_slice %arg9[%dma_start3A_268, %dma_start3A_269] : memref<112x128xf32, #tpu.memory_space<vmem>> -> memref<16x128xf32, #tpu.memory_space<vmem>>
    %dma_start3A_271 = arith.constant 0 : i32
    %dma_start3A_272 = arith.constant 0 : i32
    %dma_start3A_273 = tpu.memref_slice %arg3[%dma_start3A_271, %dma_start3A_272] : memref<100000x128xf32, #tpu.memory_space<hbm>> -> memref<100000x128xf32, #tpu.memory_space<hbm>>
    tpu.enqueue_indirect_dma source(%dma_start3A_273 : memref<100000x128xf32, #tpu.memory_space<hbm>>) target(%dma_start3A_270 : memref<16x128xf32, #tpu.memory_space<vmem>>) offsets(%get3A_267 : vector<16xi32>) semaphore(%arg15 : memref<!tpu.dma_semaphore, #tpu.memory_space<semaphore_mem>>)
    %get3A_274 = arith.constant 0 : i32
    %get3A_275 = arith.constant 3 : i32
    %get3A_276 = arith.index_cast %get3A_274 : i32 to index
    %get3A_277 = arith.index_cast %get3A_275 : i32 to index
    %get3A_278 = arith.constant 0 : index
    %get3A_279 = tpu.vector_load %arg6[%get3A_276, %get3A_277, %get3A_278] {strides = array<i32>} : memref<28x4x112xi32, #tpu.memory_space<vmem>>, vector<1x1x16xi32>,
    %get3A_280 = vector.shape_cast %get3A_279 : vector<1x1x16xi32> to vector<16xi32>
    %dma_start3A_281 = arith.constant 0 : i32
    %dma_start3A_282 = arith.constant 0 : i32
    %dma_start3A_283 = tpu.memref_slice %arg10[%dma_start3A_281, %dma_start3A_282] : memref<112x128xf32, #tpu.memory_space<vmem>> -> memref<16x128xf32, #tpu.memory_space<vmem>>
    %dma_start3A_284 = arith.constant 0 : i32
    %dma_start3A_285 = arith.constant 0 : i32
    %dma_start3A_286 = tpu.memref_slice %arg3[%dma_start3A_284, %dma_start3A_285] : memref<100000x128xf32, #tpu.memory_space<hbm>> -> memref<100000x128xf32, #tpu.memory_space<hbm>>
    tpu.enqueue_indirect_dma source(%dma_start3A_286 : memref<100000x128xf32, #tpu.memory_space<hbm>>) target(%dma_start3A_283 : memref<16x128xf32, #tpu.memory_space<vmem>>) offsets(%get3A_280 : vector<16xi32>) semaphore(%arg15 : memref<!tpu.dma_semaphore, #tpu.memory_space<semaphore_mem>>)
    %get3A_287 = arith.constant 0 : i32
    %get3A_288 = arith.constant 3 : i32
    %get3A_289 = arith.index_cast %get3A_287 : i32 to index
    %get3A_290 = arith.index_cast %get3A_288 : i32 to index
    %get3A_291 = arith.constant 16 : index
    %get3A_292 = tpu.vector_load %arg6[%get3A_289, %get3A_290, %get3A_291] {strides = array<i32>} : memref<28x4x112xi32, #tpu.memory_space<vmem>>, vector<1x1x16xi32>,
    %get3A_293 = vector.shape_cast %get3A_292 : vector<1x1x16xi32> to vector<16xi32>
    %dma_start3A_294 = arith.constant 16 : i32
    %dma_start3A_295 = arith.constant 0 : i32
    %dma_start3A_296 = tpu.memref_slice %arg10[%dma_start3A_294, %dma_start3A_295] : memref<112x128xf32, #tpu.memory_space<vmem>> -> memref<16x128xf32, #tpu.memory_space<vmem>>
    %dma_start3A_297 = arith.constant 0 : i32
    %dma_start3A_298 = arith.constant 0 : i32
    %dma_start3A_299 = tpu.memref_slice %arg3[%dma_start3A_297, %dma_start3A_298] : memref<100000x128xf32, #tpu.memory_space<hbm>> -> memref<100000x128xf32, #tpu.memory_space<hbm>>
    tpu.enqueue_indirect_dma source(%dma_start3A_299 : memref<100000x128xf32, #tpu.memory_space<hbm>>) target(%dma_start3A_296 : memref<16x128xf32, #tpu.memory_space<vmem>>) offsets(%get3A_293 : vector<16xi32>) semaphore(%arg15 : memref<!tpu.dma_semaphore, #tpu.memory_space<semaphore_mem>>)
    %get3A_300 = arith.constant 0 : i32
    %get3A_301 = arith.constant 3 : i32
    %get3A_302 = arith.index_cast %get3A_300 : i32 to index
    %get3A_303 = arith.index_cast %get3A_301 : i32 to index
    %get3A_304 = arith.constant 32 : index
    %get3A_305 = tpu.vector_load %arg6[%get3A_302, %get3A_303, %get3A_304] {strides = array<i32>} : memref<28x4x112xi32, #tpu.memory_space<vmem>>, vector<1x1x16xi32>,
    %get3A_306 = vector.shape_cast %get3A_305 : vector<1x1x16xi32> to vector<16xi32>
    %dma_start3A_307 = arith.constant 32 : i32
    %dma_start3A_308 = arith.constant 0 : i32
    %dma_start3A_309 = tpu.memref_slice %arg10[%dma_start3A_307, %dma_start3A_308] : memref<112x128xf32, #tpu.memory_space<vmem>> -> memref<16x128xf32, #tpu.memory_space<vmem>>
    %dma_start3A_310 = arith.constant 0 : i32
    %dma_start3A_311 = arith.constant 0 : i32
    %dma_start3A_312 = tpu.memref_slice %arg3[%dma_start3A_310, %dma_start3A_311] : memref<100000x128xf32, #tpu.memory_space<hbm>> -> memref<100000x128xf32, #tpu.memory_space<hbm>>
    tpu.enqueue_indirect_dma source(%dma_start3A_312 : memref<100000x128xf32, #tpu.memory_space<hbm>>) target(%dma_start3A_309 : memref<16x128xf32, #tpu.memory_space<vmem>>) offsets(%get3A_306 : vector<16xi32>) semaphore(%arg15 : memref<!tpu.dma_semaphore, #tpu.memory_space<semaphore_mem>>)
    %get3A_313 = arith.constant 0 : i32
    %get3A_314 = arith.constant 3 : i32
    %get3A_315 = arith.index_cast %get3A_313 : i32 to index
    %get3A_316 = arith.index_cast %get3A_314 : i32 to index
    %get3A_317 = arith.constant 48 : index
    %get3A_318 = tpu.vector_load %arg6[%get3A_315, %get3A_316, %get3A_317] {strides = array<i32>} : memref<28x4x112xi32, #tpu.memory_space<vmem>>, vector<1x1x16xi32>,
    %get3A_319 = vector.shape_cast %get3A_318 : vector<1x1x16xi32> to vector<16xi32>
    %dma_start3A_320 = arith.constant 48 : i32
    %dma_start3A_321 = arith.constant 0 : i32
    %dma_start3A_322 = tpu.memref_slice %arg10[%dma_start3A_320, %dma_start3A_321] : memref<112x128xf32, #tpu.memory_space<vmem>> -> memref<16x128xf32, #tpu.memory_space<vmem>>
    %dma_start3A_323 = arith.constant 0 : i32
    %dma_start3A_324 = arith.constant 0 : i32
    %dma_start3A_325 = tpu.memref_slice %arg3[%dma_start3A_323, %dma_start3A_324] : memref<100000x128xf32, #tpu.memory_space<hbm>> -> memref<100000x128xf32, #tpu.memory_space<hbm>>
    tpu.enqueue_indirect_dma source(%dma_start3A_325 : memref<100000x128xf32, #tpu.memory_space<hbm>>) target(%dma_start3A_322 : memref<16x128xf32, #tpu.memory_space<vmem>>) offsets(%get3A_319 : vector<16xi32>) semaphore(%arg15 : memref<!tpu.dma_semaphore, #tpu.memory_space<semaphore_mem>>)
    %get3A_326 = arith.constant 0 : i32
    %get3A_327 = arith.constant 3 : i32
    %get3A_328 = arith.index_cast %get3A_326 : i32 to index
    %get3A_329 = arith.index_cast %get3A_327 : i32 to index
    %get3A_330 = arith.constant 64 : index
    %get3A_331 = tpu.vector_load %arg6[%get3A_328, %get3A_329, %get3A_330] {strides = array<i32>} : memref<28x4x112xi32, #tpu.memory_space<vmem>>, vector<1x1x16xi32>,
    %get3A_332 = vector.shape_cast %get3A_331 : vector<1x1x16xi32> to vector<16xi32>
    %dma_start3A_333 = arith.constant 64 : i32
    %dma_start3A_334 = arith.constant 0 : i32
    %dma_start3A_335 = tpu.memref_slice %arg10[%dma_start3A_333, %dma_start3A_334] : memref<112x128xf32, #tpu.memory_space<vmem>> -> memref<16x128xf32, #tpu.memory_space<vmem>>
    %dma_start3A_336 = arith.constant 0 : i32
    %dma_start3A_337 = arith.constant 0 : i32
    %dma_start3A_338 = tpu.memref_slice %arg3[%dma_start3A_336, %dma_start3A_337] : memref<100000x128xf32, #tpu.memory_space<hbm>> -> memref<100000x128xf32, #tpu.memory_space<hbm>>
    tpu.enqueue_indirect_dma source(%dma_start3A_338 : memref<100000x128xf32, #tpu.memory_space<hbm>>) target(%dma_start3A_335 : memref<16x128xf32, #tpu.memory_space<vmem>>) offsets(%get3A_332 : vector<16xi32>) semaphore(%arg15 : memref<!tpu.dma_semaphore, #tpu.memory_space<semaphore_mem>>)
    %get3A_339 = arith.constant 0 : i32
    %get3A_340 = arith.constant 3 : i32
    %get3A_341 = arith.index_cast %get3A_339 : i32 to index
    %get3A_342 = arith.index_cast %get3A_340 : i32 to index
    %get3A_343 = arith.constant 80 : index
    %get3A_344 = tpu.vector_load %arg6[%get3A_341, %get3A_342, %get3A_343] {strides = array<i32>} : memref<28x4x112xi32, #tpu.memory_space<vmem>>, vector<1x1x16xi32>,
    %get3A_345 = vector.shape_cast %get3A_344 : vector<1x1x16xi32> to vector<16xi32>
    %dma_start3A_346 = arith.constant 80 : i32
    %dma_start3A_347 = arith.constant 0 : i32
    %dma_start3A_348 = tpu.memref_slice %arg10[%dma_start3A_346, %dma_start3A_347] : memref<112x128xf32, #tpu.memory_space<vmem>> -> memref<16x128xf32, #tpu.memory_space<vmem>>
    %dma_start3A_349 = arith.constant 0 : i32
    %dma_start3A_350 = arith.constant 0 : i32
    %dma_start3A_351 = tpu.memref_slice %arg3[%dma_start3A_349, %dma_start3A_350] : memref<100000x128xf32, #tpu.memory_space<hbm>> -> memref<100000x128xf32, #tpu.memory_space<hbm>>
    tpu.enqueue_indirect_dma source(%dma_start3A_351 : memref<100000x128xf32, #tpu.memory_space<hbm>>) target(%dma_start3A_348 : memref<16x128xf32, #tpu.memory_space<vmem>>) offsets(%get3A_345 : vector<16xi32>) semaphore(%arg15 : memref<!tpu.dma_semaphore, #tpu.memory_space<semaphore_mem>>)
    %get3A_352 = arith.constant 0 : i32
    %get3A_353 = arith.constant 3 : i32
    %get3A_354 = arith.index_cast %get3A_352 : i32 to index
    %get3A_355 = arith.index_cast %get3A_353 : i32 to index
    %get3A_356 = arith.constant 96 : index
    %get3A_357 = tpu.vector_load %arg6[%get3A_354, %get3A_355, %get3A_356] {strides = array<i32>} : memref<28x4x112xi32, #tpu.memory_space<vmem>>, vector<1x1x16xi32>,
    %get3A_358 = vector.shape_cast %get3A_357 : vector<1x1x16xi32> to vector<16xi32>
    %dma_start3A_359 = arith.constant 96 : i32
    %dma_start3A_360 = arith.constant 0 : i32
    %dma_start3A_361 = tpu.memref_slice %arg10[%dma_start3A_359, %dma_start3A_360] : memref<112x128xf32, #tpu.memory_space<vmem>> -> memref<16x128xf32, #tpu.memory_space<vmem>>
    %dma_start3A_362 = arith.constant 0 : i32
    %dma_start3A_363 = arith.constant 0 : i32
    %dma_start3A_364 = tpu.memref_slice %arg3[%dma_start3A_362, %dma_start3A_363] : memref<100000x128xf32, #tpu.memory_space<hbm>> -> memref<100000x128xf32, #tpu.memory_space<hbm>>
    tpu.enqueue_indirect_dma source(%dma_start3A_364 : memref<100000x128xf32, #tpu.memory_space<hbm>>) target(%dma_start3A_361 : memref<16x128xf32, #tpu.memory_space<vmem>>) offsets(%get3A_358 : vector<16xi32>) semaphore(%arg15 : memref<!tpu.dma_semaphore, #tpu.memory_space<semaphore_mem>>)
    %scan3A = arith.constant 0 : i32
    %scan3A_365 = arith.constant 0 : i32
    %scan3A_366 = arith.constant 14 : i32
    %scan3A_367 = arith.addi %scan3A_365, %scan3A_366 : i32
    %scan3A_368 = arith.constant 1 : i32
    scf.for %scan3A_381 = %scan3A_365 to %scan3A_367 step %scan3A_368  : i32 {
      %mul3A_382 = arith.constant 2 : i32
      %mul3A_383 = arith.muli %scan3A_381, %mul3A_382 : i32
      %add3A_384 = arith.constant 0 : i32
      %add3A_385 = arith.addi %mul3A_383, %add3A_384 : i32
      %add3A_386 = arith.constant 1 : i32
      %add3A_387 = arith.addi %add3A_385, %add3A_386 : i32
      %lt3A = arith.constant 28 : i32
      %lt3A_388 = arith.cmpi slt, %add3A_387, %lt3A : i32
      %convert_element_type3A = arith.extui %lt3A_388 : i1 to i32
      %cond3A = arith.constant 0 : i32
      %cond3A_389 = arith.cmpi ne, %convert_element_type3A, %cond3A : i32
      scf.if %cond3A_389 {
        %ge3A = arith.constant 1 : i32
        %ge3A_475 = arith.cmpi sge, %add3A_385, %ge3A : i32
        %convert_element_type3A_476 = arith.extui %ge3A_475 : i1 to i32
        %cond3A_477 = arith.constant 0 : i32
        %cond3A_478 = arith.cmpi ne, %convert_element_type3A_476, %cond3A_477 : i32
        scf.if %cond3A_478 {
          %dma_wait3A_817 = arith.constant 0 : i32
          %dma_wait3A_818 = arith.constant 0 : i32
          %dma_wait3A_819 = tpu.memref_slice %arg2[%dma_wait3A_817, %dma_wait3A_818] : memref<100000x128xf32, #tpu.memory_space<hbm>> -> memref<112x128xf32, #tpu.memory_space<hbm>>
          %dma_wait3A_820 = arith.constant 0 : i32
          %dma_wait3A_821 = arith.constant 0 : i32
          %dma_wait3A_822 = tpu.memref_slice %arg2[%dma_wait3A_820, %dma_wait3A_821] : memref<100000x128xf32, #tpu.memory_space<hbm>> -> memref<112x128xf32, #tpu.memory_space<hbm>>
          tpu.wait_dma2 semaphore(%arg18 : memref<!tpu.dma_semaphore, #tpu.memory_space<semaphore_mem>>) src(%dma_wait3A_822 : memref<112x128xf32, #tpu.memory_space<hbm>>) dst(%arg11 : memref<112x128xf32, #tpu.memory_space<vmem>>)
        } else {
        }
        %add3A_479 = arith.constant 1 : i32
        %add3A_480 = arith.addi %add3A_385, %add3A_479 : i32
        %get3A_481 = arith.constant 0 : i32
        %get3A_482 = arith.index_cast %add3A_480 : i32 to index
        %get3A_483 = arith.index_cast %get3A_481 : i32 to index
        %get3A_484 = arith.constant 0 : index
        %get3A_485 = tpu.vector_load %arg6[%get3A_482, %get3A_483, %get3A_484] {strides = array<i32>} : memref<28x4x112xi32, #tpu.memory_space<vmem>>, vector<1x1x16xi32>,
        %get3A_486 = vector.shape_cast %get3A_485 : vector<1x1x16xi32> to vector<16xi32>
        %dma_start3A_487 = arith.constant 0 : i32
        %dma_start3A_488 = arith.constant 0 : i32
        %dma_start3A_489 = tpu.memref_slice %arg11[%dma_start3A_487, %dma_start3A_488] : memref<112x128xf32, #tpu.memory_space<vmem>> -> memref<16x128xf32, #tpu.memory_space<vmem>>
        %dma_start3A_490 = arith.constant 0 : i32
        %dma_start3A_491 = arith.constant 0 : i32
        %dma_start3A_492 = tpu.memref_slice %arg2[%dma_start3A_490, %dma_start3A_491] : memref<100000x128xf32, #tpu.memory_space<hbm>> -> memref<100000x128xf32, #tpu.memory_space<hbm>>
        tpu.enqueue_indirect_dma source(%dma_start3A_492 : memref<100000x128xf32, #tpu.memory_space<hbm>>) target(%dma_start3A_489 : memref<16x128xf32, #tpu.memory_space<vmem>>) offsets(%get3A_486 : vector<16xi32>) semaphore(%arg16 : memref<!tpu.dma_semaphore, #tpu.memory_space<semaphore_mem>>)
        %get3A_493 = arith.constant 0 : i32
        %get3A_494 = arith.index_cast %add3A_480 : i32 to index
        %get3A_495 = arith.index_cast %get3A_493 : i32 to index
        %get3A_496 = arith.constant 16 : index
        %get3A_497 = tpu.vector_load %arg6[%get3A_494, %get3A_495, %get3A_496] {strides = array<i32>} : memref<28x4x112xi32, #tpu.memory_space<vmem>>, vector<1x1x16xi32>,
        %get3A_498 = vector.shape_cast %get3A_497 : vector<1x1x16xi32> to vector<16xi32>
        %dma_start3A_499 = arith.constant 16 : i32
        %dma_start3A_500 = arith.constant 0 : i32
        %dma_start3A_501 = tpu.memref_slice %arg11[%dma_start3A_499, %dma_start3A_500] : memref<112x128xf32, #tpu.memory_space<vmem>> -> memref<16x128xf32, #tpu.memory_space<vmem>>
        %dma_start3A_502 = arith.constant 0 : i32
        %dma_start3A_503 = arith.constant 0 : i32
        %dma_start3A_504 = tpu.memref_slice %arg2[%dma_start3A_502, %dma_start3A_503] : memref<100000x128xf32, #tpu.memory_space<hbm>> -> memref<100000x128xf32, #tpu.memory_space<hbm>>
        tpu.enqueue_indirect_dma source(%dma_start3A_504 : memref<100000x128xf32, #tpu.memory_space<hbm>>) target(%dma_start3A_501 : memref<16x128xf32, #tpu.memory_space<vmem>>) offsets(%get3A_498 : vector<16xi32>) semaphore(%arg16 : memref<!tpu.dma_semaphore, #tpu.memory_space<semaphore_mem>>)
        %get3A_505 = arith.constant 0 : i32
        %get3A_506 = arith.index_cast %add3A_480 : i32 to index
        %get3A_507 = arith.index_cast %get3A_505 : i32 to index
        %get3A_508 = arith.constant 32 : index
        %get3A_509 = tpu.vector_load %arg6[%get3A_506, %get3A_507, %get3A_508] {strides = array<i32>} : memref<28x4x112xi32, #tpu.memory_space<vmem>>, vector<1x1x16xi32>,
        %get3A_510 = vector.shape_cast %get3A_509 : vector<1x1x16xi32> to vector<16xi32>
        %dma_start3A_511 = arith.constant 32 : i32
        %dma_start3A_512 = arith.constant 0 : i32
        %dma_start3A_513 = tpu.memref_slice %arg11[%dma_start3A_511, %dma_start3A_512] : memref<112x128xf32, #tpu.memory_space<vmem>> -> memref<16x128xf32, #tpu.memory_space<vmem>>
        %dma_start3A_514 = arith.constant 0 : i32
        %dma_start3A_515 = arith.constant 0 : i32
        %dma_start3A_516 = tpu.memref_slice %arg2[%dma_start3A_514, %dma_start3A_515] : memref<100000x128xf32, #tpu.memory_space<hbm>> -> memref<100000x128xf32, #tpu.memory_space<hbm>>
        tpu.enqueue_indirect_dma source(%dma_start3A_516 : memref<100000x128xf32, #tpu.memory_space<hbm>>) target(%dma_start3A_513 : memref<16x128xf32, #tpu.memory_space<vmem>>) offsets(%get3A_510 : vector<16xi32>) semaphore(%arg16 : memref<!tpu.dma_semaphore, #tpu.memory_space<semaphore_mem>>)
        %get3A_517 = arith.constant 0 : i32
        %get3A_518 = arith.index_cast %add3A_480 : i32 to index
        %get3A_519 = arith.index_cast %get3A_517 : i32 to index
        %get3A_520 = arith.constant 48 : index
        %get3A_521 = tpu.vector_load %arg6[%get3A_518, %get3A_519, %get3A_520] {strides = array<i32>} : memref<28x4x112xi32, #tpu.memory_space<vmem>>, vector<1x1x16xi32>,
        %get3A_522 = vector.shape_cast %get3A_521 : vector<1x1x16xi32> to vector<16xi32>
        %dma_start3A_523 = arith.constant 48 : i32
        %dma_start3A_524 = arith.constant 0 : i32
        %dma_start3A_525 = tpu.memref_slice %arg11[%dma_start3A_523, %dma_start3A_524] : memref<112x128xf32, #tpu.memory_space<vmem>> -> memref<16x128xf32, #tpu.memory_space<vmem>>
        %dma_start3A_526 = arith.constant 0 : i32
        %dma_start3A_527 = arith.constant 0 : i32
        %dma_start3A_528 = tpu.memref_slice %arg2[%dma_start3A_526, %dma_start3A_527] : memref<100000x128xf32, #tpu.memory_space<hbm>> -> memref<100000x128xf32, #tpu.memory_space<hbm>>
        tpu.enqueue_indirect_dma source(%dma_start3A_528 : memref<100000x128xf32, #tpu.memory_space<hbm>>) target(%dma_start3A_525 : memref<16x128xf32, #tpu.memory_space<vmem>>) offsets(%get3A_522 : vector<16xi32>) semaphore(%arg16 : memref<!tpu.dma_semaphore, #tpu.memory_space<semaphore_mem>>)
        %get3A_529 = arith.constant 0 : i32
        %get3A_530 = arith.index_cast %add3A_480 : i32 to index
        %get3A_531 = arith.index_cast %get3A_529 : i32 to index
        %get3A_532 = arith.constant 64 : index
        %get3A_533 = tpu.vector_load %arg6[%get3A_530, %get3A_531, %get3A_532] {strides = array<i32>} : memref<28x4x112xi32, #tpu.memory_space<vmem>>, vector<1x1x16xi32>,
        %get3A_534 = vector.shape_cast %get3A_533 : vector<1x1x16xi32> to vector<16xi32>
        %dma_start3A_535 = arith.constant 64 : i32
        %dma_start3A_536 = arith.constant 0 : i32
        %dma_start3A_537 = tpu.memref_slice %arg11[%dma_start3A_535, %dma_start3A_536] : memref<112x128xf32, #tpu.memory_space<vmem>> -> memref<16x128xf32, #tpu.memory_space<vmem>>
        %dma_start3A_538 = arith.constant 0 : i32
        %dma_start3A_539 = arith.constant 0 : i32
        %dma_start3A_540 = tpu.memref_slice %arg2[%dma_start3A_538, %dma_start3A_539] : memref<100000x128xf32, #tpu.memory_space<hbm>> -> memref<100000x128xf32, #tpu.memory_space<hbm>>
        tpu.enqueue_indirect_dma source(%dma_start3A_540 : memref<100000x128xf32, #tpu.memory_space<hbm>>) target(%dma_start3A_537 : memref<16x128xf32, #tpu.memory_space<vmem>>) offsets(%get3A_534 : vector<16xi32>) semaphore(%arg16 : memref<!tpu.dma_semaphore, #tpu.memory_space<semaphore_mem>>)
        %get3A_541 = arith.constant 0 : i32
        %get3A_542 = arith.index_cast %add3A_480 : i32 to index
        %get3A_543 = arith.index_cast %get3A_541 : i32 to index
        %get3A_544 = arith.constant 80 : index
        %get3A_545 = tpu.vector_load %arg6[%get3A_542, %get3A_543, %get3A_544] {strides = array<i32>} : memref<28x4x112xi32, #tpu.memory_space<vmem>>, vector<1x1x16xi32>,
        %get3A_546 = vector.shape_cast %get3A_545 : vector<1x1x16xi32> to vector<16xi32>
        %dma_start3A_547 = arith.constant 80 : i32
        %dma_start3A_548 = arith.constant 0 : i32
        %dma_start3A_549 = tpu.memref_slice %arg11[%dma_start3A_547, %dma_start3A_548] : memref<112x128xf32, #tpu.memory_space<vmem>> -> memref<16x128xf32, #tpu.memory_space<vmem>>
        %dma_start3A_550 = arith.constant 0 : i32
        %dma_start3A_551 = arith.constant 0 : i32
        %dma_start3A_552 = tpu.memref_slice %arg2[%dma_start3A_550, %dma_start3A_551] : memref<100000x128xf32, #tpu.memory_space<hbm>> -> memref<100000x128xf32, #tpu.memory_space<hbm>>
        tpu.enqueue_indirect_dma source(%dma_start3A_552 : memref<100000x128xf32, #tpu.memory_space<hbm>>) target(%dma_start3A_549 : memref<16x128xf32, #tpu.memory_space<vmem>>) offsets(%get3A_546 : vector<16xi32>) semaphore(%arg16 : memref<!tpu.dma_semaphore, #tpu.memory_space<semaphore_mem>>)
        %get3A_553 = arith.constant 0 : i32
        %get3A_554 = arith.index_cast %add3A_480 : i32 to index
        %get3A_555 = arith.index_cast %get3A_553 : i32 to index
        %get3A_556 = arith.constant 96 : index
        %get3A_557 = tpu.vector_load %arg6[%get3A_554, %get3A_555, %get3A_556] {strides = array<i32>} : memref<28x4x112xi32, #tpu.memory_space<vmem>>, vector<1x1x16xi32>,
        %get3A_558 = vector.shape_cast %get3A_557 : vector<1x1x16xi32> to vector<16xi32>
        %dma_start3A_559 = arith.constant 96 : i32
        %dma_start3A_560 = arith.constant 0 : i32
        %dma_start3A_561 = tpu.memref_slice %arg11[%dma_start3A_559, %dma_start3A_560] : memref<112x128xf32, #tpu.memory_space<vmem>> -> memref<16x128xf32, #tpu.memory_space<vmem>>
        %dma_start3A_562 = arith.constant 0 : i32
        %dma_start3A_563 = arith.constant 0 : i32
        %dma_start3A_564 = tpu.memref_slice %arg2[%dma_start3A_562, %dma_start3A_563] : memref<100000x128xf32, #tpu.memory_space<hbm>> -> memref<100000x128xf32, #tpu.memory_space<hbm>>
        tpu.enqueue_indirect_dma source(%dma_start3A_564 : memref<100000x128xf32, #tpu.memory_space<hbm>>) target(%dma_start3A_561 : memref<16x128xf32, #tpu.memory_space<vmem>>) offsets(%get3A_558 : vector<16xi32>) semaphore(%arg16 : memref<!tpu.dma_semaphore, #tpu.memory_space<semaphore_mem>>)
        %get3A_565 = arith.constant 1 : i32
        %get3A_566 = arith.index_cast %add3A_480 : i32 to index
        %get3A_567 = arith.index_cast %get3A_565 : i32 to index
        %get3A_568 = arith.constant 0 : index
        %get3A_569 = tpu.vector_load %arg6[%get3A_566, %get3A_567, %get3A_568] {strides = array<i32>} : memref<28x4x112xi32, #tpu.memory_space<vmem>>, vector<1x1x16xi32>,
        %get3A_570 = vector.shape_cast %get3A_569 : vector<1x1x16xi32> to vector<16xi32>
        %dma_start3A_571 = arith.constant 0 : i32
        %dma_start3A_572 = arith.constant 0 : i32
        %dma_start3A_573 = tpu.memref_slice %arg12[%dma_start3A_571, %dma_start3A_572] : memref<112x128xf32, #tpu.memory_space<vmem>> -> memref<16x128xf32, #tpu.memory_space<vmem>>
        %dma_start3A_574 = arith.constant 0 : i32
        %dma_start3A_575 = arith.constant 0 : i32
        %dma_start3A_576 = tpu.memref_slice %arg3[%dma_start3A_574, %dma_start3A_575] : memref<100000x128xf32, #tpu.memory_space<hbm>> -> memref<100000x128xf32, #tpu.memory_space<hbm>>
        tpu.enqueue_indirect_dma source(%dma_start3A_576 : memref<100000x128xf32, #tpu.memory_space<hbm>>) target(%dma_start3A_573 : memref<16x128xf32, #tpu.memory_space<vmem>>) offsets(%get3A_570 : vector<16xi32>) semaphore(%arg16 : memref<!tpu.dma_semaphore, #tpu.memory_space<semaphore_mem>>)
        %get3A_577 = arith.constant 1 : i32
        %get3A_578 = arith.index_cast %add3A_480 : i32 to index
        %get3A_579 = arith.index_cast %get3A_577 : i32 to index
        %get3A_580 = arith.constant 16 : index
        %get3A_581 = tpu.vector_load %arg6[%get3A_578, %get3A_579, %get3A_580] {strides = array<i32>} : memref<28x4x112xi32, #tpu.memory_space<vmem>>, vector<1x1x16xi32>,
        %get3A_582 = vector.shape_cast %get3A_581 : vector<1x1x16xi32> to vector<16xi32>
        %dma_start3A_583 = arith.constant 16 : i32
        %dma_start3A_584 = arith.constant 0 : i32
        %dma_start3A_585 = tpu.memref_slice %arg12[%dma_start3A_583, %dma_start3A_584] : memref<112x128xf32, #tpu.memory_space<vmem>> -> memref<16x128xf32, #tpu.memory_space<vmem>>
        %dma_start3A_586 = arith.constant 0 : i32
        %dma_start3A_587 = arith.constant 0 : i32
        %dma_start3A_588 = tpu.memref_slice %arg3[%dma_start3A_586, %dma_start3A_587] : memref<100000x128xf32, #tpu.memory_space<hbm>> -> memref<100000x128xf32, #tpu.memory_space<hbm>>
        tpu.enqueue_indirect_dma source(%dma_start3A_588 : memref<100000x128xf32, #tpu.memory_space<hbm>>) target(%dma_start3A_585 : memref<16x128xf32, #tpu.memory_space<vmem>>) offsets(%get3A_582 : vector<16xi32>) semaphore(%arg16 : memref<!tpu.dma_semaphore, #tpu.memory_space<semaphore_mem>>)
        %get3A_589 = arith.constant 1 : i32
        %get3A_590 = arith.index_cast %add3A_480 : i32 to index
        %get3A_591 = arith.index_cast %get3A_589 : i32 to index
        %get3A_592 = arith.constant 32 : index
        %get3A_593 = tpu.vector_load %arg6[%get3A_590, %get3A_591, %get3A_592] {strides = array<i32>} : memref<28x4x112xi32, #tpu.memory_space<vmem>>, vector<1x1x16xi32>,
        %get3A_594 = vector.shape_cast %get3A_593 : vector<1x1x16xi32> to vector<16xi32>
        %dma_start3A_595 = arith.constant 32 : i32
        %dma_start3A_596 = arith.constant 0 : i32
        %dma_start3A_597 = tpu.memref_slice %arg12[%dma_start3A_595, %dma_start3A_596] : memref<112x128xf32, #tpu.memory_space<vmem>> -> memref<16x128xf32, #tpu.memory_space<vmem>>
        %dma_start3A_598 = arith.constant 0 : i32
        %dma_start3A_599 = arith.constant 0 : i32
        %dma_start3A_600 = tpu.memref_slice %arg3[%dma_start3A_598, %dma_start3A_599] : memref<100000x128xf32, #tpu.memory_space<hbm>> -> memref<100000x128xf32, #tpu.memory_space<hbm>>
        tpu.enqueue_indirect_dma source(%dma_start3A_600 : memref<100000x128xf32, #tpu.memory_space<hbm>>) target(%dma_start3A_597 : memref<16x128xf32, #tpu.memory_space<vmem>>) offsets(%get3A_594 : vector<16xi32>) semaphore(%arg16 : memref<!tpu.dma_semaphore, #tpu.memory_space<semaphore_mem>>)
        %get3A_601 = arith.constant 1 : i32
        %get3A_602 = arith.index_cast %add3A_480 : i32 to index
        %get3A_603 = arith.index_cast %get3A_601 : i32 to index
        %get3A_604 = arith.constant 48 : index
        %get3A_605 = tpu.vector_load %arg6[%get3A_602, %get3A_603, %get3A_604] {strides = array<i32>} : memref<28x4x112xi32, #tpu.memory_space<vmem>>, vector<1x1x16xi32>,
        %get3A_606 = vector.shape_cast %get3A_605 : vector<1x1x16xi32> to vector<16xi32>
        %dma_start3A_607 = arith.constant 48 : i32
        %dma_start3A_608 = arith.constant 0 : i32
        %dma_start3A_609 = tpu.memref_slice %arg12[%dma_start3A_607, %dma_start3A_608] : memref<112x128xf32, #tpu.memory_space<vmem>> -> memref<16x128xf32, #tpu.memory_space<vmem>>
        %dma_start3A_610 = arith.constant 0 : i32
        %dma_start3A_611 = arith.constant 0 : i32
        %dma_start3A_612 = tpu.memref_slice %arg3[%dma_start3A_610, %dma_start3A_611] : memref<100000x128xf32, #tpu.memory_space<hbm>> -> memref<100000x128xf32, #tpu.memory_space<hbm>>
        tpu.enqueue_indirect_dma source(%dma_start3A_612 : memref<100000x128xf32, #tpu.memory_space<hbm>>) target(%dma_start3A_609 : memref<16x128xf32, #tpu.memory_space<vmem>>) offsets(%get3A_606 : vector<16xi32>) semaphore(%arg16 : memref<!tpu.dma_semaphore, #tpu.memory_space<semaphore_mem>>)
        %get3A_613 = arith.constant 1 : i32
        %get3A_614 = arith.index_cast %add3A_480 : i32 to index
        %get3A_615 = arith.index_cast %get3A_613 : i32 to index
        %get3A_616 = arith.constant 64 : index
        %get3A_617 = tpu.vector_load %arg6[%get3A_614, %get3A_615, %get3A_616] {strides = array<i32>} : memref<28x4x112xi32, #tpu.memory_space<vmem>>, vector<1x1x16xi32>,
        %get3A_618 = vector.shape_cast %get3A_617 : vector<1x1x16xi32> to vector<16xi32>
        %dma_start3A_619 = arith.constant 64 : i32
        %dma_start3A_620 = arith.constant 0 : i32
        %dma_start3A_621 = tpu.memref_slice %arg12[%dma_start3A_619, %dma_start3A_620] : memref<112x128xf32, #tpu.memory_space<vmem>> -> memref<16x128xf32, #tpu.memory_space<vmem>>
        %dma_start3A_622 = arith.constant 0 : i32
        %dma_start3A_623 = arith.constant 0 : i32
        %dma_start3A_624 = tpu.memref_slice %arg3[%dma_start3A_622, %dma_start3A_623] : memref<100000x128xf32, #tpu.memory_space<hbm>> -> memref<100000x128xf32, #tpu.memory_space<hbm>>
        tpu.enqueue_indirect_dma source(%dma_start3A_624 : memref<100000x128xf32, #tpu.memory_space<hbm>>) target(%dma_start3A_621 : memref<16x128xf32, #tpu.memory_space<vmem>>) offsets(%get3A_618 : vector<16xi32>) semaphore(%arg16 : memref<!tpu.dma_semaphore, #tpu.memory_space<semaphore_mem>>)
        %get3A_625 = arith.constant 1 : i32
        %get3A_626 = arith.index_cast %add3A_480 : i32 to index
        %get3A_627 = arith.index_cast %get3A_625 : i32 to index
        %get3A_628 = arith.constant 80 : index
        %get3A_629 = tpu.vector_load %arg6[%get3A_626, %get3A_627, %get3A_628] {strides = array<i32>} : memref<28x4x112xi32, #tpu.memory_space<vmem>>, vector<1x1x16xi32>,
        %get3A_630 = vector.shape_cast %get3A_629 : vector<1x1x16xi32> to vector<16xi32>
        %dma_start3A_631 = arith.constant 80 : i32
        %dma_start3A_632 = arith.constant 0 : i32
        %dma_start3A_633 = tpu.memref_slice %arg12[%dma_start3A_631, %dma_start3A_632] : memref<112x128xf32, #tpu.memory_space<vmem>> -> memref<16x128xf32, #tpu.memory_space<vmem>>
        %dma_start3A_634 = arith.constant 0 : i32
        %dma_start3A_635 = arith.constant 0 : i32
        %dma_start3A_636 = tpu.memref_slice %arg3[%dma_start3A_634, %dma_start3A_635] : memref<100000x128xf32, #tpu.memory_space<hbm>> -> memref<100000x128xf32, #tpu.memory_space<hbm>>
        tpu.enqueue_indirect_dma source(%dma_start3A_636 : memref<100000x128xf32, #tpu.memory_space<hbm>>) target(%dma_start3A_633 : memref<16x128xf32, #tpu.memory_space<vmem>>) offsets(%get3A_630 : vector<16xi32>) semaphore(%arg16 : memref<!tpu.dma_semaphore, #tpu.memory_space<semaphore_mem>>)
        %get3A_637 = arith.constant 1 : i32
        %get3A_638 = arith.index_cast %add3A_480 : i32 to index
        %get3A_639 = arith.index_cast %get3A_637 : i32 to index
        %get3A_640 = arith.constant 96 : index
        %get3A_641 = tpu.vector_load %arg6[%get3A_638, %get3A_639, %get3A_640] {strides = array<i32>} : memref<28x4x112xi32, #tpu.memory_space<vmem>>, vector<1x1x16xi32>,
        %get3A_642 = vector.shape_cast %get3A_641 : vector<1x1x16xi32> to vector<16xi32>
        %dma_start3A_643 = arith.constant 96 : i32
        %dma_start3A_644 = arith.constant 0 : i32
        %dma_start3A_645 = tpu.memref_slice %arg12[%dma_start3A_643, %dma_start3A_644] : memref<112x128xf32, #tpu.memory_space<vmem>> -> memref<16x128xf32, #tpu.memory_space<vmem>>
        %dma_start3A_646 = arith.constant 0 : i32
        %dma_start3A_647 = arith.constant 0 : i32
        %dma_start3A_648 = tpu.memref_slice %arg3[%dma_start3A_646, %dma_start3A_647] : memref<100000x128xf32, #tpu.memory_space<hbm>> -> memref<100000x128xf32, #tpu.memory_space<hbm>>
        tpu.enqueue_indirect_dma source(%dma_start3A_648 : memref<100000x128xf32, #tpu.memory_space<hbm>>) target(%dma_start3A_645 : memref<16x128xf32, #tpu.memory_space<vmem>>) offsets(%get3A_642 : vector<16xi32>) semaphore(%arg16 : memref<!tpu.dma_semaphore, #tpu.memory_space<semaphore_mem>>)
        %get3A_649 = arith.constant 2 : i32
        %get3A_650 = arith.index_cast %add3A_480 : i32 to index
        %get3A_651 = arith.index_cast %get3A_649 : i32 to index
        %get3A_652 = arith.constant 0 : index
        %get3A_653 = tpu.vector_load %arg6[%get3A_650, %get3A_651, %get3A_652] {strides = array<i32>} : memref<28x4x112xi32, #tpu.memory_space<vmem>>, vector<1x1x16xi32>,
        %get3A_654 = vector.shape_cast %get3A_653 : vector<1x1x16xi32> to vector<16xi32>
        %dma_start3A_655 = arith.constant 0 : i32
        %dma_start3A_656 = arith.constant 0 : i32
        %dma_start3A_657 = tpu.memref_slice %arg13[%dma_start3A_655, %dma_start3A_656] : memref<112x128xf32, #tpu.memory_space<vmem>> -> memref<16x128xf32, #tpu.memory_space<vmem>>
        %dma_start3A_658 = arith.constant 0 : i32
        %dma_start3A_659 = arith.constant 0 : i32
        %dma_start3A_660 = tpu.memref_slice %arg3[%dma_start3A_658, %dma_start3A_659] : memref<100000x128xf32, #tpu.memory_space<hbm>> -> memref<100000x128xf32, #tpu.memory_space<hbm>>
        tpu.enqueue_indirect_dma source(%dma_start3A_660 : memref<100000x128xf32, #tpu.memory_space<hbm>>) target(%dma_start3A_657 : memref<16x128xf32, #tpu.memory_space<vmem>>) offsets(%get3A_654 : vector<16xi32>) semaphore(%arg16 : memref<!tpu.dma_semaphore, #tpu.memory_space<semaphore_mem>>)
        %get3A_661 = arith.constant 2 : i32
        %get3A_662 = arith.index_cast %add3A_480 : i32 to index
        %get3A_663 = arith.index_cast %get3A_661 : i32 to index
        %get3A_664 = arith.constant 16 : index
        %get3A_665 = tpu.vector_load %arg6[%get3A_662, %get3A_663, %get3A_664] {strides = array<i32>} : memref<28x4x112xi32, #tpu.memory_space<vmem>>, vector<1x1x16xi32>,
        %get3A_666 = vector.shape_cast %get3A_665 : vector<1x1x16xi32> to vector<16xi32>
        %dma_start3A_667 = arith.constant 16 : i32
        %dma_start3A_668 = arith.constant 0 : i32
        %dma_start3A_669 = tpu.memref_slice %arg13[%dma_start3A_667, %dma_start3A_668] : memref<112x128xf32, #tpu.memory_space<vmem>> -> memref<16x128xf32, #tpu.memory_space<vmem>>
        %dma_start3A_670 = arith.constant 0 : i32
        %dma_start3A_671 = arith.constant 0 : i32
        %dma_start3A_672 = tpu.memref_slice %arg3[%dma_start3A_670, %dma_start3A_671] : memref<100000x128xf32, #tpu.memory_space<hbm>> -> memref<100000x128xf32, #tpu.memory_space<hbm>>
        tpu.enqueue_indirect_dma source(%dma_start3A_672 : memref<100000x128xf32, #tpu.memory_space<hbm>>) target(%dma_start3A_669 : memref<16x128xf32, #tpu.memory_space<vmem>>) offsets(%get3A_666 : vector<16xi32>) semaphore(%arg16 : memref<!tpu.dma_semaphore, #tpu.memory_space<semaphore_mem>>)
        %get3A_673 = arith.constant 2 : i32
        %get3A_674 = arith.index_cast %add3A_480 : i32 to index
        %get3A_675 = arith.index_cast %get3A_673 : i32 to index
        %get3A_676 = arith.constant 32 : index
        %get3A_677 = tpu.vector_load %arg6[%get3A_674, %get3A_675, %get3A_676] {strides = array<i32>} : memref<28x4x112xi32, #tpu.memory_space<vmem>>, vector<1x1x16xi32>,
        %get3A_678 = vector.shape_cast %get3A_677 : vector<1x1x16xi32> to vector<16xi32>
        %dma_start3A_679 = arith.constant 32 : i32
        %dma_start3A_680 = arith.constant 0 : i32
        %dma_start3A_681 = tpu.memref_slice %arg13[%dma_start3A_679, %dma_start3A_680] : memref<112x128xf32, #tpu.memory_space<vmem>> -> memref<16x128xf32, #tpu.memory_space<vmem>>
        %dma_start3A_682 = arith.constant 0 : i32
        %dma_start3A_683 = arith.constant 0 : i32
        %dma_start3A_684 = tpu.memref_slice %arg3[%dma_start3A_682, %dma_start3A_683] : memref<100000x128xf32, #tpu.memory_space<hbm>> -> memref<100000x128xf32, #tpu.memory_space<hbm>>
        tpu.enqueue_indirect_dma source(%dma_start3A_684 : memref<100000x128xf32, #tpu.memory_space<hbm>>) target(%dma_start3A_681 : memref<16x128xf32, #tpu.memory_space<vmem>>) offsets(%get3A_678 : vector<16xi32>) semaphore(%arg16 : memref<!tpu.dma_semaphore, #tpu.memory_space<semaphore_mem>>)
        %get3A_685 = arith.constant 2 : i32
        %get3A_686 = arith.index_cast %add3A_480 : i32 to index
        %get3A_687 = arith.index_cast %get3A_685 : i32 to index
        %get3A_688 = arith.constant 48 : index
        %get3A_689 = tpu.vector_load %arg6[%get3A_686, %get3A_687, %get3A_688] {strides = array<i32>} : memref<28x4x112xi32, #tpu.memory_space<vmem>>, vector<1x1x16xi32>,
        %get3A_690 = vector.shape_cast %get3A_689 : vector<1x1x16xi32> to vector<16xi32>
        %dma_start3A_691 = arith.constant 48 : i32
        %dma_start3A_692 = arith.constant 0 : i32
        %dma_start3A_693 = tpu.memref_slice %arg13[%dma_start3A_691, %dma_start3A_692] : memref<112x128xf32, #tpu.memory_space<vmem>> -> memref<16x128xf32, #tpu.memory_space<vmem>>
        %dma_start3A_694 = arith.constant 0 : i32
        %dma_start3A_695 = arith.constant 0 : i32
        %dma_start3A_696 = tpu.memref_slice %arg3[%dma_start3A_694, %dma_start3A_695] : memref<100000x128xf32, #tpu.memory_space<hbm>> -> memref<100000x128xf32, #tpu.memory_space<hbm>>
        tpu.enqueue_indirect_dma source(%dma_start3A_696 : memref<100000x128xf32, #tpu.memory_space<hbm>>) target(%dma_start3A_693 : memref<16x128xf32, #tpu.memory_space<vmem>>) offsets(%get3A_690 : vector<16xi32>) semaphore(%arg16 : memref<!tpu.dma_semaphore, #tpu.memory_space<semaphore_mem>>)
        %get3A_697 = arith.constant 2 : i32
        %get3A_698 = arith.index_cast %add3A_480 : i32 to index
        %get3A_699 = arith.index_cast %get3A_697 : i32 to index
        %get3A_700 = arith.constant 64 : index
        %get3A_701 = tpu.vector_load %arg6[%get3A_698, %get3A_699, %get3A_700] {strides = array<i32>} : memref<28x4x112xi32, #tpu.memory_space<vmem>>, vector<1x1x16xi32>,
        %get3A_702 = vector.shape_cast %get3A_701 : vector<1x1x16xi32> to vector<16xi32>
        %dma_start3A_703 = arith.constant 64 : i32
        %dma_start3A_704 = arith.constant 0 : i32
        %dma_start3A_705 = tpu.memref_slice %arg13[%dma_start3A_703, %dma_start3A_704] : memref<112x128xf32, #tpu.memory_space<vmem>> -> memref<16x128xf32, #tpu.memory_space<vmem>>
        %dma_start3A_706 = arith.constant 0 : i32
        %dma_start3A_707 = arith.constant 0 : i32
        %dma_start3A_708 = tpu.memref_slice %arg3[%dma_start3A_706, %dma_start3A_707] : memref<100000x128xf32, #tpu.memory_space<hbm>> -> memref<100000x128xf32, #tpu.memory_space<hbm>>
        tpu.enqueue_indirect_dma source(%dma_start3A_708 : memref<100000x128xf32, #tpu.memory_space<hbm>>) target(%dma_start3A_705 : memref<16x128xf32, #tpu.memory_space<vmem>>) offsets(%get3A_702 : vector<16xi32>) semaphore(%arg16 : memref<!tpu.dma_semaphore, #tpu.memory_space<semaphore_mem>>)
        %get3A_709 = arith.constant 2 : i32
        %get3A_710 = arith.index_cast %add3A_480 : i32 to index
        %get3A_711 = arith.index_cast %get3A_709 : i32 to index
        %get3A_712 = arith.constant 80 : index
        %get3A_713 = tpu.vector_load %arg6[%get3A_710, %get3A_711, %get3A_712] {strides = array<i32>} : memref<28x4x112xi32, #tpu.memory_space<vmem>>, vector<1x1x16xi32>,
        %get3A_714 = vector.shape_cast %get3A_713 : vector<1x1x16xi32> to vector<16xi32>
        %dma_start3A_715 = arith.constant 80 : i32
        %dma_start3A_716 = arith.constant 0 : i32
        %dma_start3A_717 = tpu.memref_slice %arg13[%dma_start3A_715, %dma_start3A_716] : memref<112x128xf32, #tpu.memory_space<vmem>> -> memref<16x128xf32, #tpu.memory_space<vmem>>
        %dma_start3A_718 = arith.constant 0 : i32
        %dma_start3A_719 = arith.constant 0 : i32
        %dma_start3A_720 = tpu.memref_slice %arg3[%dma_start3A_718, %dma_start3A_719] : memref<100000x128xf32, #tpu.memory_space<hbm>> -> memref<100000x128xf32, #tpu.memory_space<hbm>>
        tpu.enqueue_indirect_dma source(%dma_start3A_720 : memref<100000x128xf32, #tpu.memory_space<hbm>>) target(%dma_start3A_717 : memref<16x128xf32, #tpu.memory_space<vmem>>) offsets(%get3A_714 : vector<16xi32>) semaphore(%arg16 : memref<!tpu.dma_semaphore, #tpu.memory_space<semaphore_mem>>)
        %get3A_721 = arith.constant 2 : i32
        %get3A_722 = arith.index_cast %add3A_480 : i32 to index
        %get3A_723 = arith.index_cast %get3A_721 : i32 to index
        %get3A_724 = arith.constant 96 : index
        %get3A_725 = tpu.vector_load %arg6[%get3A_722, %get3A_723, %get3A_724] {strides = array<i32>} : memref<28x4x112xi32, #tpu.memory_space<vmem>>, vector<1x1x16xi32>,
        %get3A_726 = vector.shape_cast %get3A_725 : vector<1x1x16xi32> to vector<16xi32>
        %dma_start3A_727 = arith.constant 96 : i32
        %dma_start3A_728 = arith.constant 0 : i32
        %dma_start3A_729 = tpu.memref_slice %arg13[%dma_start3A_727, %dma_start3A_728] : memref<112x128xf32, #tpu.memory_space<vmem>> -> memref<16x128xf32, #tpu.memory_space<vmem>>
        %dma_start3A_730 = arith.constant 0 : i32
        %dma_start3A_731 = arith.constant 0 : i32
        %dma_start3A_732 = tpu.memref_slice %arg3[%dma_start3A_730, %dma_start3A_731] : memref<100000x128xf32, #tpu.memory_space<hbm>> -> memref<100000x128xf32, #tpu.memory_space<hbm>>
        tpu.enqueue_indirect_dma source(%dma_start3A_732 : memref<100000x128xf32, #tpu.memory_space<hbm>>) target(%dma_start3A_729 : memref<16x128xf32, #tpu.memory_space<vmem>>) offsets(%get3A_726 : vector<16xi32>) semaphore(%arg16 : memref<!tpu.dma_semaphore, #tpu.memory_space<semaphore_mem>>)
        %get3A_733 = arith.constant 3 : i32
        %get3A_734 = arith.index_cast %add3A_480 : i32 to index
        %get3A_735 = arith.index_cast %get3A_733 : i32 to index
        %get3A_736 = arith.constant 0 : index
        %get3A_737 = tpu.vector_load %arg6[%get3A_734, %get3A_735, %get3A_736] {strides = array<i32>} : memref<28x4x112xi32, #tpu.memory_space<vmem>>, vector<1x1x16xi32>,
        %get3A_738 = vector.shape_cast %get3A_737 : vector<1x1x16xi32> to vector<16xi32>
        %dma_start3A_739 = arith.constant 0 : i32
        %dma_start3A_740 = arith.constant 0 : i32
        %dma_start3A_741 = tpu.memref_slice %arg14[%dma_start3A_739, %dma_start3A_740] : memref<112x128xf32, #tpu.memory_space<vmem>> -> memref<16x128xf32, #tpu.memory_space<vmem>>
        %dma_start3A_742 = arith.constant 0 : i32
        %dma_start3A_743 = arith.constant 0 : i32
        %dma_start3A_744 = tpu.memref_slice %arg3[%dma_start3A_742, %dma_start3A_743] : memref<100000x128xf32, #tpu.memory_space<hbm>> -> memref<100000x128xf32, #tpu.memory_space<hbm>>
        tpu.enqueue_indirect_dma source(%dma_start3A_744 : memref<100000x128xf32, #tpu.memory_space<hbm>>) target(%dma_start3A_741 : memref<16x128xf32, #tpu.memory_space<vmem>>) offsets(%get3A_738 : vector<16xi32>) semaphore(%arg16 : memref<!tpu.dma_semaphore, #tpu.memory_space<semaphore_mem>>)
        %get3A_745 = arith.constant 3 : i32
        %get3A_746 = arith.index_cast %add3A_480 : i32 to index
        %get3A_747 = arith.index_cast %get3A_745 : i32 to index
        %get3A_748 = arith.constant 16 : index
        %get3A_749 = tpu.vector_load %arg6[%get3A_746, %get3A_747, %get3A_748] {strides = array<i32>} : memref<28x4x112xi32, #tpu.memory_space<vmem>>, vector<1x1x16xi32>,
        %get3A_750 = vector.shape_cast %get3A_749 : vector<1x1x16xi32> to vector<16xi32>
        %dma_start3A_751 = arith.constant 16 : i32
        %dma_start3A_752 = arith.constant 0 : i32
        %dma_start3A_753 = tpu.memref_slice %arg14[%dma_start3A_751, %dma_start3A_752] : memref<112x128xf32, #tpu.memory_space<vmem>> -> memref<16x128xf32, #tpu.memory_space<vmem>>
        %dma_start3A_754 = arith.constant 0 : i32
        %dma_start3A_755 = arith.constant 0 : i32
        %dma_start3A_756 = tpu.memref_slice %arg3[%dma_start3A_754, %dma_start3A_755] : memref<100000x128xf32, #tpu.memory_space<hbm>> -> memref<100000x128xf32, #tpu.memory_space<hbm>>
        tpu.enqueue_indirect_dma source(%dma_start3A_756 : memref<100000x128xf32, #tpu.memory_space<hbm>>) target(%dma_start3A_753 : memref<16x128xf32, #tpu.memory_space<vmem>>) offsets(%get3A_750 : vector<16xi32>) semaphore(%arg16 : memref<!tpu.dma_semaphore, #tpu.memory_space<semaphore_mem>>)
        %get3A_757 = arith.constant 3 : i32
        %get3A_758 = arith.index_cast %add3A_480 : i32 to index
        %get3A_759 = arith.index_cast %get3A_757 : i32 to index
        %get3A_760 = arith.constant 32 : index
        %get3A_761 = tpu.vector_load %arg6[%get3A_758, %get3A_759, %get3A_760] {strides = array<i32>} : memref<28x4x112xi32, #tpu.memory_space<vmem>>, vector<1x1x16xi32>,
        %get3A_762 = vector.shape_cast %get3A_761 : vector<1x1x16xi32> to vector<16xi32>
        %dma_start3A_763 = arith.constant 32 : i32
        %dma_start3A_764 = arith.constant 0 : i32
        %dma_start3A_765 = tpu.memref_slice %arg14[%dma_start3A_763, %dma_start3A_764] : memref<112x128xf32, #tpu.memory_space<vmem>> -> memref<16x128xf32, #tpu.memory_space<vmem>>
        %dma_start3A_766 = arith.constant 0 : i32
        %dma_start3A_767 = arith.constant 0 : i32
        %dma_start3A_768 = tpu.memref_slice %arg3[%dma_start3A_766, %dma_start3A_767] : memref<100000x128xf32, #tpu.memory_space<hbm>> -> memref<100000x128xf32, #tpu.memory_space<hbm>>
        tpu.enqueue_indirect_dma source(%dma_start3A_768 : memref<100000x128xf32, #tpu.memory_space<hbm>>) target(%dma_start3A_765 : memref<16x128xf32, #tpu.memory_space<vmem>>) offsets(%get3A_762 : vector<16xi32>) semaphore(%arg16 : memref<!tpu.dma_semaphore, #tpu.memory_space<semaphore_mem>>)
        %get3A_769 = arith.constant 3 : i32
        %get3A_770 = arith.index_cast %add3A_480 : i32 to index
        %get3A_771 = arith.index_cast %get3A_769 : i32 to index
        %get3A_772 = arith.constant 48 : index
        %get3A_773 = tpu.vector_load %arg6[%get3A_770, %get3A_771, %get3A_772] {strides = array<i32>} : memref<28x4x112xi32, #tpu.memory_space<vmem>>, vector<1x1x16xi32>,
        %get3A_774 = vector.shape_cast %get3A_773 : vector<1x1x16xi32> to vector<16xi32>
        %dma_start3A_775 = arith.constant 48 : i32
        %dma_start3A_776 = arith.constant 0 : i32
        %dma_start3A_777 = tpu.memref_slice %arg14[%dma_start3A_775, %dma_start3A_776] : memref<112x128xf32, #tpu.memory_space<vmem>> -> memref<16x128xf32, #tpu.memory_space<vmem>>
        %dma_start3A_778 = arith.constant 0 : i32
        %dma_start3A_779 = arith.constant 0 : i32
        %dma_start3A_780 = tpu.memref_slice %arg3[%dma_start3A_778, %dma_start3A_779] : memref<100000x128xf32, #tpu.memory_space<hbm>> -> memref<100000x128xf32, #tpu.memory_space<hbm>>
        tpu.enqueue_indirect_dma source(%dma_start3A_780 : memref<100000x128xf32, #tpu.memory_space<hbm>>) target(%dma_start3A_777 : memref<16x128xf32, #tpu.memory_space<vmem>>) offsets(%get3A_774 : vector<16xi32>) semaphore(%arg16 : memref<!tpu.dma_semaphore, #tpu.memory_space<semaphore_mem>>)
        %get3A_781 = arith.constant 3 : i32
        %get3A_782 = arith.index_cast %add3A_480 : i32 to index
        %get3A_783 = arith.index_cast %get3A_781 : i32 to index
        %get3A_784 = arith.constant 64 : index
        %get3A_785 = tpu.vector_load %arg6[%get3A_782, %get3A_783, %get3A_784] {strides = array<i32>} : memref<28x4x112xi32, #tpu.memory_space<vmem>>, vector<1x1x16xi32>,
        %get3A_786 = vector.shape_cast %get3A_785 : vector<1x1x16xi32> to vector<16xi32>
        %dma_start3A_787 = arith.constant 64 : i32
        %dma_start3A_788 = arith.constant 0 : i32
        %dma_start3A_789 = tpu.memref_slice %arg14[%dma_start3A_787, %dma_start3A_788] : memref<112x128xf32, #tpu.memory_space<vmem>> -> memref<16x128xf32, #tpu.memory_space<vmem>>
        %dma_start3A_790 = arith.constant 0 : i32
        %dma_start3A_791 = arith.constant 0 : i32
        %dma_start3A_792 = tpu.memref_slice %arg3[%dma_start3A_790, %dma_start3A_791] : memref<100000x128xf32, #tpu.memory_space<hbm>> -> memref<100000x128xf32, #tpu.memory_space<hbm>>
        tpu.enqueue_indirect_dma source(%dma_start3A_792 : memref<100000x128xf32, #tpu.memory_space<hbm>>) target(%dma_start3A_789 : memref<16x128xf32, #tpu.memory_space<vmem>>) offsets(%get3A_786 : vector<16xi32>) semaphore(%arg16 : memref<!tpu.dma_semaphore, #tpu.memory_space<semaphore_mem>>)
        %get3A_793 = arith.constant 3 : i32
        %get3A_794 = arith.index_cast %add3A_480 : i32 to index
        %get3A_795 = arith.index_cast %get3A_793 : i32 to index
        %get3A_796 = arith.constant 80 : index
        %get3A_797 = tpu.vector_load %arg6[%get3A_794, %get3A_795, %get3A_796] {strides = array<i32>} : memref<28x4x112xi32, #tpu.memory_space<vmem>>, vector<1x1x16xi32>,
        %get3A_798 = vector.shape_cast %get3A_797 : vector<1x1x16xi32> to vector<16xi32>
        %dma_start3A_799 = arith.constant 80 : i32
        %dma_start3A_800 = arith.constant 0 : i32
        %dma_start3A_801 = tpu.memref_slice %arg14[%dma_start3A_799, %dma_start3A_800] : memref<112x128xf32, #tpu.memory_space<vmem>> -> memref<16x128xf32, #tpu.memory_space<vmem>>
        %dma_start3A_802 = arith.constant 0 : i32
        %dma_start3A_803 = arith.constant 0 : i32
        %dma_start3A_804 = tpu.memref_slice %arg3[%dma_start3A_802, %dma_start3A_803] : memref<100000x128xf32, #tpu.memory_space<hbm>> -> memref<100000x128xf32, #tpu.memory_space<hbm>>
        tpu.enqueue_indirect_dma source(%dma_start3A_804 : memref<100000x128xf32, #tpu.memory_space<hbm>>) target(%dma_start3A_801 : memref<16x128xf32, #tpu.memory_space<vmem>>) offsets(%get3A_798 : vector<16xi32>) semaphore(%arg16 : memref<!tpu.dma_semaphore, #tpu.memory_space<semaphore_mem>>)
        %get3A_805 = arith.constant 3 : i32
        %get3A_806 = arith.index_cast %add3A_480 : i32 to index
        %get3A_807 = arith.index_cast %get3A_805 : i32 to index
        %get3A_808 = arith.constant 96 : index
        %get3A_809 = tpu.vector_load %arg6[%get3A_806, %get3A_807, %get3A_808] {strides = array<i32>} : memref<28x4x112xi32, #tpu.memory_space<vmem>>, vector<1x1x16xi32>,
        %get3A_810 = vector.shape_cast %get3A_809 : vector<1x1x16xi32> to vector<16xi32>
        %dma_start3A_811 = arith.constant 96 : i32
        %dma_start3A_812 = arith.constant 0 : i32
        %dma_start3A_813 = tpu.memref_slice %arg14[%dma_start3A_811, %dma_start3A_812] : memref<112x128xf32, #tpu.memory_space<vmem>> -> memref<16x128xf32, #tpu.memory_space<vmem>>
        %dma_start3A_814 = arith.constant 0 : i32
        %dma_start3A_815 = arith.constant 0 : i32
        %dma_start3A_816 = tpu.memref_slice %arg3[%dma_start3A_814, %dma_start3A_815] : memref<100000x128xf32, #tpu.memory_space<hbm>> -> memref<100000x128xf32, #tpu.memory_space<hbm>>
        tpu.enqueue_indirect_dma source(%dma_start3A_816 : memref<100000x128xf32, #tpu.memory_space<hbm>>) target(%dma_start3A_813 : memref<16x128xf32, #tpu.memory_space<vmem>>) offsets(%get3A_810 : vector<16xi32>) semaphore(%arg16 : memref<!tpu.dma_semaphore, #tpu.memory_space<semaphore_mem>>)
      } else {
      }
      %dma_wait3A_390 = arith.constant 0 : i32
      %dma_wait3A_391 = arith.constant 0 : i32
      %dma_wait3A_392 = tpu.memref_slice %arg2[%dma_wait3A_390, %dma_wait3A_391] : memref<100000x128xf32, #tpu.memory_space<hbm>> -> memref<112x128xf32, #tpu.memory_space<hbm>>
      %dma_wait3A_393 = arith.constant 0 : i32
      %dma_wait3A_394 = arith.constant 0 : i32
      %dma_wait3A_395 = tpu.memref_slice %arg2[%dma_wait3A_393, %dma_wait3A_394] : memref<100000x128xf32, #tpu.memory_space<hbm>> -> memref<112x128xf32, #tpu.memory_space<hbm>>
      tpu.wait_dma2 semaphore(%arg15 : memref<!tpu.dma_semaphore, #tpu.memory_space<semaphore_mem>>) src(%dma_wait3A_395 : memref<112x128xf32, #tpu.memory_space<hbm>>) dst(%arg7 : memref<112x128xf32, #tpu.memory_space<vmem>>)
      %dma_wait3A_396 = arith.constant 0 : i32
      %dma_wait3A_397 = arith.constant 0 : i32
      %dma_wait3A_398 = tpu.memref_slice %arg2[%dma_wait3A_396, %dma_wait3A_397] : memref<100000x128xf32, #tpu.memory_space<hbm>> -> memref<112x128xf32, #tpu.memory_space<hbm>>
      %dma_wait3A_399 = arith.constant 0 : i32
      %dma_wait3A_400 = arith.constant 0 : i32
      %dma_wait3A_401 = tpu.memref_slice %arg2[%dma_wait3A_399, %dma_wait3A_400] : memref<100000x128xf32, #tpu.memory_space<hbm>> -> memref<112x128xf32, #tpu.memory_space<hbm>>
      tpu.wait_dma2 semaphore(%arg15 : memref<!tpu.dma_semaphore, #tpu.memory_space<semaphore_mem>>) src(%dma_wait3A_401 : memref<112x128xf32, #tpu.memory_space<hbm>>) dst(%arg7 : memref<112x128xf32, #tpu.memory_space<vmem>>)
      %dma_wait3A_402 = arith.constant 0 : i32
      %dma_wait3A_403 = arith.constant 0 : i32
      %dma_wait3A_404 = tpu.memref_slice %arg2[%dma_wait3A_402, %dma_wait3A_403] : memref<100000x128xf32, #tpu.memory_space<hbm>> -> memref<112x128xf32, #tpu.memory_space<hbm>>
      %dma_wait3A_405 = arith.constant 0 : i32
      %dma_wait3A_406 = arith.constant 0 : i32
      %dma_wait3A_407 = tpu.memref_slice %arg2[%dma_wait3A_405, %dma_wait3A_406] : memref<100000x128xf32, #tpu.memory_space<hbm>> -> memref<112x128xf32, #tpu.memory_space<hbm>>
      tpu.wait_dma2 semaphore(%arg15 : memref<!tpu.dma_semaphore, #tpu.memory_space<semaphore_mem>>) src(%dma_wait3A_407 : memref<112x128xf32, #tpu.memory_space<hbm>>) dst(%arg7 : memref<112x128xf32, #tpu.memory_space<vmem>>)
      %dma_wait3A_408 = arith.constant 0 : i32
      %dma_wait3A_409 = arith.constant 0 : i32
      %dma_wait3A_410 = tpu.memref_slice %arg2[%dma_wait3A_408, %dma_wait3A_409] : memref<100000x128xf32, #tpu.memory_space<hbm>> -> memref<112x128xf32, #tpu.memory_space<hbm>>
      %dma_wait3A_411 = arith.constant 0 : i32
      %dma_wait3A_412 = arith.constant 0 : i32
      %dma_wait3A_413 = tpu.memref_slice %arg2[%dma_wait3A_411, %dma_wait3A_412] : memref<100000x128xf32, #tpu.memory_space<hbm>> -> memref<112x128xf32, #tpu.memory_space<hbm>>
      tpu.wait_dma2 semaphore(%arg15 : memref<!tpu.dma_semaphore, #tpu.memory_space<semaphore_mem>>) src(%dma_wait3A_413 : memref<112x128xf32, #tpu.memory_space<hbm>>) dst(%arg7 : memref<112x128xf32, #tpu.memory_space<vmem>>)
      %scan3A_414 = arith.constant 0 : i32
      %scan3A_415 = arith.constant 0 : i32
      %scan3A_416 = arith.constant 112 : i32
      %scan3A_417 = arith.addi %scan3A_415, %scan3A_416 : i32
      %scan3A_418 = arith.constant 1 : i32
      scf.for %scan3A_475 = %scan3A_415 to %scan3A_417 step %scan3A_418  : i32 {
        %get3A_476 = arith.index_cast %scan3A_475 : i32 to index
        %get3A_477 = arith.constant 0 : index
        %get3A_478 = tpu.vector_load %arg7[%get3A_476, %get3A_477] {strides = array<i32>} : memref<112x128xf32, #tpu.memory_space<vmem>>, vector<1x16xf32>,
        %get3A_479 = vector.shape_cast %get3A_478 : vector<1x16xf32> to vector<16xf32>
        %get3A_480 = arith.index_cast %scan3A_475 : i32 to index
        %get3A_481 = arith.constant 0 : index
        %get3A_482 = tpu.vector_load %arg8[%get3A_480, %get3A_481] {strides = array<i32>} : memref<112x128xf32, #tpu.memory_space<vmem>>, vector<1x16xf32>,
        %get3A_483 = vector.shape_cast %get3A_482 : vector<1x16xf32> to vector<16xf32>
        %add3A_484 = arith.addf %get3A_479, %get3A_483 : vector<16xf32>
        %get3A_485 = arith.index_cast %scan3A_475 : i32 to index
        %get3A_486 = arith.constant 0 : index
        %get3A_487 = tpu.vector_load %arg9[%get3A_485, %get3A_486] {strides = array<i32>} : memref<112x128xf32, #tpu.memory_space<vmem>>, vector<1x16xf32>,
        %get3A_488 = vector.shape_cast %get3A_487 : vector<1x16xf32> to vector<16xf32>
        %add3A_489 = arith.addf %add3A_484, %get3A_488 : vector<16xf32>
        %get3A_490 = arith.index_cast %scan3A_475 : i32 to index
        %get3A_491 = arith.constant 0 : index
        %get3A_492 = tpu.vector_load %arg10[%get3A_490, %get3A_491] {strides = array<i32>} : memref<112x128xf32, #tpu.memory_space<vmem>>, vector<1x16xf32>,
        %get3A_493 = vector.shape_cast %get3A_492 : vector<1x16xf32> to vector<16xf32>
        %add3A_494 = arith.addf %add3A_489, %get3A_493 : vector<16xf32>
        %swap3A = arith.index_cast %scan3A_475 : i32 to index
        %swap3A_495 = arith.constant 0 : index
        %swap3A_496 = tpu.vector_load %arg7[%swap3A, %swap3A_495] {strides = array<i32>} : memref<112x128xf32, #tpu.memory_space<vmem>>, vector<1x16xf32>,
        %swap3A_497 = vector.shape_cast %swap3A_496 : vector<1x16xf32> to vector<16xf32>
        %swap3A_498 = vector.shape_cast %add3A_494 : vector<16xf32> to vector<1x16xf32>
        tpu.vector_store %arg7[%swap3A, %swap3A_495], %swap3A_498 {strides = array<i32>} : memref<112x128xf32, #tpu.memory_space<vmem>>, vector<1x16xf32>,
        %get3A_499 = arith.index_cast %scan3A_475 : i32 to index
        %get3A_500 = arith.constant 16 : index
        %get3A_501 = tpu.vector_load %arg7[%get3A_499, %get3A_500] {strides = array<i32>} : memref<112x128xf32, #tpu.memory_space<vmem>>, vector<1x16xf32>,
        %get3A_502 = vector.shape_cast %get3A_501 : vector<1x16xf32> to vector<16xf32>
        %get3A_503 = arith.index_cast %scan3A_475 : i32 to index
        %get3A_504 = arith.constant 16 : index
        %get3A_505 = tpu.vector_load %arg8[%get3A_503, %get3A_504] {strides = array<i32>} : memref<112x128xf32, #tpu.memory_space<vmem>>, vector<1x16xf32>,
        %get3A_506 = vector.shape_cast %get3A_505 : vector<1x16xf32> to vector<16xf32>
        %add3A_507 = arith.addf %get3A_502, %get3A_506 : vector<16xf32>
        %get3A_508 = arith.index_cast %scan3A_475 : i32 to index
        %get3A_509 = arith.constant 16 : index
        %get3A_510 = tpu.vector_load %arg9[%get3A_508, %get3A_509] {strides = array<i32>} : memref<112x128xf32, #tpu.memory_space<vmem>>, vector<1x16xf32>,
        %get3A_511 = vector.shape_cast %get3A_510 : vector<1x16xf32> to vector<16xf32>
        %add3A_512 = arith.addf %add3A_507, %get3A_511 : vector<16xf32>
        %get3A_513 = arith.index_cast %scan3A_475 : i32 to index
        %get3A_514 = arith.constant 16 : index
        %get3A_515 = tpu.vector_load %arg10[%get3A_513, %get3A_514] {strides = array<i32>} : memref<112x128xf32, #tpu.memory_space<vmem>>, vector<1x16xf32>,
        %get3A_516 = vector.shape_cast %get3A_515 : vector<1x16xf32> to vector<16xf32>
        %add3A_517 = arith.addf %add3A_512, %get3A_516 : vector<16xf32>
        %swap3A_518 = arith.index_cast %scan3A_475 : i32 to index
        %swap3A_519 = arith.constant 16 : index
        %swap3A_520 = tpu.vector_load %arg7[%swap3A_518, %swap3A_519] {strides = array<i32>} : memref<112x128xf32, #tpu.memory_space<vmem>>, vector<1x16xf32>,
        %swap3A_521 = vector.shape_cast %swap3A_520 : vector<1x16xf32> to vector<16xf32>
        %swap3A_522 = vector.shape_cast %add3A_517 : vector<16xf32> to vector<1x16xf32>
        tpu.vector_store %arg7[%swap3A_518, %swap3A_519], %swap3A_522 {strides = array<i32>} : memref<112x128xf32, #tpu.memory_space<vmem>>, vector<1x16xf32>,
        %get3A_523 = arith.index_cast %scan3A_475 : i32 to index
        %get3A_524 = arith.constant 32 : index
        %get3A_525 = tpu.vector_load %arg7[%get3A_523, %get3A_524] {strides = array<i32>} : memref<112x128xf32, #tpu.memory_space<vmem>>, vector<1x16xf32>,
        %get3A_526 = vector.shape_cast %get3A_525 : vector<1x16xf32> to vector<16xf32>
        %get3A_527 = arith.index_cast %scan3A_475 : i32 to index
        %get3A_528 = arith.constant 32 : index
        %get3A_529 = tpu.vector_load %arg8[%get3A_527, %get3A_528] {strides = array<i32>} : memref<112x128xf32, #tpu.memory_space<vmem>>, vector<1x16xf32>,
        %get3A_530 = vector.shape_cast %get3A_529 : vector<1x16xf32> to vector<16xf32>
        %add3A_531 = arith.addf %get3A_526, %get3A_530 : vector<16xf32>
        %get3A_532 = arith.index_cast %scan3A_475 : i32 to index
        %get3A_533 = arith.constant 32 : index
        %get3A_534 = tpu.vector_load %arg9[%get3A_532, %get3A_533] {strides = array<i32>} : memref<112x128xf32, #tpu.memory_space<vmem>>, vector<1x16xf32>,
        %get3A_535 = vector.shape_cast %get3A_534 : vector<1x16xf32> to vector<16xf32>
        %add3A_536 = arith.addf %add3A_531, %get3A_535 : vector<16xf32>
        %get3A_537 = arith.index_cast %scan3A_475 : i32 to index
        %get3A_538 = arith.constant 32 : index
        %get3A_539 = tpu.vector_load %arg10[%get3A_537, %get3A_538] {strides = array<i32>} : memref<112x128xf32, #tpu.memory_space<vmem>>, vector<1x16xf32>,
        %get3A_540 = vector.shape_cast %get3A_539 : vector<1x16xf32> to vector<16xf32>
        %add3A_541 = arith.addf %add3A_536, %get3A_540 : vector<16xf32>
        %swap3A_542 = arith.index_cast %scan3A_475 : i32 to index
        %swap3A_543 = arith.constant 32 : index
        %swap3A_544 = tpu.vector_load %arg7[%swap3A_542, %swap3A_543] {strides = array<i32>} : memref<112x128xf32, #tpu.memory_space<vmem>>, vector<1x16xf32>,
        %swap3A_545 = vector.shape_cast %swap3A_544 : vector<1x16xf32> to vector<16xf32>
        %swap3A_546 = vector.shape_cast %add3A_541 : vector<16xf32> to vector<1x16xf32>
        tpu.vector_store %arg7[%swap3A_542, %swap3A_543], %swap3A_546 {strides = array<i32>} : memref<112x128xf32, #tpu.memory_space<vmem>>, vector<1x16xf32>,
        %get3A_547 = arith.index_cast %scan3A_475 : i32 to index
        %get3A_548 = arith.constant 48 : index
        %get3A_549 = tpu.vector_load %arg7[%get3A_547, %get3A_548] {strides = array<i32>} : memref<112x128xf32, #tpu.memory_space<vmem>>, vector<1x16xf32>,
        %get3A_550 = vector.shape_cast %get3A_549 : vector<1x16xf32> to vector<16xf32>
        %get3A_551 = arith.index_cast %scan3A_475 : i32 to index
        %get3A_552 = arith.constant 48 : index
        %get3A_553 = tpu.vector_load %arg8[%get3A_551, %get3A_552] {strides = array<i32>} : memref<112x128xf32, #tpu.memory_space<vmem>>, vector<1x16xf32>,
        %get3A_554 = vector.shape_cast %get3A_553 : vector<1x16xf32> to vector<16xf32>
        %add3A_555 = arith.addf %get3A_550, %get3A_554 : vector<16xf32>
        %get3A_556 = arith.index_cast %scan3A_475 : i32 to index
        %get3A_557 = arith.constant 48 : index
        %get3A_558 = tpu.vector_load %arg9[%get3A_556, %get3A_557] {strides = array<i32>} : memref<112x128xf32, #tpu.memory_space<vmem>>, vector<1x16xf32>,
        %get3A_559 = vector.shape_cast %get3A_558 : vector<1x16xf32> to vector<16xf32>
        %add3A_560 = arith.addf %add3A_555, %get3A_559 : vector<16xf32>
        %get3A_561 = arith.index_cast %scan3A_475 : i32 to index
        %get3A_562 = arith.constant 48 : index
        %get3A_563 = tpu.vector_load %arg10[%get3A_561, %get3A_562] {strides = array<i32>} : memref<112x128xf32, #tpu.memory_space<vmem>>, vector<1x16xf32>,
        %get3A_564 = vector.shape_cast %get3A_563 : vector<1x16xf32> to vector<16xf32>
        %add3A_565 = arith.addf %add3A_560, %get3A_564 : vector<16xf32>
        %swap3A_566 = arith.index_cast %scan3A_475 : i32 to index
        %swap3A_567 = arith.constant 48 : index
        %swap3A_568 = tpu.vector_load %arg7[%swap3A_566, %swap3A_567] {strides = array<i32>} : memref<112x128xf32, #tpu.memory_space<vmem>>, vector<1x16xf32>,
        %swap3A_569 = vector.shape_cast %swap3A_568 : vector<1x16xf32> to vector<16xf32>
        %swap3A_570 = vector.shape_cast %add3A_565 : vector<16xf32> to vector<1x16xf32>
        tpu.vector_store %arg7[%swap3A_566, %swap3A_567], %swap3A_570 {strides = array<i32>} : memref<112x128xf32, #tpu.memory_space<vmem>>, vector<1x16xf32>,
        %get3A_571 = arith.index_cast %scan3A_475 : i32 to index
        %get3A_572 = arith.constant 64 : index
        %get3A_573 = tpu.vector_load %arg7[%get3A_571, %get3A_572] {strides = array<i32>} : memref<112x128xf32, #tpu.memory_space<vmem>>, vector<1x16xf32>,
        %get3A_574 = vector.shape_cast %get3A_573 : vector<1x16xf32> to vector<16xf32>
        %get3A_575 = arith.index_cast %scan3A_475 : i32 to index
        %get3A_576 = arith.constant 64 : index
        %get3A_577 = tpu.vector_load %arg8[%get3A_575, %get3A_576] {strides = array<i32>} : memref<112x128xf32, #tpu.memory_space<vmem>>, vector<1x16xf32>,
        %get3A_578 = vector.shape_cast %get3A_577 : vector<1x16xf32> to vector<16xf32>
        %add3A_579 = arith.addf %get3A_574, %get3A_578 : vector<16xf32>
        %get3A_580 = arith.index_cast %scan3A_475 : i32 to index
        %get3A_581 = arith.constant 64 : index
        %get3A_582 = tpu.vector_load %arg9[%get3A_580, %get3A_581] {strides = array<i32>} : memref<112x128xf32, #tpu.memory_space<vmem>>, vector<1x16xf32>,
        %get3A_583 = vector.shape_cast %get3A_582 : vector<1x16xf32> to vector<16xf32>
        %add3A_584 = arith.addf %add3A_579, %get3A_583 : vector<16xf32>
        %get3A_585 = arith.index_cast %scan3A_475 : i32 to index
        %get3A_586 = arith.constant 64 : index
        %get3A_587 = tpu.vector_load %arg10[%get3A_585, %get3A_586] {strides = array<i32>} : memref<112x128xf32, #tpu.memory_space<vmem>>, vector<1x16xf32>,
        %get3A_588 = vector.shape_cast %get3A_587 : vector<1x16xf32> to vector<16xf32>
        %add3A_589 = arith.addf %add3A_584, %get3A_588 : vector<16xf32>
        %swap3A_590 = arith.index_cast %scan3A_475 : i32 to index
        %swap3A_591 = arith.constant 64 : index
        %swap3A_592 = tpu.vector_load %arg7[%swap3A_590, %swap3A_591] {strides = array<i32>} : memref<112x128xf32, #tpu.memory_space<vmem>>, vector<1x16xf32>,
        %swap3A_593 = vector.shape_cast %swap3A_592 : vector<1x16xf32> to vector<16xf32>
        %swap3A_594 = vector.shape_cast %add3A_589 : vector<16xf32> to vector<1x16xf32>
        tpu.vector_store %arg7[%swap3A_590, %swap3A_591], %swap3A_594 {strides = array<i32>} : memref<112x128xf32, #tpu.memory_space<vmem>>, vector<1x16xf32>,
        %get3A_595 = arith.index_cast %scan3A_475 : i32 to index
        %get3A_596 = arith.constant 80 : index
        %get3A_597 = tpu.vector_load %arg7[%get3A_595, %get3A_596] {strides = array<i32>} : memref<112x128xf32, #tpu.memory_space<vmem>>, vector<1x16xf32>,
        %get3A_598 = vector.shape_cast %get3A_597 : vector<1x16xf32> to vector<16xf32>
        %get3A_599 = arith.index_cast %scan3A_475 : i32 to index
        %get3A_600 = arith.constant 80 : index
        %get3A_601 = tpu.vector_load %arg8[%get3A_599, %get3A_600] {strides = array<i32>} : memref<112x128xf32, #tpu.memory_space<vmem>>, vector<1x16xf32>,
        %get3A_602 = vector.shape_cast %get3A_601 : vector<1x16xf32> to vector<16xf32>
        %add3A_603 = arith.addf %get3A_598, %get3A_602 : vector<16xf32>
        %get3A_604 = arith.index_cast %scan3A_475 : i32 to index
        %get3A_605 = arith.constant 80 : index
        %get3A_606 = tpu.vector_load %arg9[%get3A_604, %get3A_605] {strides = array<i32>} : memref<112x128xf32, #tpu.memory_space<vmem>>, vector<1x16xf32>,
        %get3A_607 = vector.shape_cast %get3A_606 : vector<1x16xf32> to vector<16xf32>
        %add3A_608 = arith.addf %add3A_603, %get3A_607 : vector<16xf32>
        %get3A_609 = arith.index_cast %scan3A_475 : i32 to index
        %get3A_610 = arith.constant 80 : index
        %get3A_611 = tpu.vector_load %arg10[%get3A_609, %get3A_610] {strides = array<i32>} : memref<112x128xf32, #tpu.memory_space<vmem>>, vector<1x16xf32>,
        %get3A_612 = vector.shape_cast %get3A_611 : vector<1x16xf32> to vector<16xf32>
        %add3A_613 = arith.addf %add3A_608, %get3A_612 : vector<16xf32>
        %swap3A_614 = arith.index_cast %scan3A_475 : i32 to index
        %swap3A_615 = arith.constant 80 : index
        %swap3A_616 = tpu.vector_load %arg7[%swap3A_614, %swap3A_615] {strides = array<i32>} : memref<112x128xf32, #tpu.memory_space<vmem>>, vector<1x16xf32>,
        %swap3A_617 = vector.shape_cast %swap3A_616 : vector<1x16xf32> to vector<16xf32>
        %swap3A_618 = vector.shape_cast %add3A_613 : vector<16xf32> to vector<1x16xf32>
        tpu.vector_store %arg7[%swap3A_614, %swap3A_615], %swap3A_618 {strides = array<i32>} : memref<112x128xf32, #tpu.memory_space<vmem>>, vector<1x16xf32>,
        %get3A_619 = arith.index_cast %scan3A_475 : i32 to index
        %get3A_620 = arith.constant 96 : index
        %get3A_621 = tpu.vector_load %arg7[%get3A_619, %get3A_620] {strides = array<i32>} : memref<112x128xf32, #tpu.memory_space<vmem>>, vector<1x16xf32>,
        %get3A_622 = vector.shape_cast %get3A_621 : vector<1x16xf32> to vector<16xf32>
        %get3A_623 = arith.index_cast %scan3A_475 : i32 to index
        %get3A_624 = arith.constant 96 : index
        %get3A_625 = tpu.vector_load %arg8[%get3A_623, %get3A_624] {strides = array<i32>} : memref<112x128xf32, #tpu.memory_space<vmem>>, vector<1x16xf32>,
        %get3A_626 = vector.shape_cast %get3A_625 : vector<1x16xf32> to vector<16xf32>
        %add3A_627 = arith.addf %get3A_622, %get3A_626 : vector<16xf32>
        %get3A_628 = arith.index_cast %scan3A_475 : i32 to index
        %get3A_629 = arith.constant 96 : index
        %get3A_630 = tpu.vector_load %arg9[%get3A_628, %get3A_629] {strides = array<i32>} : memref<112x128xf32, #tpu.memory_space<vmem>>, vector<1x16xf32>,
        %get3A_631 = vector.shape_cast %get3A_630 : vector<1x16xf32> to vector<16xf32>
        %add3A_632 = arith.addf %add3A_627, %get3A_631 : vector<16xf32>
        %get3A_633 = arith.index_cast %scan3A_475 : i32 to index
        %get3A_634 = arith.constant 96 : index
        %get3A_635 = tpu.vector_load %arg10[%get3A_633, %get3A_634] {strides = array<i32>} : memref<112x128xf32, #tpu.memory_space<vmem>>, vector<1x16xf32>,
        %get3A_636 = vector.shape_cast %get3A_635 : vector<1x16xf32> to vector<16xf32>
        %add3A_637 = arith.addf %add3A_632, %get3A_636 : vector<16xf32>
        %swap3A_638 = arith.index_cast %scan3A_475 : i32 to index
        %swap3A_639 = arith.constant 96 : index
        %swap3A_640 = tpu.vector_load %arg7[%swap3A_638, %swap3A_639] {strides = array<i32>} : memref<112x128xf32, #tpu.memory_space<vmem>>, vector<1x16xf32>,
        %swap3A_641 = vector.shape_cast %swap3A_640 : vector<1x16xf32> to vector<16xf32>
        %swap3A_642 = vector.shape_cast %add3A_637 : vector<16xf32> to vector<1x16xf32>
        tpu.vector_store %arg7[%swap3A_638, %swap3A_639], %swap3A_642 {strides = array<i32>} : memref<112x128xf32, #tpu.memory_space<vmem>>, vector<1x16xf32>,
        %get3A_643 = arith.index_cast %scan3A_475 : i32 to index
        %get3A_644 = arith.constant 112 : index
        %get3A_645 = tpu.vector_load %arg7[%get3A_643, %get3A_644] {strides = array<i32>} : memref<112x128xf32, #tpu.memory_space<vmem>>, vector<1x16xf32>,
        %get3A_646 = vector.shape_cast %get3A_645 : vector<1x16xf32> to vector<16xf32>
        %get3A_647 = arith.index_cast %scan3A_475 : i32 to index
        %get3A_648 = arith.constant 112 : index
        %get3A_649 = tpu.vector_load %arg8[%get3A_647, %get3A_648] {strides = array<i32>} : memref<112x128xf32, #tpu.memory_space<vmem>>, vector<1x16xf32>,
        %get3A_650 = vector.shape_cast %get3A_649 : vector<1x16xf32> to vector<16xf32>
        %add3A_651 = arith.addf %get3A_646, %get3A_650 : vector<16xf32>
        %get3A_652 = arith.index_cast %scan3A_475 : i32 to index
        %get3A_653 = arith.constant 112 : index
        %get3A_654 = tpu.vector_load %arg9[%get3A_652, %get3A_653] {strides = array<i32>} : memref<112x128xf32, #tpu.memory_space<vmem>>, vector<1x16xf32>,
        %get3A_655 = vector.shape_cast %get3A_654 : vector<1x16xf32> to vector<16xf32>
        %add3A_656 = arith.addf %add3A_651, %get3A_655 : vector<16xf32>
        %get3A_657 = arith.index_cast %scan3A_475 : i32 to index
        %get3A_658 = arith.constant 112 : index
        %get3A_659 = tpu.vector_load %arg10[%get3A_657, %get3A_658] {strides = array<i32>} : memref<112x128xf32, #tpu.memory_space<vmem>>, vector<1x16xf32>,
        %get3A_660 = vector.shape_cast %get3A_659 : vector<1x16xf32> to vector<16xf32>
        %add3A_661 = arith.addf %add3A_656, %get3A_660 : vector<16xf32>
        %swap3A_662 = arith.index_cast %scan3A_475 : i32 to index
        %swap3A_663 = arith.constant 112 : index
        %swap3A_664 = tpu.vector_load %arg7[%swap3A_662, %swap3A_663] {strides = array<i32>} : memref<112x128xf32, #tpu.memory_space<vmem>>, vector<1x16xf32>,
        %swap3A_665 = vector.shape_cast %swap3A_664 : vector<1x16xf32> to vector<16xf32>
        %swap3A_666 = vector.shape_cast %add3A_661 : vector<16xf32> to vector<1x16xf32>
        tpu.vector_store %arg7[%swap3A_662, %swap3A_663], %swap3A_666 {strides = array<i32>} : memref<112x128xf32, #tpu.memory_space<vmem>>, vector<1x16xf32>,
      }
      %scan3A_419 = arith.constant 112 : i32
      %add3A_420 = arith.addi %mul3A_2, %add3A_385 : i32
      %mul3A_421 = arith.constant 112 : i32
      %mul3A_422 = arith.muli %add3A_420, %mul3A_421 : i32
      %dma_start3A_423 = arith.constant 0 : i32
      %dma_start3A_424 = tpu.memref_slice %arg5[%mul3A_422, %dma_start3A_423] : memref<100352x128xf32, #tpu.memory_space<hbm>> -> memref<112x128xf32, #tpu.memory_space<hbm>>
      %dma_start3A_425 = arith.constant 0 : i32
      %dma_start3A_426 = tpu.memref_slice %arg5[%mul3A_422, %dma_start3A_425] : memref<100352x128xf32, #tpu.memory_space<hbm>> -> memref<112x128xf32, #tpu.memory_space<hbm>>
      tpu.enqueue_dma source(%arg7 : memref<112x128xf32, #tpu.memory_space<vmem>>) target(%dma_start3A_426 : memref<112x128xf32, #tpu.memory_space<hbm>>) target_semaphore(%arg17 : memref<!tpu.dma_semaphore, #tpu.memory_space<semaphore_mem>>)
      %mul3A_427 = arith.constant 2 : i32
      %mul3A_428 = arith.muli %scan3A_381, %mul3A_427 : i32
      %add3A_429 = arith.constant 1 : i32
      %add3A_430 = arith.addi %mul3A_428, %add3A_429 : i32
      %add3A_431 = arith.constant 1 : i32
      %add3A_432 = arith.addi %add3A_430, %add3A_431 : i32
      %lt3A_433 = arith.constant 28 : i32
      %lt3A_434 = arith.cmpi slt, %add3A_432, %lt3A_433 : i32
      %convert_element_type3A_435 = arith.extui %lt3A_434 : i1 to i32
      %cond3A_436 = arith.constant 0 : i32
      %cond3A_437 = arith.cmpi ne, %convert_element_type3A_435, %cond3A_436 : i32
      scf.if %cond3A_437 {
        %ge3A = arith.constant 1 : i32
        %ge3A_475 = arith.cmpi sge, %add3A_430, %ge3A : i32
        %convert_element_type3A_476 = arith.extui %ge3A_475 : i1 to i32
        %cond3A_477 = arith.constant 0 : i32
        %cond3A_478 = arith.cmpi ne, %convert_element_type3A_476, %cond3A_477 : i32
        scf.if %cond3A_478 {
          %dma_wait3A_817 = arith.constant 0 : i32
          %dma_wait3A_818 = arith.constant 0 : i32
          %dma_wait3A_819 = tpu.memref_slice %arg2[%dma_wait3A_817, %dma_wait3A_818] : memref<100000x128xf32, #tpu.memory_space<hbm>> -> memref<112x128xf32, #tpu.memory_space<hbm>>
          %dma_wait3A_820 = arith.constant 0 : i32
          %dma_wait3A_821 = arith.constant 0 : i32
          %dma_wait3A_822 = tpu.memref_slice %arg2[%dma_wait3A_820, %dma_wait3A_821] : memref<100000x128xf32, #tpu.memory_space<hbm>> -> memref<112x128xf32, #tpu.memory_space<hbm>>
          tpu.wait_dma2 semaphore(%arg17 : memref<!tpu.dma_semaphore, #tpu.memory_space<semaphore_mem>>) src(%dma_wait3A_822 : memref<112x128xf32, #tpu.memory_space<hbm>>) dst(%arg7 : memref<112x128xf32, #tpu.memory_space<vmem>>)
        } else {
        }
        %add3A_479 = arith.constant 1 : i32
        %add3A_480 = arith.addi %add3A_430, %add3A_479 : i32
        %get3A_481 = arith.constant 0 : i32
        %get3A_482 = arith.index_cast %add3A_480 : i32 to index
        %get3A_483 = arith.index_cast %get3A_481 : i32 to index
        %get3A_484 = arith.constant 0 : index
        %get3A_485 = tpu.vector_load %arg6[%get3A_482, %get3A_483, %get3A_484] {strides = array<i32>} : memref<28x4x112xi32, #tpu.memory_space<vmem>>, vector<1x1x16xi32>,
        %get3A_486 = vector.shape_cast %get3A_485 : vector<1x1x16xi32> to vector<16xi32>
        %dma_start3A_487 = arith.constant 0 : i32
        %dma_start3A_488 = arith.constant 0 : i32
        %dma_start3A_489 = tpu.memref_slice %arg7[%dma_start3A_487, %dma_start3A_488] : memref<112x128xf32, #tpu.memory_space<vmem>> -> memref<16x128xf32, #tpu.memory_space<vmem>>
        %dma_start3A_490 = arith.constant 0 : i32
        %dma_start3A_491 = arith.constant 0 : i32
        %dma_start3A_492 = tpu.memref_slice %arg2[%dma_start3A_490, %dma_start3A_491] : memref<100000x128xf32, #tpu.memory_space<hbm>> -> memref<100000x128xf32, #tpu.memory_space<hbm>>
        tpu.enqueue_indirect_dma source(%dma_start3A_492 : memref<100000x128xf32, #tpu.memory_space<hbm>>) target(%dma_start3A_489 : memref<16x128xf32, #tpu.memory_space<vmem>>) offsets(%get3A_486 : vector<16xi32>) semaphore(%arg15 : memref<!tpu.dma_semaphore, #tpu.memory_space<semaphore_mem>>)
        %get3A_493 = arith.constant 0 : i32
        %get3A_494 = arith.index_cast %add3A_480 : i32 to index
        %get3A_495 = arith.index_cast %get3A_493 : i32 to index
        %get3A_496 = arith.constant 16 : index
        %get3A_497 = tpu.vector_load %arg6[%get3A_494, %get3A_495, %get3A_496] {strides = array<i32>} : memref<28x4x112xi32, #tpu.memory_space<vmem>>, vector<1x1x16xi32>,
        %get3A_498 = vector.shape_cast %get3A_497 : vector<1x1x16xi32> to vector<16xi32>
        %dma_start3A_499 = arith.constant 16 : i32
        %dma_start3A_500 = arith.constant 0 : i32
        %dma_start3A_501 = tpu.memref_slice %arg7[%dma_start3A_499, %dma_start3A_500] : memref<112x128xf32, #tpu.memory_space<vmem>> -> memref<16x128xf32, #tpu.memory_space<vmem>>
        %dma_start3A_502 = arith.constant 0 : i32
        %dma_start3A_503 = arith.constant 0 : i32
        %dma_start3A_504 = tpu.memref_slice %arg2[%dma_start3A_502, %dma_start3A_503] : memref<100000x128xf32, #tpu.memory_space<hbm>> -> memref<100000x128xf32, #tpu.memory_space<hbm>>
        tpu.enqueue_indirect_dma source(%dma_start3A_504 : memref<100000x128xf32, #tpu.memory_space<hbm>>) target(%dma_start3A_501 : memref<16x128xf32, #tpu.memory_space<vmem>>) offsets(%get3A_498 : vector<16xi32>) semaphore(%arg15 : memref<!tpu.dma_semaphore, #tpu.memory_space<semaphore_mem>>)
        %get3A_505 = arith.constant 0 : i32
        %get3A_506 = arith.index_cast %add3A_480 : i32 to index
        %get3A_507 = arith.index_cast %get3A_505 : i32 to index
        %get3A_508 = arith.constant 32 : index
        %get3A_509 = tpu.vector_load %arg6[%get3A_506, %get3A_507, %get3A_508] {strides = array<i32>} : memref<28x4x112xi32, #tpu.memory_space<vmem>>, vector<1x1x16xi32>,
        %get3A_510 = vector.shape_cast %get3A_509 : vector<1x1x16xi32> to vector<16xi32>
        %dma_start3A_511 = arith.constant 32 : i32
        %dma_start3A_512 = arith.constant 0 : i32
        %dma_start3A_513 = tpu.memref_slice %arg7[%dma_start3A_511, %dma_start3A_512] : memref<112x128xf32, #tpu.memory_space<vmem>> -> memref<16x128xf32, #tpu.memory_space<vmem>>
        %dma_start3A_514 = arith.constant 0 : i32
        %dma_start3A_515 = arith.constant 0 : i32
        %dma_start3A_516 = tpu.memref_slice %arg2[%dma_start3A_514, %dma_start3A_515] : memref<100000x128xf32, #tpu.memory_space<hbm>> -> memref<100000x128xf32, #tpu.memory_space<hbm>>
        tpu.enqueue_indirect_dma source(%dma_start3A_516 : memref<100000x128xf32, #tpu.memory_space<hbm>>) target(%dma_start3A_513 : memref<16x128xf32, #tpu.memory_space<vmem>>) offsets(%get3A_510 : vector<16xi32>) semaphore(%arg15 : memref<!tpu.dma_semaphore, #tpu.memory_space<semaphore_mem>>)
        %get3A_517 = arith.constant 0 : i32
        %get3A_518 = arith.index_cast %add3A_480 : i32 to index
        %get3A_519 = arith.index_cast %get3A_517 : i32 to index
        %get3A_520 = arith.constant 48 : index
        %get3A_521 = tpu.vector_load %arg6[%get3A_518, %get3A_519, %get3A_520] {strides = array<i32>} : memref<28x4x112xi32, #tpu.memory_space<vmem>>, vector<1x1x16xi32>,
        %get3A_522 = vector.shape_cast %get3A_521 : vector<1x1x16xi32> to vector<16xi32>
        %dma_start3A_523 = arith.constant 48 : i32
        %dma_start3A_524 = arith.constant 0 : i32
        %dma_start3A_525 = tpu.memref_slice %arg7[%dma_start3A_523, %dma_start3A_524] : memref<112x128xf32, #tpu.memory_space<vmem>> -> memref<16x128xf32, #tpu.memory_space<vmem>>
        %dma_start3A_526 = arith.constant 0 : i32
        %dma_start3A_527 = arith.constant 0 : i32
        %dma_start3A_528 = tpu.memref_slice %arg2[%dma_start3A_526, %dma_start3A_527] : memref<100000x128xf32, #tpu.memory_space<hbm>> -> memref<100000x128xf32, #tpu.memory_space<hbm>>
        tpu.enqueue_indirect_dma source(%dma_start3A_528 : memref<100000x128xf32, #tpu.memory_space<hbm>>) target(%dma_start3A_525 : memref<16x128xf32, #tpu.memory_space<vmem>>) offsets(%get3A_522 : vector<16xi32>) semaphore(%arg15 : memref<!tpu.dma_semaphore, #tpu.memory_space<semaphore_mem>>)
        %get3A_529 = arith.constant 0 : i32
        %get3A_530 = arith.index_cast %add3A_480 : i32 to index
        %get3A_531 = arith.index_cast %get3A_529 : i32 to index
        %get3A_532 = arith.constant 64 : index
        %get3A_533 = tpu.vector_load %arg6[%get3A_530, %get3A_531, %get3A_532] {strides = array<i32>} : memref<28x4x112xi32, #tpu.memory_space<vmem>>, vector<1x1x16xi32>,
        %get3A_534 = vector.shape_cast %get3A_533 : vector<1x1x16xi32> to vector<16xi32>
        %dma_start3A_535 = arith.constant 64 : i32
        %dma_start3A_536 = arith.constant 0 : i32
        %dma_start3A_537 = tpu.memref_slice %arg7[%dma_start3A_535, %dma_start3A_536] : memref<112x128xf32, #tpu.memory_space<vmem>> -> memref<16x128xf32, #tpu.memory_space<vmem>>
        %dma_start3A_538 = arith.constant 0 : i32
        %dma_start3A_539 = arith.constant 0 : i32
        %dma_start3A_540 = tpu.memref_slice %arg2[%dma_start3A_538, %dma_start3A_539] : memref<100000x128xf32, #tpu.memory_space<hbm>> -> memref<100000x128xf32, #tpu.memory_space<hbm>>
        tpu.enqueue_indirect_dma source(%dma_start3A_540 : memref<100000x128xf32, #tpu.memory_space<hbm>>) target(%dma_start3A_537 : memref<16x128xf32, #tpu.memory_space<vmem>>) offsets(%get3A_534 : vector<16xi32>) semaphore(%arg15 : memref<!tpu.dma_semaphore, #tpu.memory_space<semaphore_mem>>)
        %get3A_541 = arith.constant 0 : i32
        %get3A_542 = arith.index_cast %add3A_480 : i32 to index
        %get3A_543 = arith.index_cast %get3A_541 : i32 to index
        %get3A_544 = arith.constant 80 : index
        %get3A_545 = tpu.vector_load %arg6[%get3A_542, %get3A_543, %get3A_544] {strides = array<i32>} : memref<28x4x112xi32, #tpu.memory_space<vmem>>, vector<1x1x16xi32>,
        %get3A_546 = vector.shape_cast %get3A_545 : vector<1x1x16xi32> to vector<16xi32>
        %dma_start3A_547 = arith.constant 80 : i32
        %dma_start3A_548 = arith.constant 0 : i32
        %dma_start3A_549 = tpu.memref_slice %arg7[%dma_start3A_547, %dma_start3A_548] : memref<112x128xf32, #tpu.memory_space<vmem>> -> memref<16x128xf32, #tpu.memory_space<vmem>>
        %dma_start3A_550 = arith.constant 0 : i32
        %dma_start3A_551 = arith.constant 0 : i32
        %dma_start3A_552 = tpu.memref_slice %arg2[%dma_start3A_550, %dma_start3A_551] : memref<100000x128xf32, #tpu.memory_space<hbm>> -> memref<100000x128xf32, #tpu.memory_space<hbm>>
        tpu.enqueue_indirect_dma source(%dma_start3A_552 : memref<100000x128xf32, #tpu.memory_space<hbm>>) target(%dma_start3A_549 : memref<16x128xf32, #tpu.memory_space<vmem>>) offsets(%get3A_546 : vector<16xi32>) semaphore(%arg15 : memref<!tpu.dma_semaphore, #tpu.memory_space<semaphore_mem>>)
        %get3A_553 = arith.constant 0 : i32
        %get3A_554 = arith.index_cast %add3A_480 : i32 to index
        %get3A_555 = arith.index_cast %get3A_553 : i32 to index
        %get3A_556 = arith.constant 96 : index
        %get3A_557 = tpu.vector_load %arg6[%get3A_554, %get3A_555, %get3A_556] {strides = array<i32>} : memref<28x4x112xi32, #tpu.memory_space<vmem>>, vector<1x1x16xi32>,
        %get3A_558 = vector.shape_cast %get3A_557 : vector<1x1x16xi32> to vector<16xi32>
        %dma_start3A_559 = arith.constant 96 : i32
        %dma_start3A_560 = arith.constant 0 : i32
        %dma_start3A_561 = tpu.memref_slice %arg7[%dma_start3A_559, %dma_start3A_560] : memref<112x128xf32, #tpu.memory_space<vmem>> -> memref<16x128xf32, #tpu.memory_space<vmem>>
        %dma_start3A_562 = arith.constant 0 : i32
        %dma_start3A_563 = arith.constant 0 : i32
        %dma_start3A_564 = tpu.memref_slice %arg2[%dma_start3A_562, %dma_start3A_563] : memref<100000x128xf32, #tpu.memory_space<hbm>> -> memref<100000x128xf32, #tpu.memory_space<hbm>>
        tpu.enqueue_indirect_dma source(%dma_start3A_564 : memref<100000x128xf32, #tpu.memory_space<hbm>>) target(%dma_start3A_561 : memref<16x128xf32, #tpu.memory_space<vmem>>) offsets(%get3A_558 : vector<16xi32>) semaphore(%arg15 : memref<!tpu.dma_semaphore, #tpu.memory_space<semaphore_mem>>)
        %get3A_565 = arith.constant 1 : i32
        %get3A_566 = arith.index_cast %add3A_480 : i32 to index
        %get3A_567 = arith.index_cast %get3A_565 : i32 to index
        %get3A_568 = arith.constant 0 : index
        %get3A_569 = tpu.vector_load %arg6[%get3A_566, %get3A_567, %get3A_568] {strides = array<i32>} : memref<28x4x112xi32, #tpu.memory_space<vmem>>, vector<1x1x16xi32>,
        %get3A_570 = vector.shape_cast %get3A_569 : vector<1x1x16xi32> to vector<16xi32>
        %dma_start3A_571 = arith.constant 0 : i32
        %dma_start3A_572 = arith.constant 0 : i32
        %dma_start3A_573 = tpu.memref_slice %arg8[%dma_start3A_571, %dma_start3A_572] : memref<112x128xf32, #tpu.memory_space<vmem>> -> memref<16x128xf32, #tpu.memory_space<vmem>>
        %dma_start3A_574 = arith.constant 0 : i32
        %dma_start3A_575 = arith.constant 0 : i32
        %dma_start3A_576 = tpu.memref_slice %arg3[%dma_start3A_574, %dma_start3A_575] : memref<100000x128xf32, #tpu.memory_space<hbm>> -> memref<100000x128xf32, #tpu.memory_space<hbm>>
        tpu.enqueue_indirect_dma source(%dma_start3A_576 : memref<100000x128xf32, #tpu.memory_space<hbm>>) target(%dma_start3A_573 : memref<16x128xf32, #tpu.memory_space<vmem>>) offsets(%get3A_570 : vector<16xi32>) semaphore(%arg15 : memref<!tpu.dma_semaphore, #tpu.memory_space<semaphore_mem>>)
        %get3A_577 = arith.constant 1 : i32
        %get3A_578 = arith.index_cast %add3A_480 : i32 to index
        %get3A_579 = arith.index_cast %get3A_577 : i32 to index
        %get3A_580 = arith.constant 16 : index
        %get3A_581 = tpu.vector_load %arg6[%get3A_578, %get3A_579, %get3A_580] {strides = array<i32>} : memref<28x4x112xi32, #tpu.memory_space<vmem>>, vector<1x1x16xi32>,
        %get3A_582 = vector.shape_cast %get3A_581 : vector<1x1x16xi32> to vector<16xi32>
        %dma_start3A_583 = arith.constant 16 : i32
        %dma_start3A_584 = arith.constant 0 : i32
        %dma_start3A_585 = tpu.memref_slice %arg8[%dma_start3A_583, %dma_start3A_584] : memref<112x128xf32, #tpu.memory_space<vmem>> -> memref<16x128xf32, #tpu.memory_space<vmem>>
        %dma_start3A_586 = arith.constant 0 : i32
        %dma_start3A_587 = arith.constant 0 : i32
        %dma_start3A_588 = tpu.memref_slice %arg3[%dma_start3A_586, %dma_start3A_587] : memref<100000x128xf32, #tpu.memory_space<hbm>> -> memref<100000x128xf32, #tpu.memory_space<hbm>>
        tpu.enqueue_indirect_dma source(%dma_start3A_588 : memref<100000x128xf32, #tpu.memory_space<hbm>>) target(%dma_start3A_585 : memref<16x128xf32, #tpu.memory_space<vmem>>) offsets(%get3A_582 : vector<16xi32>) semaphore(%arg15 : memref<!tpu.dma_semaphore, #tpu.memory_space<semaphore_mem>>)
        %get3A_589 = arith.constant 1 : i32
        %get3A_590 = arith.index_cast %add3A_480 : i32 to index
        %get3A_591 = arith.index_cast %get3A_589 : i32 to index
        %get3A_592 = arith.constant 32 : index
        %get3A_593 = tpu.vector_load %arg6[%get3A_590, %get3A_591, %get3A_592] {strides = array<i32>} : memref<28x4x112xi32, #tpu.memory_space<vmem>>, vector<1x1x16xi32>,
        %get3A_594 = vector.shape_cast %get3A_593 : vector<1x1x16xi32> to vector<16xi32>
        %dma_start3A_595 = arith.constant 32 : i32
        %dma_start3A_596 = arith.constant 0 : i32
        %dma_start3A_597 = tpu.memref_slice %arg8[%dma_start3A_595, %dma_start3A_596] : memref<112x128xf32, #tpu.memory_space<vmem>> -> memref<16x128xf32, #tpu.memory_space<vmem>>
        %dma_start3A_598 = arith.constant 0 : i32
        %dma_start3A_599 = arith.constant 0 : i32
        %dma_start3A_600 = tpu.memref_slice %arg3[%dma_start3A_598, %dma_start3A_599] : memref<100000x128xf32, #tpu.memory_space<hbm>> -> memref<100000x128xf32, #tpu.memory_space<hbm>>
        tpu.enqueue_indirect_dma source(%dma_start3A_600 : memref<100000x128xf32, #tpu.memory_space<hbm>>) target(%dma_start3A_597 : memref<16x128xf32, #tpu.memory_space<vmem>>) offsets(%get3A_594 : vector<16xi32>) semaphore(%arg15 : memref<!tpu.dma_semaphore, #tpu.memory_space<semaphore_mem>>)
        %get3A_601 = arith.constant 1 : i32
        %get3A_602 = arith.index_cast %add3A_480 : i32 to index
        %get3A_603 = arith.index_cast %get3A_601 : i32 to index
        %get3A_604 = arith.constant 48 : index
        %get3A_605 = tpu.vector_load %arg6[%get3A_602, %get3A_603, %get3A_604] {strides = array<i32>} : memref<28x4x112xi32, #tpu.memory_space<vmem>>, vector<1x1x16xi32>,
        %get3A_606 = vector.shape_cast %get3A_605 : vector<1x1x16xi32> to vector<16xi32>
        %dma_start3A_607 = arith.constant 48 : i32
        %dma_start3A_608 = arith.constant 0 : i32
        %dma_start3A_609 = tpu.memref_slice %arg8[%dma_start3A_607, %dma_start3A_608] : memref<112x128xf32, #tpu.memory_space<vmem>> -> memref<16x128xf32, #tpu.memory_space<vmem>>
        %dma_start3A_610 = arith.constant 0 : i32
        %dma_start3A_611 = arith.constant 0 : i32
        %dma_start3A_612 = tpu.memref_slice %arg3[%dma_start3A_610, %dma_start3A_611] : memref<100000x128xf32, #tpu.memory_space<hbm>> -> memref<100000x128xf32, #tpu.memory_space<hbm>>
        tpu.enqueue_indirect_dma source(%dma_start3A_612 : memref<100000x128xf32, #tpu.memory_space<hbm>>) target(%dma_start3A_609 : memref<16x128xf32, #tpu.memory_space<vmem>>) offsets(%get3A_606 : vector<16xi32>) semaphore(%arg15 : memref<!tpu.dma_semaphore, #tpu.memory_space<semaphore_mem>>)
        %get3A_613 = arith.constant 1 : i32
        %get3A_614 = arith.index_cast %add3A_480 : i32 to index
        %get3A_615 = arith.index_cast %get3A_613 : i32 to index
        %get3A_616 = arith.constant 64 : index
        %get3A_617 = tpu.vector_load %arg6[%get3A_614, %get3A_615, %get3A_616] {strides = array<i32>} : memref<28x4x112xi32, #tpu.memory_space<vmem>>, vector<1x1x16xi32>,
        %get3A_618 = vector.shape_cast %get3A_617 : vector<1x1x16xi32> to vector<16xi32>
        %dma_start3A_619 = arith.constant 64 : i32
        %dma_start3A_620 = arith.constant 0 : i32
        %dma_start3A_621 = tpu.memref_slice %arg8[%dma_start3A_619, %dma_start3A_620] : memref<112x128xf32, #tpu.memory_space<vmem>> -> memref<16x128xf32, #tpu.memory_space<vmem>>
        %dma_start3A_622 = arith.constant 0 : i32
        %dma_start3A_623 = arith.constant 0 : i32
        %dma_start3A_624 = tpu.memref_slice %arg3[%dma_start3A_622, %dma_start3A_623] : memref<100000x128xf32, #tpu.memory_space<hbm>> -> memref<100000x128xf32, #tpu.memory_space<hbm>>
        tpu.enqueue_indirect_dma source(%dma_start3A_624 : memref<100000x128xf32, #tpu.memory_space<hbm>>) target(%dma_start3A_621 : memref<16x128xf32, #tpu.memory_space<vmem>>) offsets(%get3A_618 : vector<16xi32>) semaphore(%arg15 : memref<!tpu.dma_semaphore, #tpu.memory_space<semaphore_mem>>)
        %get3A_625 = arith.constant 1 : i32
        %get3A_626 = arith.index_cast %add3A_480 : i32 to index
        %get3A_627 = arith.index_cast %get3A_625 : i32 to index
        %get3A_628 = arith.constant 80 : index
        %get3A_629 = tpu.vector_load %arg6[%get3A_626, %get3A_627, %get3A_628] {strides = array<i32>} : memref<28x4x112xi32, #tpu.memory_space<vmem>>, vector<1x1x16xi32>,
        %get3A_630 = vector.shape_cast %get3A_629 : vector<1x1x16xi32> to vector<16xi32>
        %dma_start3A_631 = arith.constant 80 : i32
        %dma_start3A_632 = arith.constant 0 : i32
        %dma_start3A_633 = tpu.memref_slice %arg8[%dma_start3A_631, %dma_start3A_632] : memref<112x128xf32, #tpu.memory_space<vmem>> -> memref<16x128xf32, #tpu.memory_space<vmem>>
        %dma_start3A_634 = arith.constant 0 : i32
        %dma_start3A_635 = arith.constant 0 : i32
        %dma_start3A_636 = tpu.memref_slice %arg3[%dma_start3A_634, %dma_start3A_635] : memref<100000x128xf32, #tpu.memory_space<hbm>> -> memref<100000x128xf32, #tpu.memory_space<hbm>>
        tpu.enqueue_indirect_dma source(%dma_start3A_636 : memref<100000x128xf32, #tpu.memory_space<hbm>>) target(%dma_start3A_633 : memref<16x128xf32, #tpu.memory_space<vmem>>) offsets(%get3A_630 : vector<16xi32>) semaphore(%arg15 : memref<!tpu.dma_semaphore, #tpu.memory_space<semaphore_mem>>)
        %get3A_637 = arith.constant 1 : i32
        %get3A_638 = arith.index_cast %add3A_480 : i32 to index
        %get3A_639 = arith.index_cast %get3A_637 : i32 to index
        %get3A_640 = arith.constant 96 : index
        %get3A_641 = tpu.vector_load %arg6[%get3A_638, %get3A_639, %get3A_640] {strides = array<i32>} : memref<28x4x112xi32, #tpu.memory_space<vmem>>, vector<1x1x16xi32>,
        %get3A_642 = vector.shape_cast %get3A_641 : vector<1x1x16xi32> to vector<16xi32>
        %dma_start3A_643 = arith.constant 96 : i32
        %dma_start3A_644 = arith.constant 0 : i32
        %dma_start3A_645 = tpu.memref_slice %arg8[%dma_start3A_643, %dma_start3A_644] : memref<112x128xf32, #tpu.memory_space<vmem>> -> memref<16x128xf32, #tpu.memory_space<vmem>>
        %dma_start3A_646 = arith.constant 0 : i32
        %dma_start3A_647 = arith.constant 0 : i32
        %dma_start3A_648 = tpu.memref_slice %arg3[%dma_start3A_646, %dma_start3A_647] : memref<100000x128xf32, #tpu.memory_space<hbm>> -> memref<100000x128xf32, #tpu.memory_space<hbm>>
        tpu.enqueue_indirect_dma source(%dma_start3A_648 : memref<100000x128xf32, #tpu.memory_space<hbm>>) target(%dma_start3A_645 : memref<16x128xf32, #tpu.memory_space<vmem>>) offsets(%get3A_642 : vector<16xi32>) semaphore(%arg15 : memref<!tpu.dma_semaphore, #tpu.memory_space<semaphore_mem>>)
        %get3A_649 = arith.constant 2 : i32
        %get3A_650 = arith.index_cast %add3A_480 : i32 to index
        %get3A_651 = arith.index_cast %get3A_649 : i32 to index
        %get3A_652 = arith.constant 0 : index
        %get3A_653 = tpu.vector_load %arg6[%get3A_650, %get3A_651, %get3A_652] {strides = array<i32>} : memref<28x4x112xi32, #tpu.memory_space<vmem>>, vector<1x1x16xi32>,
        %get3A_654 = vector.shape_cast %get3A_653 : vector<1x1x16xi32> to vector<16xi32>
        %dma_start3A_655 = arith.constant 0 : i32
        %dma_start3A_656 = arith.constant 0 : i32
        %dma_start3A_657 = tpu.memref_slice %arg9[%dma_start3A_655, %dma_start3A_656] : memref<112x128xf32, #tpu.memory_space<vmem>> -> memref<16x128xf32, #tpu.memory_space<vmem>>
        %dma_start3A_658 = arith.constant 0 : i32
        %dma_start3A_659 = arith.constant 0 : i32
        %dma_start3A_660 = tpu.memref_slice %arg3[%dma_start3A_658, %dma_start3A_659] : memref<100000x128xf32, #tpu.memory_space<hbm>> -> memref<100000x128xf32, #tpu.memory_space<hbm>>
        tpu.enqueue_indirect_dma source(%dma_start3A_660 : memref<100000x128xf32, #tpu.memory_space<hbm>>) target(%dma_start3A_657 : memref<16x128xf32, #tpu.memory_space<vmem>>) offsets(%get3A_654 : vector<16xi32>) semaphore(%arg15 : memref<!tpu.dma_semaphore, #tpu.memory_space<semaphore_mem>>)
        %get3A_661 = arith.constant 2 : i32
        %get3A_662 = arith.index_cast %add3A_480 : i32 to index
        %get3A_663 = arith.index_cast %get3A_661 : i32 to index
        %get3A_664 = arith.constant 16 : index
        %get3A_665 = tpu.vector_load %arg6[%get3A_662, %get3A_663, %get3A_664] {strides = array<i32>} : memref<28x4x112xi32, #tpu.memory_space<vmem>>, vector<1x1x16xi32>,
        %get3A_666 = vector.shape_cast %get3A_665 : vector<1x1x16xi32> to vector<16xi32>
        %dma_start3A_667 = arith.constant 16 : i32
        %dma_start3A_668 = arith.constant 0 : i32
        %dma_start3A_669 = tpu.memref_slice %arg9[%dma_start3A_667, %dma_start3A_668] : memref<112x128xf32, #tpu.memory_space<vmem>> -> memref<16x128xf32, #tpu.memory_space<vmem>>
        %dma_start3A_670 = arith.constant 0 : i32
        %dma_start3A_671 = arith.constant 0 : i32
        %dma_start3A_672 = tpu.memref_slice %arg3[%dma_start3A_670, %dma_start3A_671] : memref<100000x128xf32, #tpu.memory_space<hbm>> -> memref<100000x128xf32, #tpu.memory_space<hbm>>
        tpu.enqueue_indirect_dma source(%dma_start3A_672 : memref<100000x128xf32, #tpu.memory_space<hbm>>) target(%dma_start3A_669 : memref<16x128xf32, #tpu.memory_space<vmem>>) offsets(%get3A_666 : vector<16xi32>) semaphore(%arg15 : memref<!tpu.dma_semaphore, #tpu.memory_space<semaphore_mem>>)
        %get3A_673 = arith.constant 2 : i32
        %get3A_674 = arith.index_cast %add3A_480 : i32 to index
        %get3A_675 = arith.index_cast %get3A_673 : i32 to index
        %get3A_676 = arith.constant 32 : index
        %get3A_677 = tpu.vector_load %arg6[%get3A_674, %get3A_675, %get3A_676] {strides = array<i32>} : memref<28x4x112xi32, #tpu.memory_space<vmem>>, vector<1x1x16xi32>,
        %get3A_678 = vector.shape_cast %get3A_677 : vector<1x1x16xi32> to vector<16xi32>
        %dma_start3A_679 = arith.constant 32 : i32
        %dma_start3A_680 = arith.constant 0 : i32
        %dma_start3A_681 = tpu.memref_slice %arg9[%dma_start3A_679, %dma_start3A_680] : memref<112x128xf32, #tpu.memory_space<vmem>> -> memref<16x128xf32, #tpu.memory_space<vmem>>
        %dma_start3A_682 = arith.constant 0 : i32
        %dma_start3A_683 = arith.constant 0 : i32
        %dma_start3A_684 = tpu.memref_slice %arg3[%dma_start3A_682, %dma_start3A_683] : memref<100000x128xf32, #tpu.memory_space<hbm>> -> memref<100000x128xf32, #tpu.memory_space<hbm>>
        tpu.enqueue_indirect_dma source(%dma_start3A_684 : memref<100000x128xf32, #tpu.memory_space<hbm>>) target(%dma_start3A_681 : memref<16x128xf32, #tpu.memory_space<vmem>>) offsets(%get3A_678 : vector<16xi32>) semaphore(%arg15 : memref<!tpu.dma_semaphore, #tpu.memory_space<semaphore_mem>>)
        %get3A_685 = arith.constant 2 : i32
        %get3A_686 = arith.index_cast %add3A_480 : i32 to index
        %get3A_687 = arith.index_cast %get3A_685 : i32 to index
        %get3A_688 = arith.constant 48 : index
        %get3A_689 = tpu.vector_load %arg6[%get3A_686, %get3A_687, %get3A_688] {strides = array<i32>} : memref<28x4x112xi32, #tpu.memory_space<vmem>>, vector<1x1x16xi32>,
        %get3A_690 = vector.shape_cast %get3A_689 : vector<1x1x16xi32> to vector<16xi32>
        %dma_start3A_691 = arith.constant 48 : i32
        %dma_start3A_692 = arith.constant 0 : i32
        %dma_start3A_693 = tpu.memref_slice %arg9[%dma_start3A_691, %dma_start3A_692] : memref<112x128xf32, #tpu.memory_space<vmem>> -> memref<16x128xf32, #tpu.memory_space<vmem>>
        %dma_start3A_694 = arith.constant 0 : i32
        %dma_start3A_695 = arith.constant 0 : i32
        %dma_start3A_696 = tpu.memref_slice %arg3[%dma_start3A_694, %dma_start3A_695] : memref<100000x128xf32, #tpu.memory_space<hbm>> -> memref<100000x128xf32, #tpu.memory_space<hbm>>
        tpu.enqueue_indirect_dma source(%dma_start3A_696 : memref<100000x128xf32, #tpu.memory_space<hbm>>) target(%dma_start3A_693 : memref<16x128xf32, #tpu.memory_space<vmem>>) offsets(%get3A_690 : vector<16xi32>) semaphore(%arg15 : memref<!tpu.dma_semaphore, #tpu.memory_space<semaphore_mem>>)
        %get3A_697 = arith.constant 2 : i32
        %get3A_698 = arith.index_cast %add3A_480 : i32 to index
        %get3A_699 = arith.index_cast %get3A_697 : i32 to index
        %get3A_700 = arith.constant 64 : index
        %get3A_701 = tpu.vector_load %arg6[%get3A_698, %get3A_699, %get3A_700] {strides = array<i32>} : memref<28x4x112xi32, #tpu.memory_space<vmem>>, vector<1x1x16xi32>,
        %get3A_702 = vector.shape_cast %get3A_701 : vector<1x1x16xi32> to vector<16xi32>
        %dma_start3A_703 = arith.constant 64 : i32
        %dma_start3A_704 = arith.constant 0 : i32
        %dma_start3A_705 = tpu.memref_slice %arg9[%dma_start3A_703, %dma_start3A_704] : memref<112x128xf32, #tpu.memory_space<vmem>> -> memref<16x128xf32, #tpu.memory_space<vmem>>
        %dma_start3A_706 = arith.constant 0 : i32
        %dma_start3A_707 = arith.constant 0 : i32
        %dma_start3A_708 = tpu.memref_slice %arg3[%dma_start3A_706, %dma_start3A_707] : memref<100000x128xf32, #tpu.memory_space<hbm>> -> memref<100000x128xf32, #tpu.memory_space<hbm>>
        tpu.enqueue_indirect_dma source(%dma_start3A_708 : memref<100000x128xf32, #tpu.memory_space<hbm>>) target(%dma_start3A_705 : memref<16x128xf32, #tpu.memory_space<vmem>>) offsets(%get3A_702 : vector<16xi32>) semaphore(%arg15 : memref<!tpu.dma_semaphore, #tpu.memory_space<semaphore_mem>>)
        %get3A_709 = arith.constant 2 : i32
        %get3A_710 = arith.index_cast %add3A_480 : i32 to index
        %get3A_711 = arith.index_cast %get3A_709 : i32 to index
        %get3A_712 = arith.constant 80 : index
        %get3A_713 = tpu.vector_load %arg6[%get3A_710, %get3A_711, %get3A_712] {strides = array<i32>} : memref<28x4x112xi32, #tpu.memory_space<vmem>>, vector<1x1x16xi32>,
        %get3A_714 = vector.shape_cast %get3A_713 : vector<1x1x16xi32> to vector<16xi32>
        %dma_start3A_715 = arith.constant 80 : i32
        %dma_start3A_716 = arith.constant 0 : i32
        %dma_start3A_717 = tpu.memref_slice %arg9[%dma_start3A_715, %dma_start3A_716] : memref<112x128xf32, #tpu.memory_space<vmem>> -> memref<16x128xf32, #tpu.memory_space<vmem>>
        %dma_start3A_718 = arith.constant 0 : i32
        %dma_start3A_719 = arith.constant 0 : i32
        %dma_start3A_720 = tpu.memref_slice %arg3[%dma_start3A_718, %dma_start3A_719] : memref<100000x128xf32, #tpu.memory_space<hbm>> -> memref<100000x128xf32, #tpu.memory_space<hbm>>
        tpu.enqueue_indirect_dma source(%dma_start3A_720 : memref<100000x128xf32, #tpu.memory_space<hbm>>) target(%dma_start3A_717 : memref<16x128xf32, #tpu.memory_space<vmem>>) offsets(%get3A_714 : vector<16xi32>) semaphore(%arg15 : memref<!tpu.dma_semaphore, #tpu.memory_space<semaphore_mem>>)
        %get3A_721 = arith.constant 2 : i32
        %get3A_722 = arith.index_cast %add3A_480 : i32 to index
        %get3A_723 = arith.index_cast %get3A_721 : i32 to index
        %get3A_724 = arith.constant 96 : index
        %get3A_725 = tpu.vector_load %arg6[%get3A_722, %get3A_723, %get3A_724] {strides = array<i32>} : memref<28x4x112xi32, #tpu.memory_space<vmem>>, vector<1x1x16xi32>,
        %get3A_726 = vector.shape_cast %get3A_725 : vector<1x1x16xi32> to vector<16xi32>
        %dma_start3A_727 = arith.constant 96 : i32
        %dma_start3A_728 = arith.constant 0 : i32
        %dma_start3A_729 = tpu.memref_slice %arg9[%dma_start3A_727, %dma_start3A_728] : memref<112x128xf32, #tpu.memory_space<vmem>> -> memref<16x128xf32, #tpu.memory_space<vmem>>
        %dma_start3A_730 = arith.constant 0 : i32
        %dma_start3A_731 = arith.constant 0 : i32
        %dma_start3A_732 = tpu.memref_slice %arg3[%dma_start3A_730, %dma_start3A_731] : memref<100000x128xf32, #tpu.memory_space<hbm>> -> memref<100000x128xf32, #tpu.memory_space<hbm>>
        tpu.enqueue_indirect_dma source(%dma_start3A_732 : memref<100000x128xf32, #tpu.memory_space<hbm>>) target(%dma_start3A_729 : memref<16x128xf32, #tpu.memory_space<vmem>>) offsets(%get3A_726 : vector<16xi32>) semaphore(%arg15 : memref<!tpu.dma_semaphore, #tpu.memory_space<semaphore_mem>>)
        %get3A_733 = arith.constant 3 : i32
        %get3A_734 = arith.index_cast %add3A_480 : i32 to index
        %get3A_735 = arith.index_cast %get3A_733 : i32 to index
        %get3A_736 = arith.constant 0 : index
        %get3A_737 = tpu.vector_load %arg6[%get3A_734, %get3A_735, %get3A_736] {strides = array<i32>} : memref<28x4x112xi32, #tpu.memory_space<vmem>>, vector<1x1x16xi32>,
        %get3A_738 = vector.shape_cast %get3A_737 : vector<1x1x16xi32> to vector<16xi32>
        %dma_start3A_739 = arith.constant 0 : i32
        %dma_start3A_740 = arith.constant 0 : i32
        %dma_start3A_741 = tpu.memref_slice %arg10[%dma_start3A_739, %dma_start3A_740] : memref<112x128xf32, #tpu.memory_space<vmem>> -> memref<16x128xf32, #tpu.memory_space<vmem>>
        %dma_start3A_742 = arith.constant 0 : i32
        %dma_start3A_743 = arith.constant 0 : i32
        %dma_start3A_744 = tpu.memref_slice %arg3[%dma_start3A_742, %dma_start3A_743] : memref<100000x128xf32, #tpu.memory_space<hbm>> -> memref<100000x128xf32, #tpu.memory_space<hbm>>
        tpu.enqueue_indirect_dma source(%dma_start3A_744 : memref<100000x128xf32, #tpu.memory_space<hbm>>) target(%dma_start3A_741 : memref<16x128xf32, #tpu.memory_space<vmem>>) offsets(%get3A_738 : vector<16xi32>) semaphore(%arg15 : memref<!tpu.dma_semaphore, #tpu.memory_space<semaphore_mem>>)
        %get3A_745 = arith.constant 3 : i32
        %get3A_746 = arith.index_cast %add3A_480 : i32 to index
        %get3A_747 = arith.index_cast %get3A_745 : i32 to index
        %get3A_748 = arith.constant 16 : index
        %get3A_749 = tpu.vector_load %arg6[%get3A_746, %get3A_747, %get3A_748] {strides = array<i32>} : memref<28x4x112xi32, #tpu.memory_space<vmem>>, vector<1x1x16xi32>,
        %get3A_750 = vector.shape_cast %get3A_749 : vector<1x1x16xi32> to vector<16xi32>
        %dma_start3A_751 = arith.constant 16 : i32
        %dma_start3A_752 = arith.constant 0 : i32
        %dma_start3A_753 = tpu.memref_slice %arg10[%dma_start3A_751, %dma_start3A_752] : memref<112x128xf32, #tpu.memory_space<vmem>> -> memref<16x128xf32, #tpu.memory_space<vmem>>
        %dma_start3A_754 = arith.constant 0 : i32
        %dma_start3A_755 = arith.constant 0 : i32
        %dma_start3A_756 = tpu.memref_slice %arg3[%dma_start3A_754, %dma_start3A_755] : memref<100000x128xf32, #tpu.memory_space<hbm>> -> memref<100000x128xf32, #tpu.memory_space<hbm>>
        tpu.enqueue_indirect_dma source(%dma_start3A_756 : memref<100000x128xf32, #tpu.memory_space<hbm>>) target(%dma_start3A_753 : memref<16x128xf32, #tpu.memory_space<vmem>>) offsets(%get3A_750 : vector<16xi32>) semaphore(%arg15 : memref<!tpu.dma_semaphore, #tpu.memory_space<semaphore_mem>>)
        %get3A_757 = arith.constant 3 : i32
        %get3A_758 = arith.index_cast %add3A_480 : i32 to index
        %get3A_759 = arith.index_cast %get3A_757 : i32 to index
        %get3A_760 = arith.constant 32 : index
        %get3A_761 = tpu.vector_load %arg6[%get3A_758, %get3A_759, %get3A_760] {strides = array<i32>} : memref<28x4x112xi32, #tpu.memory_space<vmem>>, vector<1x1x16xi32>,
        %get3A_762 = vector.shape_cast %get3A_761 : vector<1x1x16xi32> to vector<16xi32>
        %dma_start3A_763 = arith.constant 32 : i32
        %dma_start3A_764 = arith.constant 0 : i32
        %dma_start3A_765 = tpu.memref_slice %arg10[%dma_start3A_763, %dma_start3A_764] : memref<112x128xf32, #tpu.memory_space<vmem>> -> memref<16x128xf32, #tpu.memory_space<vmem>>
        %dma_start3A_766 = arith.constant 0 : i32
        %dma_start3A_767 = arith.constant 0 : i32
        %dma_start3A_768 = tpu.memref_slice %arg3[%dma_start3A_766, %dma_start3A_767] : memref<100000x128xf32, #tpu.memory_space<hbm>> -> memref<100000x128xf32, #tpu.memory_space<hbm>>
        tpu.enqueue_indirect_dma source(%dma_start3A_768 : memref<100000x128xf32, #tpu.memory_space<hbm>>) target(%dma_start3A_765 : memref<16x128xf32, #tpu.memory_space<vmem>>) offsets(%get3A_762 : vector<16xi32>) semaphore(%arg15 : memref<!tpu.dma_semaphore, #tpu.memory_space<semaphore_mem>>)
        %get3A_769 = arith.constant 3 : i32
        %get3A_770 = arith.index_cast %add3A_480 : i32 to index
        %get3A_771 = arith.index_cast %get3A_769 : i32 to index
        %get3A_772 = arith.constant 48 : index
        %get3A_773 = tpu.vector_load %arg6[%get3A_770, %get3A_771, %get3A_772] {strides = array<i32>} : memref<28x4x112xi32, #tpu.memory_space<vmem>>, vector<1x1x16xi32>,
        %get3A_774 = vector.shape_cast %get3A_773 : vector<1x1x16xi32> to vector<16xi32>
        %dma_start3A_775 = arith.constant 48 : i32
        %dma_start3A_776 = arith.constant 0 : i32
        %dma_start3A_777 = tpu.memref_slice %arg10[%dma_start3A_775, %dma_start3A_776] : memref<112x128xf32, #tpu.memory_space<vmem>> -> memref<16x128xf32, #tpu.memory_space<vmem>>
        %dma_start3A_778 = arith.constant 0 : i32
        %dma_start3A_779 = arith.constant 0 : i32
        %dma_start3A_780 = tpu.memref_slice %arg3[%dma_start3A_778, %dma_start3A_779] : memref<100000x128xf32, #tpu.memory_space<hbm>> -> memref<100000x128xf32, #tpu.memory_space<hbm>>
        tpu.enqueue_indirect_dma source(%dma_start3A_780 : memref<100000x128xf32, #tpu.memory_space<hbm>>) target(%dma_start3A_777 : memref<16x128xf32, #tpu.memory_space<vmem>>) offsets(%get3A_774 : vector<16xi32>) semaphore(%arg15 : memref<!tpu.dma_semaphore, #tpu.memory_space<semaphore_mem>>)
        %get3A_781 = arith.constant 3 : i32
        %get3A_782 = arith.index_cast %add3A_480 : i32 to index
        %get3A_783 = arith.index_cast %get3A_781 : i32 to index
        %get3A_784 = arith.constant 64 : index
        %get3A_785 = tpu.vector_load %arg6[%get3A_782, %get3A_783, %get3A_784] {strides = array<i32>} : memref<28x4x112xi32, #tpu.memory_space<vmem>>, vector<1x1x16xi32>,
        %get3A_786 = vector.shape_cast %get3A_785 : vector<1x1x16xi32> to vector<16xi32>
        %dma_start3A_787 = arith.constant 64 : i32
        %dma_start3A_788 = arith.constant 0 : i32
        %dma_start3A_789 = tpu.memref_slice %arg10[%dma_start3A_787, %dma_start3A_788] : memref<112x128xf32, #tpu.memory_space<vmem>> -> memref<16x128xf32, #tpu.memory_space<vmem>>
        %dma_start3A_790 = arith.constant 0 : i32
        %dma_start3A_791 = arith.constant 0 : i32
        %dma_start3A_792 = tpu.memref_slice %arg3[%dma_start3A_790, %dma_start3A_791] : memref<100000x128xf32, #tpu.memory_space<hbm>> -> memref<100000x128xf32, #tpu.memory_space<hbm>>
        tpu.enqueue_indirect_dma source(%dma_start3A_792 : memref<100000x128xf32, #tpu.memory_space<hbm>>) target(%dma_start3A_789 : memref<16x128xf32, #tpu.memory_space<vmem>>) offsets(%get3A_786 : vector<16xi32>) semaphore(%arg15 : memref<!tpu.dma_semaphore, #tpu.memory_space<semaphore_mem>>)
        %get3A_793 = arith.constant 3 : i32
        %get3A_794 = arith.index_cast %add3A_480 : i32 to index
        %get3A_795 = arith.index_cast %get3A_793 : i32 to index
        %get3A_796 = arith.constant 80 : index
        %get3A_797 = tpu.vector_load %arg6[%get3A_794, %get3A_795, %get3A_796] {strides = array<i32>} : memref<28x4x112xi32, #tpu.memory_space<vmem>>, vector<1x1x16xi32>,
        %get3A_798 = vector.shape_cast %get3A_797 : vector<1x1x16xi32> to vector<16xi32>
        %dma_start3A_799 = arith.constant 80 : i32
        %dma_start3A_800 = arith.constant 0 : i32
        %dma_start3A_801 = tpu.memref_slice %arg10[%dma_start3A_799, %dma_start3A_800] : memref<112x128xf32, #tpu.memory_space<vmem>> -> memref<16x128xf32, #tpu.memory_space<vmem>>
        %dma_start3A_802 = arith.constant 0 : i32
        %dma_start3A_803 = arith.constant 0 : i32
        %dma_start3A_804 = tpu.memref_slice %arg3[%dma_start3A_802, %dma_start3A_803] : memref<100000x128xf32, #tpu.memory_space<hbm>> -> memref<100000x128xf32, #tpu.memory_space<hbm>>
        tpu.enqueue_indirect_dma source(%dma_start3A_804 : memref<100000x128xf32, #tpu.memory_space<hbm>>) target(%dma_start3A_801 : memref<16x128xf32, #tpu.memory_space<vmem>>) offsets(%get3A_798 : vector<16xi32>) semaphore(%arg15 : memref<!tpu.dma_semaphore, #tpu.memory_space<semaphore_mem>>)
        %get3A_805 = arith.constant 3 : i32
        %get3A_806 = arith.index_cast %add3A_480 : i32 to index
        %get3A_807 = arith.index_cast %get3A_805 : i32 to index
        %get3A_808 = arith.constant 96 : index
        %get3A_809 = tpu.vector_load %arg6[%get3A_806, %get3A_807, %get3A_808] {strides = array<i32>} : memref<28x4x112xi32, #tpu.memory_space<vmem>>, vector<1x1x16xi32>,
        %get3A_810 = vector.shape_cast %get3A_809 : vector<1x1x16xi32> to vector<16xi32>
        %dma_start3A_811 = arith.constant 96 : i32
        %dma_start3A_812 = arith.constant 0 : i32
        %dma_start3A_813 = tpu.memref_slice %arg10[%dma_start3A_811, %dma_start3A_812] : memref<112x128xf32, #tpu.memory_space<vmem>> -> memref<16x128xf32, #tpu.memory_space<vmem>>
        %dma_start3A_814 = arith.constant 0 : i32
        %dma_start3A_815 = arith.constant 0 : i32
        %dma_start3A_816 = tpu.memref_slice %arg3[%dma_start3A_814, %dma_start3A_815] : memref<100000x128xf32, #tpu.memory_space<hbm>> -> memref<100000x128xf32, #tpu.memory_space<hbm>>
        tpu.enqueue_indirect_dma source(%dma_start3A_816 : memref<100000x128xf32, #tpu.memory_space<hbm>>) target(%dma_start3A_813 : memref<16x128xf32, #tpu.memory_space<vmem>>) offsets(%get3A_810 : vector<16xi32>) semaphore(%arg15 : memref<!tpu.dma_semaphore, #tpu.memory_space<semaphore_mem>>)
      } else {
      }
      %dma_wait3A_438 = arith.constant 0 : i32
      %dma_wait3A_439 = arith.constant 0 : i32
      %dma_wait3A_440 = tpu.memref_slice %arg2[%dma_wait3A_438, %dma_wait3A_439] : memref<100000x128xf32, #tpu.memory_space<hbm>> -> memref<112x128xf32, #tpu.memory_space<hbm>>
      %dma_wait3A_441 = arith.constant 0 : i32
      %dma_wait3A_442 = arith.constant 0 : i32
      %dma_wait3A_443 = tpu.memref_slice %arg2[%dma_wait3A_441, %dma_wait3A_442] : memref<100000x128xf32, #tpu.memory_space<hbm>> -> memref<112x128xf32, #tpu.memory_space<hbm>>
      tpu.wait_dma2 semaphore(%arg16 : memref<!tpu.dma_semaphore, #tpu.memory_space<semaphore_mem>>) src(%dma_wait3A_443 : memref<112x128xf32, #tpu.memory_space<hbm>>) dst(%arg11 : memref<112x128xf32, #tpu.memory_space<vmem>>)
      %dma_wait3A_444 = arith.constant 0 : i32
      %dma_wait3A_445 = arith.constant 0 : i32
      %dma_wait3A_446 = tpu.memref_slice %arg2[%dma_wait3A_444, %dma_wait3A_445] : memref<100000x128xf32, #tpu.memory_space<hbm>> -> memref<112x128xf32, #tpu.memory_space<hbm>>
      %dma_wait3A_447 = arith.constant 0 : i32
      %dma_wait3A_448 = arith.constant 0 : i32
      %dma_wait3A_449 = tpu.memref_slice %arg2[%dma_wait3A_447, %dma_wait3A_448] : memref<100000x128xf32, #tpu.memory_space<hbm>> -> memref<112x128xf32, #tpu.memory_space<hbm>>
      tpu.wait_dma2 semaphore(%arg16 : memref<!tpu.dma_semaphore, #tpu.memory_space<semaphore_mem>>) src(%dma_wait3A_449 : memref<112x128xf32, #tpu.memory_space<hbm>>) dst(%arg11 : memref<112x128xf32, #tpu.memory_space<vmem>>)
      %dma_wait3A_450 = arith.constant 0 : i32
      %dma_wait3A_451 = arith.constant 0 : i32
      %dma_wait3A_452 = tpu.memref_slice %arg2[%dma_wait3A_450, %dma_wait3A_451] : memref<100000x128xf32, #tpu.memory_space<hbm>> -> memref<112x128xf32, #tpu.memory_space<hbm>>
      %dma_wait3A_453 = arith.constant 0 : i32
      %dma_wait3A_454 = arith.constant 0 : i32
      %dma_wait3A_455 = tpu.memref_slice %arg2[%dma_wait3A_453, %dma_wait3A_454] : memref<100000x128xf32, #tpu.memory_space<hbm>> -> memref<112x128xf32, #tpu.memory_space<hbm>>
      tpu.wait_dma2 semaphore(%arg16 : memref<!tpu.dma_semaphore, #tpu.memory_space<semaphore_mem>>) src(%dma_wait3A_455 : memref<112x128xf32, #tpu.memory_space<hbm>>) dst(%arg11 : memref<112x128xf32, #tpu.memory_space<vmem>>)
      %dma_wait3A_456 = arith.constant 0 : i32
      %dma_wait3A_457 = arith.constant 0 : i32
      %dma_wait3A_458 = tpu.memref_slice %arg2[%dma_wait3A_456, %dma_wait3A_457] : memref<100000x128xf32, #tpu.memory_space<hbm>> -> memref<112x128xf32, #tpu.memory_space<hbm>>
      %dma_wait3A_459 = arith.constant 0 : i32
      %dma_wait3A_460 = arith.constant 0 : i32
      %dma_wait3A_461 = tpu.memref_slice %arg2[%dma_wait3A_459, %dma_wait3A_460] : memref<100000x128xf32, #tpu.memory_space<hbm>> -> memref<112x128xf32, #tpu.memory_space<hbm>>
      tpu.wait_dma2 semaphore(%arg16 : memref<!tpu.dma_semaphore, #tpu.memory_space<semaphore_mem>>) src(%dma_wait3A_461 : memref<112x128xf32, #tpu.memory_space<hbm>>) dst(%arg11 : memref<112x128xf32, #tpu.memory_space<vmem>>)
      %scan3A_462 = arith.constant 0 : i32
      %scan3A_463 = arith.constant 0 : i32
      %scan3A_464 = arith.constant 112 : i32
      %scan3A_465 = arith.addi %scan3A_463, %scan3A_464 : i32
      %scan3A_466 = arith.constant 1 : i32
      scf.for %scan3A_475 = %scan3A_463 to %scan3A_465 step %scan3A_466  : i32 {
        %get3A_476 = arith.index_cast %scan3A_475 : i32 to index
        %get3A_477 = arith.constant 0 : index
        %get3A_478 = tpu.vector_load %arg11[%get3A_476, %get3A_477] {strides = array<i32>} : memref<112x128xf32, #tpu.memory_space<vmem>>, vector<1x16xf32>,
        %get3A_479 = vector.shape_cast %get3A_478 : vector<1x16xf32> to vector<16xf32>
        %get3A_480 = arith.index_cast %scan3A_475 : i32 to index
        %get3A_481 = arith.constant 0 : index
        %get3A_482 = tpu.vector_load %arg12[%get3A_480, %get3A_481] {strides = array<i32>} : memref<112x128xf32, #tpu.memory_space<vmem>>, vector<1x16xf32>,
        %get3A_483 = vector.shape_cast %get3A_482 : vector<1x16xf32> to vector<16xf32>
        %add3A_484 = arith.addf %get3A_479, %get3A_483 : vector<16xf32>
        %get3A_485 = arith.index_cast %scan3A_475 : i32 to index
        %get3A_486 = arith.constant 0 : index
        %get3A_487 = tpu.vector_load %arg13[%get3A_485, %get3A_486] {strides = array<i32>} : memref<112x128xf32, #tpu.memory_space<vmem>>, vector<1x16xf32>,
        %get3A_488 = vector.shape_cast %get3A_487 : vector<1x16xf32> to vector<16xf32>
        %add3A_489 = arith.addf %add3A_484, %get3A_488 : vector<16xf32>
        %get3A_490 = arith.index_cast %scan3A_475 : i32 to index
        %get3A_491 = arith.constant 0 : index
        %get3A_492 = tpu.vector_load %arg14[%get3A_490, %get3A_491] {strides = array<i32>} : memref<112x128xf32, #tpu.memory_space<vmem>>, vector<1x16xf32>,
        %get3A_493 = vector.shape_cast %get3A_492 : vector<1x16xf32> to vector<16xf32>
        %add3A_494 = arith.addf %add3A_489, %get3A_493 : vector<16xf32>
        %swap3A = arith.index_cast %scan3A_475 : i32 to index
        %swap3A_495 = arith.constant 0 : index
        %swap3A_496 = tpu.vector_load %arg11[%swap3A, %swap3A_495] {strides = array<i32>} : memref<112x128xf32, #tpu.memory_space<vmem>>, vector<1x16xf32>,
        %swap3A_497 = vector.shape_cast %swap3A_496 : vector<1x16xf32> to vector<16xf32>
        %swap3A_498 = vector.shape_cast %add3A_494 : vector<16xf32> to vector<1x16xf32>
        tpu.vector_store %arg11[%swap3A, %swap3A_495], %swap3A_498 {strides = array<i32>} : memref<112x128xf32, #tpu.memory_space<vmem>>, vector<1x16xf32>,
        %get3A_499 = arith.index_cast %scan3A_475 : i32 to index
        %get3A_500 = arith.constant 16 : index
        %get3A_501 = tpu.vector_load %arg11[%get3A_499, %get3A_500] {strides = array<i32>} : memref<112x128xf32, #tpu.memory_space<vmem>>, vector<1x16xf32>,
        %get3A_502 = vector.shape_cast %get3A_501 : vector<1x16xf32> to vector<16xf32>
        %get3A_503 = arith.index_cast %scan3A_475 : i32 to index
        %get3A_504 = arith.constant 16 : index
        %get3A_505 = tpu.vector_load %arg12[%get3A_503, %get3A_504] {strides = array<i32>} : memref<112x128xf32, #tpu.memory_space<vmem>>, vector<1x16xf32>,
        %get3A_506 = vector.shape_cast %get3A_505 : vector<1x16xf32> to vector<16xf32>
        %add3A_507 = arith.addf %get3A_502, %get3A_506 : vector<16xf32>
        %get3A_508 = arith.index_cast %scan3A_475 : i32 to index
        %get3A_509 = arith.constant 16 : index
        %get3A_510 = tpu.vector_load %arg13[%get3A_508, %get3A_509] {strides = array<i32>} : memref<112x128xf32, #tpu.memory_space<vmem>>, vector<1x16xf32>,
        %get3A_511 = vector.shape_cast %get3A_510 : vector<1x16xf32> to vector<16xf32>
        %add3A_512 = arith.addf %add3A_507, %get3A_511 : vector<16xf32>
        %get3A_513 = arith.index_cast %scan3A_475 : i32 to index
        %get3A_514 = arith.constant 16 : index
        %get3A_515 = tpu.vector_load %arg14[%get3A_513, %get3A_514] {strides = array<i32>} : memref<112x128xf32, #tpu.memory_space<vmem>>, vector<1x16xf32>,
        %get3A_516 = vector.shape_cast %get3A_515 : vector<1x16xf32> to vector<16xf32>
        %add3A_517 = arith.addf %add3A_512, %get3A_516 : vector<16xf32>
        %swap3A_518 = arith.index_cast %scan3A_475 : i32 to index
        %swap3A_519 = arith.constant 16 : index
        %swap3A_520 = tpu.vector_load %arg11[%swap3A_518, %swap3A_519] {strides = array<i32>} : memref<112x128xf32, #tpu.memory_space<vmem>>, vector<1x16xf32>,
        %swap3A_521 = vector.shape_cast %swap3A_520 : vector<1x16xf32> to vector<16xf32>
        %swap3A_522 = vector.shape_cast %add3A_517 : vector<16xf32> to vector<1x16xf32>
        tpu.vector_store %arg11[%swap3A_518, %swap3A_519], %swap3A_522 {strides = array<i32>} : memref<112x128xf32, #tpu.memory_space<vmem>>, vector<1x16xf32>,
        %get3A_523 = arith.index_cast %scan3A_475 : i32 to index
        %get3A_524 = arith.constant 32 : index
        %get3A_525 = tpu.vector_load %arg11[%get3A_523, %get3A_524] {strides = array<i32>} : memref<112x128xf32, #tpu.memory_space<vmem>>, vector<1x16xf32>,
        %get3A_526 = vector.shape_cast %get3A_525 : vector<1x16xf32> to vector<16xf32>
        %get3A_527 = arith.index_cast %scan3A_475 : i32 to index
        %get3A_528 = arith.constant 32 : index
        %get3A_529 = tpu.vector_load %arg12[%get3A_527, %get3A_528] {strides = array<i32>} : memref<112x128xf32, #tpu.memory_space<vmem>>, vector<1x16xf32>,
        %get3A_530 = vector.shape_cast %get3A_529 : vector<1x16xf32> to vector<16xf32>
        %add3A_531 = arith.addf %get3A_526, %get3A_530 : vector<16xf32>
        %get3A_532 = arith.index_cast %scan3A_475 : i32 to index
        %get3A_533 = arith.constant 32 : index
        %get3A_534 = tpu.vector_load %arg13[%get3A_532, %get3A_533] {strides = array<i32>} : memref<112x128xf32, #tpu.memory_space<vmem>>, vector<1x16xf32>,
        %get3A_535 = vector.shape_cast %get3A_534 : vector<1x16xf32> to vector<16xf32>
        %add3A_536 = arith.addf %add3A_531, %get3A_535 : vector<16xf32>
        %get3A_537 = arith.index_cast %scan3A_475 : i32 to index
        %get3A_538 = arith.constant 32 : index
        %get3A_539 = tpu.vector_load %arg14[%get3A_537, %get3A_538] {strides = array<i32>} : memref<112x128xf32, #tpu.memory_space<vmem>>, vector<1x16xf32>,
        %get3A_540 = vector.shape_cast %get3A_539 : vector<1x16xf32> to vector<16xf32>
        %add3A_541 = arith.addf %add3A_536, %get3A_540 : vector<16xf32>
        %swap3A_542 = arith.index_cast %scan3A_475 : i32 to index
        %swap3A_543 = arith.constant 32 : index
        %swap3A_544 = tpu.vector_load %arg11[%swap3A_542, %swap3A_543] {strides = array<i32>} : memref<112x128xf32, #tpu.memory_space<vmem>>, vector<1x16xf32>,
        %swap3A_545 = vector.shape_cast %swap3A_544 : vector<1x16xf32> to vector<16xf32>
        %swap3A_546 = vector.shape_cast %add3A_541 : vector<16xf32> to vector<1x16xf32>
        tpu.vector_store %arg11[%swap3A_542, %swap3A_543], %swap3A_546 {strides = array<i32>} : memref<112x128xf32, #tpu.memory_space<vmem>>, vector<1x16xf32>,
        %get3A_547 = arith.index_cast %scan3A_475 : i32 to index
        %get3A_548 = arith.constant 48 : index
        %get3A_549 = tpu.vector_load %arg11[%get3A_547, %get3A_548] {strides = array<i32>} : memref<112x128xf32, #tpu.memory_space<vmem>>, vector<1x16xf32>,
        %get3A_550 = vector.shape_cast %get3A_549 : vector<1x16xf32> to vector<16xf32>
        %get3A_551 = arith.index_cast %scan3A_475 : i32 to index
        %get3A_552 = arith.constant 48 : index
        %get3A_553 = tpu.vector_load %arg12[%get3A_551, %get3A_552] {strides = array<i32>} : memref<112x128xf32, #tpu.memory_space<vmem>>, vector<1x16xf32>,
        %get3A_554 = vector.shape_cast %get3A_553 : vector<1x16xf32> to vector<16xf32>
        %add3A_555 = arith.addf %get3A_550, %get3A_554 : vector<16xf32>
        %get3A_556 = arith.index_cast %scan3A_475 : i32 to index
        %get3A_557 = arith.constant 48 : index
        %get3A_558 = tpu.vector_load %arg13[%get3A_556, %get3A_557] {strides = array<i32>} : memref<112x128xf32, #tpu.memory_space<vmem>>, vector<1x16xf32>,
        %get3A_559 = vector.shape_cast %get3A_558 : vector<1x16xf32> to vector<16xf32>
        %add3A_560 = arith.addf %add3A_555, %get3A_559 : vector<16xf32>
        %get3A_561 = arith.index_cast %scan3A_475 : i32 to index
        %get3A_562 = arith.constant 48 : index
        %get3A_563 = tpu.vector_load %arg14[%get3A_561, %get3A_562] {strides = array<i32>} : memref<112x128xf32, #tpu.memory_space<vmem>>, vector<1x16xf32>,
        %get3A_564 = vector.shape_cast %get3A_563 : vector<1x16xf32> to vector<16xf32>
        %add3A_565 = arith.addf %add3A_560, %get3A_564 : vector<16xf32>
        %swap3A_566 = arith.index_cast %scan3A_475 : i32 to index
        %swap3A_567 = arith.constant 48 : index
        %swap3A_568 = tpu.vector_load %arg11[%swap3A_566, %swap3A_567] {strides = array<i32>} : memref<112x128xf32, #tpu.memory_space<vmem>>, vector<1x16xf32>,
        %swap3A_569 = vector.shape_cast %swap3A_568 : vector<1x16xf32> to vector<16xf32>
        %swap3A_570 = vector.shape_cast %add3A_565 : vector<16xf32> to vector<1x16xf32>
        tpu.vector_store %arg11[%swap3A_566, %swap3A_567], %swap3A_570 {strides = array<i32>} : memref<112x128xf32, #tpu.memory_space<vmem>>, vector<1x16xf32>,
        %get3A_571 = arith.index_cast %scan3A_475 : i32 to index
        %get3A_572 = arith.constant 64 : index
        %get3A_573 = tpu.vector_load %arg11[%get3A_571, %get3A_572] {strides = array<i32>} : memref<112x128xf32, #tpu.memory_space<vmem>>, vector<1x16xf32>,
        %get3A_574 = vector.shape_cast %get3A_573 : vector<1x16xf32> to vector<16xf32>
        %get3A_575 = arith.index_cast %scan3A_475 : i32 to index
        %get3A_576 = arith.constant 64 : index
        %get3A_577 = tpu.vector_load %arg12[%get3A_575, %get3A_576] {strides = array<i32>} : memref<112x128xf32, #tpu.memory_space<vmem>>, vector<1x16xf32>,
        %get3A_578 = vector.shape_cast %get3A_577 : vector<1x16xf32> to vector<16xf32>
        %add3A_579 = arith.addf %get3A_574, %get3A_578 : vector<16xf32>
        %get3A_580 = arith.index_cast %scan3A_475 : i32 to index
        %get3A_581 = arith.constant 64 : index
        %get3A_582 = tpu.vector_load %arg13[%get3A_580, %get3A_581] {strides = array<i32>} : memref<112x128xf32, #tpu.memory_space<vmem>>, vector<1x16xf32>,
        %get3A_583 = vector.shape_cast %get3A_582 : vector<1x16xf32> to vector<16xf32>
        %add3A_584 = arith.addf %add3A_579, %get3A_583 : vector<16xf32>
        %get3A_585 = arith.index_cast %scan3A_475 : i32 to index
        %get3A_586 = arith.constant 64 : index
        %get3A_587 = tpu.vector_load %arg14[%get3A_585, %get3A_586] {strides = array<i32>} : memref<112x128xf32, #tpu.memory_space<vmem>>, vector<1x16xf32>,
        %get3A_588 = vector.shape_cast %get3A_587 : vector<1x16xf32> to vector<16xf32>
        %add3A_589 = arith.addf %add3A_584, %get3A_588 : vector<16xf32>
        %swap3A_590 = arith.index_cast %scan3A_475 : i32 to index
        %swap3A_591 = arith.constant 64 : index
        %swap3A_592 = tpu.vector_load %arg11[%swap3A_590, %swap3A_591] {strides = array<i32>} : memref<112x128xf32, #tpu.memory_space<vmem>>, vector<1x16xf32>,
        %swap3A_593 = vector.shape_cast %swap3A_592 : vector<1x16xf32> to vector<16xf32>
        %swap3A_594 = vector.shape_cast %add3A_589 : vector<16xf32> to vector<1x16xf32>
        tpu.vector_store %arg11[%swap3A_590, %swap3A_591], %swap3A_594 {strides = array<i32>} : memref<112x128xf32, #tpu.memory_space<vmem>>, vector<1x16xf32>,
        %get3A_595 = arith.index_cast %scan3A_475 : i32 to index
        %get3A_596 = arith.constant 80 : index
        %get3A_597 = tpu.vector_load %arg11[%get3A_595, %get3A_596] {strides = array<i32>} : memref<112x128xf32, #tpu.memory_space<vmem>>, vector<1x16xf32>,
        %get3A_598 = vector.shape_cast %get3A_597 : vector<1x16xf32> to vector<16xf32>
        %get3A_599 = arith.index_cast %scan3A_475 : i32 to index
        %get3A_600 = arith.constant 80 : index
        %get3A_601 = tpu.vector_load %arg12[%get3A_599, %get3A_600] {strides = array<i32>} : memref<112x128xf32, #tpu.memory_space<vmem>>, vector<1x16xf32>,
        %get3A_602 = vector.shape_cast %get3A_601 : vector<1x16xf32> to vector<16xf32>
        %add3A_603 = arith.addf %get3A_598, %get3A_602 : vector<16xf32>
        %get3A_604 = arith.index_cast %scan3A_475 : i32 to index
        %get3A_605 = arith.constant 80 : index
        %get3A_606 = tpu.vector_load %arg13[%get3A_604, %get3A_605] {strides = array<i32>} : memref<112x128xf32, #tpu.memory_space<vmem>>, vector<1x16xf32>,
        %get3A_607 = vector.shape_cast %get3A_606 : vector<1x16xf32> to vector<16xf32>
        %add3A_608 = arith.addf %add3A_603, %get3A_607 : vector<16xf32>
        %get3A_609 = arith.index_cast %scan3A_475 : i32 to index
        %get3A_610 = arith.constant 80 : index
        %get3A_611 = tpu.vector_load %arg14[%get3A_609, %get3A_610] {strides = array<i32>} : memref<112x128xf32, #tpu.memory_space<vmem>>, vector<1x16xf32>,
        %get3A_612 = vector.shape_cast %get3A_611 : vector<1x16xf32> to vector<16xf32>
        %add3A_613 = arith.addf %add3A_608, %get3A_612 : vector<16xf32>
        %swap3A_614 = arith.index_cast %scan3A_475 : i32 to index
        %swap3A_615 = arith.constant 80 : index
        %swap3A_616 = tpu.vector_load %arg11[%swap3A_614, %swap3A_615] {strides = array<i32>} : memref<112x128xf32, #tpu.memory_space<vmem>>, vector<1x16xf32>,
        %swap3A_617 = vector.shape_cast %swap3A_616 : vector<1x16xf32> to vector<16xf32>
        %swap3A_618 = vector.shape_cast %add3A_613 : vector<16xf32> to vector<1x16xf32>
        tpu.vector_store %arg11[%swap3A_614, %swap3A_615], %swap3A_618 {strides = array<i32>} : memref<112x128xf32, #tpu.memory_space<vmem>>, vector<1x16xf32>,
        %get3A_619 = arith.index_cast %scan3A_475 : i32 to index
        %get3A_620 = arith.constant 96 : index
        %get3A_621 = tpu.vector_load %arg11[%get3A_619, %get3A_620] {strides = array<i32>} : memref<112x128xf32, #tpu.memory_space<vmem>>, vector<1x16xf32>,
        %get3A_622 = vector.shape_cast %get3A_621 : vector<1x16xf32> to vector<16xf32>
        %get3A_623 = arith.index_cast %scan3A_475 : i32 to index
        %get3A_624 = arith.constant 96 : index
        %get3A_625 = tpu.vector_load %arg12[%get3A_623, %get3A_624] {strides = array<i32>} : memref<112x128xf32, #tpu.memory_space<vmem>>, vector<1x16xf32>,
        %get3A_626 = vector.shape_cast %get3A_625 : vector<1x16xf32> to vector<16xf32>
        %add3A_627 = arith.addf %get3A_622, %get3A_626 : vector<16xf32>
        %get3A_628 = arith.index_cast %scan3A_475 : i32 to index
        %get3A_629 = arith.constant 96 : index
        %get3A_630 = tpu.vector_load %arg13[%get3A_628, %get3A_629] {strides = array<i32>} : memref<112x128xf32, #tpu.memory_space<vmem>>, vector<1x16xf32>,
        %get3A_631 = vector.shape_cast %get3A_630 : vector<1x16xf32> to vector<16xf32>
        %add3A_632 = arith.addf %add3A_627, %get3A_631 : vector<16xf32>
        %get3A_633 = arith.index_cast %scan3A_475 : i32 to index
        %get3A_634 = arith.constant 96 : index
        %get3A_635 = tpu.vector_load %arg14[%get3A_633, %get3A_634] {strides = array<i32>} : memref<112x128xf32, #tpu.memory_space<vmem>>, vector<1x16xf32>,
        %get3A_636 = vector.shape_cast %get3A_635 : vector<1x16xf32> to vector<16xf32>
        %add3A_637 = arith.addf %add3A_632, %get3A_636 : vector<16xf32>
        %swap3A_638 = arith.index_cast %scan3A_475 : i32 to index
        %swap3A_639 = arith.constant 96 : index
        %swap3A_640 = tpu.vector_load %arg11[%swap3A_638, %swap3A_639] {strides = array<i32>} : memref<112x128xf32, #tpu.memory_space<vmem>>, vector<1x16xf32>,
        %swap3A_641 = vector.shape_cast %swap3A_640 : vector<1x16xf32> to vector<16xf32>
        %swap3A_642 = vector.shape_cast %add3A_637 : vector<16xf32> to vector<1x16xf32>
        tpu.vector_store %arg11[%swap3A_638, %swap3A_639], %swap3A_642 {strides = array<i32>} : memref<112x128xf32, #tpu.memory_space<vmem>>, vector<1x16xf32>,
        %get3A_643 = arith.index_cast %scan3A_475 : i32 to index
        %get3A_644 = arith.constant 112 : index
        %get3A_645 = tpu.vector_load %arg11[%get3A_643, %get3A_644] {strides = array<i32>} : memref<112x128xf32, #tpu.memory_space<vmem>>, vector<1x16xf32>,
        %get3A_646 = vector.shape_cast %get3A_645 : vector<1x16xf32> to vector<16xf32>
        %get3A_647 = arith.index_cast %scan3A_475 : i32 to index
        %get3A_648 = arith.constant 112 : index
        %get3A_649 = tpu.vector_load %arg12[%get3A_647, %get3A_648] {strides = array<i32>} : memref<112x128xf32, #tpu.memory_space<vmem>>, vector<1x16xf32>,
        %get3A_650 = vector.shape_cast %get3A_649 : vector<1x16xf32> to vector<16xf32>
        %add3A_651 = arith.addf %get3A_646, %get3A_650 : vector<16xf32>
        %get3A_652 = arith.index_cast %scan3A_475 : i32 to index
        %get3A_653 = arith.constant 112 : index
        %get3A_654 = tpu.vector_load %arg13[%get3A_652, %get3A_653] {strides = array<i32>} : memref<112x128xf32, #tpu.memory_space<vmem>>, vector<1x16xf32>,
        %get3A_655 = vector.shape_cast %get3A_654 : vector<1x16xf32> to vector<16xf32>
        %add3A_656 = arith.addf %add3A_651, %get3A_655 : vector<16xf32>
        %get3A_657 = arith.index_cast %scan3A_475 : i32 to index
        %get3A_658 = arith.constant 112 : index
        %get3A_659 = tpu.vector_load %arg14[%get3A_657, %get3A_658] {strides = array<i32>} : memref<112x128xf32, #tpu.memory_space<vmem>>, vector<1x16xf32>,
        %get3A_660 = vector.shape_cast %get3A_659 : vector<1x16xf32> to vector<16xf32>
        %add3A_661 = arith.addf %add3A_656, %get3A_660 : vector<16xf32>
        %swap3A_662 = arith.index_cast %scan3A_475 : i32 to index
        %swap3A_663 = arith.constant 112 : index
        %swap3A_664 = tpu.vector_load %arg11[%swap3A_662, %swap3A_663] {strides = array<i32>} : memref<112x128xf32, #tpu.memory_space<vmem>>, vector<1x16xf32>,
        %swap3A_665 = vector.shape_cast %swap3A_664 : vector<1x16xf32> to vector<16xf32>
        %swap3A_666 = vector.shape_cast %add3A_661 : vector<16xf32> to vector<1x16xf32>
        tpu.vector_store %arg11[%swap3A_662, %swap3A_663], %swap3A_666 {strides = array<i32>} : memref<112x128xf32, #tpu.memory_space<vmem>>, vector<1x16xf32>,
      }
      %scan3A_467 = arith.constant 112 : i32
      %add3A_468 = arith.addi %mul3A_2, %add3A_430 : i32
      %mul3A_469 = arith.constant 112 : i32
      %mul3A_470 = arith.muli %add3A_468, %mul3A_469 : i32
      %dma_start3A_471 = arith.constant 0 : i32
      %dma_start3A_472 = tpu.memref_slice %arg5[%mul3A_470, %dma_start3A_471] : memref<100352x128xf32, #tpu.memory_space<hbm>> -> memref<112x128xf32, #tpu.memory_space<hbm>>
      %dma_start3A_473 = arith.constant 0 : i32
      %dma_start3A_474 = tpu.memref_slice %arg5[%mul3A_470, %dma_start3A_473] : memref<100352x128xf32, #tpu.memory_space<hbm>> -> memref<112x128xf32, #tpu.memory_space<hbm>>
      tpu.enqueue_dma source(%arg11 : memref<112x128xf32, #tpu.memory_space<vmem>>) target(%dma_start3A_474 : memref<112x128xf32, #tpu.memory_space<hbm>>) target_semaphore(%arg18 : memref<!tpu.dma_semaphore, #tpu.memory_space<semaphore_mem>>)
    }
    %scan3A_369 = arith.constant 14 : i32
    %dma_wait3A = arith.constant 0 : i32
    %dma_wait3A_370 = arith.constant 0 : i32
    %dma_wait3A_371 = tpu.memref_slice %arg2[%dma_wait3A, %dma_wait3A_370] : memref<100000x128xf32, #tpu.memory_space<hbm>> -> memref<112x128xf32, #tpu.memory_space<hbm>>
    %dma_wait3A_372 = arith.constant 0 : i32
    %dma_wait3A_373 = arith.constant 0 : i32
    %dma_wait3A_374 = tpu.memref_slice %arg2[%dma_wait3A_372, %dma_wait3A_373] : memref<100000x128xf32, #tpu.memory_space<hbm>> -> memref<112x128xf32, #tpu.memory_space<hbm>>
    tpu.wait_dma2 semaphore(%arg17 : memref<!tpu.dma_semaphore, #tpu.memory_space<semaphore_mem>>) src(%dma_wait3A_374 : memref<112x128xf32, #tpu.memory_space<hbm>>) dst(%arg7 : memref<112x128xf32, #tpu.memory_space<vmem>>)
    %dma_wait3A_375 = arith.constant 0 : i32
    %dma_wait3A_376 = arith.constant 0 : i32
    %dma_wait3A_377 = tpu.memref_slice %arg2[%dma_wait3A_375, %dma_wait3A_376] : memref<100000x128xf32, #tpu.memory_space<hbm>> -> memref<112x128xf32, #tpu.memory_space<hbm>>
    %dma_wait3A_378 = arith.constant 0 : i32
    %dma_wait3A_379 = arith.constant 0 : i32
    %dma_wait3A_380 = tpu.memref_slice %arg2[%dma_wait3A_378, %dma_wait3A_379] : memref<100000x128xf32, #tpu.memory_space<hbm>> -> memref<112x128xf32, #tpu.memory_space<hbm>>
    tpu.wait_dma2 semaphore(%arg18 : memref<!tpu.dma_semaphore, #tpu.memory_space<semaphore_mem>>) src(%dma_wait3A_380 : memref<112x128xf32, #tpu.memory_space<hbm>>) dst(%arg11 : memref<112x128xf32, #tpu.memory_space<vmem>>)
    return
  }
}

module attributes {stable_mosaic.version = 14 : i64} {
  func.func @_proj_body(%arg0: i32, %arg1: memref<128x2048xf32, #tpu.memory_space<vmem>>, %arg2: memref<128x128xf32, #tpu.memory_space<vmem>>, %arg3: memref<128x128xf32, #tpu.memory_space<vmem>>, %arg4: memref<1x128xf32, #tpu.memory_space<vmem>>, %arg5: memref<2048x128xf32, #tpu.memory_space<vmem>>, %arg6: memref<2048x128xf32, #tpu.memory_space<vmem>>) attributes {dimension_semantics = [#tpu.dimension_semantics<arbitrary>], iteration_bounds = array<i64: 49>, scalar_prefetch = 0 : i64, scratch_operands = 0 : i64, tpu.core_type = #tpu.core_type<tc>, window_params = [{transform_indices = @transform_0, window_bounds = array<i64: 128, 2048>}, {pipeline_mode = #tpu.pipeline_mode<synchronous>, transform_indices = @transform_1, window_bounds = array<i64: 128, 128>}, {pipeline_mode = #tpu.pipeline_mode<synchronous>, transform_indices = @transform_2, window_bounds = array<i64: 128, 128>}, {pipeline_mode = #tpu.pipeline_mode<synchronous>, transform_indices = @transform_3, window_bounds = array<i64: 1, 128>}, {transform_indices = @transform_4, window_bounds = array<i64: 2048, 128>}, {transform_indices = @transform_5, window_bounds = array<i64: 2048, 128>}]} {
    %get3A = arith.constant 0 : index
    %get3A_0 = arith.constant 0 : index
    %get3A_1 = vector.load %arg1[%get3A, %get3A_0] : memref<128x2048xf32, #tpu.memory_space<vmem>>, vector<128x2048xf32>
    %get3A_2 = arith.constant 0 : index
    %get3A_3 = arith.constant 0 : index
    %get3A_4 = vector.load %arg2[%get3A_2, %get3A_3] : memref<128x128xf32, #tpu.memory_space<vmem>>, vector<128x128xf32>
    %dot_general3A = arith.constant dense<0.000000e+00> : vector<2048x128xf32>
    %dot_general3A_5 = tpu.matmul %get3A_1, %get3A_4, %dot_general3A {dimension_numbers = #tpu.dot_dimension_numbers<[0], [1], [1], [0], [0, 1, 1, 0], [], []>, transpose_lhs_hint = false} : vector<128x2048xf32>, vector<128x128xf32>, vector<2048x128xf32> -> vector<2048x128xf32>
    %get3A_6 = arith.constant 0 : index
    %get3A_7 = arith.constant 0 : index
    %get3A_8 = vector.load %arg4[%get3A_6, %get3A_7] : memref<1x128xf32, #tpu.memory_space<vmem>>, vector<1x128xf32>
    %add3A = vector.broadcast %get3A_8 : vector<1x128xf32> to vector<2048x128xf32>
    %add3A_9 = arith.addf %dot_general3A_5, %add3A : vector<2048x128xf32>
    %swap3A = arith.constant 0 : index
    %swap3A_10 = arith.constant 0 : index
    %swap3A_11 = vector.load %arg5[%swap3A, %swap3A_10] : memref<2048x128xf32, #tpu.memory_space<vmem>>, vector<2048x128xf32>
    tpu.vector_store %arg5[%swap3A, %swap3A_10], %add3A_9 {strides = array<i32>} : memref<2048x128xf32, #tpu.memory_space<vmem>>, vector<2048x128xf32>,
    %get3A_12 = arith.constant 0 : index
    %get3A_13 = arith.constant 0 : index
    %get3A_14 = vector.load %arg3[%get3A_12, %get3A_13] : memref<128x128xf32, #tpu.memory_space<vmem>>, vector<128x128xf32>
    %dot_general3A_15 = arith.constant dense<0.000000e+00> : vector<2048x128xf32>
    %dot_general3A_16 = tpu.matmul %get3A_1, %get3A_14, %dot_general3A_15 {dimension_numbers = #tpu.dot_dimension_numbers<[0], [1], [1], [0], [0, 1, 1, 0], [], []>, transpose_lhs_hint = false} : vector<128x2048xf32>, vector<128x128xf32>, vector<2048x128xf32> -> vector<2048x128xf32>
    %swap3A_17 = arith.constant 0 : index
    %swap3A_18 = arith.constant 0 : index
    %swap3A_19 = vector.load %arg6[%swap3A_17, %swap3A_18] : memref<2048x128xf32, #tpu.memory_space<vmem>>, vector<2048x128xf32>
    tpu.vector_store %arg6[%swap3A_17, %swap3A_18], %dot_general3A_16 {strides = array<i32>} : memref<2048x128xf32, #tpu.memory_space<vmem>>, vector<2048x128xf32>,
    return
  }
  func.func @transform_0(%arg0: i32) -> (i32, i32) {
    %c0_i32 = arith.constant 0 : i32
    %c0_i32_0 = arith.constant 0 : i32
    return %c0_i32, %arg0 : i32, i32
  }
  func.func @transform_1(%arg0: i32) -> (i32, i32) {
    %c0_i32 = arith.constant 0 : i32
    %c0_i32_0 = arith.constant 0 : i32
    %c0_i32_1 = arith.constant 0 : i32
    return %c0_i32, %c0_i32_0 : i32, i32
  }
  func.func @transform_2(%arg0: i32) -> (i32, i32) {
    %c0_i32 = arith.constant 0 : i32
    %c0_i32_0 = arith.constant 0 : i32
    %c0_i32_1 = arith.constant 0 : i32
    return %c0_i32, %c0_i32_0 : i32, i32
  }
  func.func @transform_3(%arg0: i32) -> (i32, i32) {
    %c0_i32 = arith.constant 0 : i32
    %c0_i32_0 = arith.constant 0 : i32
    %c0_i32_1 = arith.constant 0 : i32
    return %c0_i32, %c0_i32_0 : i32, i32
  }
  func.func @transform_4(%arg0: i32) -> (i32, i32) {
    %c0_i32 = arith.constant 0 : i32
    %c0_i32_0 = arith.constant 0 : i32
    return %arg0, %c0_i32 : i32, i32
  }
  func.func @transform_5(%arg0: i32) -> (i32, i32) {
    %c0_i32 = arith.constant 0 : i32
    %c0_i32_0 = arith.constant 0 : i32
    return %arg0, %c0_i32 : i32, i32
  }
}

</mosaic_0001>

<sc_bundles>
// kernel: kernel.4.cloned.1.call-start
scs
__scs_entry_jumppad:
0x0: {  	(pc) =	sbr.rel $0x88, $3  }
0x1: {  	(tag) =	ssettag $0x0;
	lr =	simm.s32 $0x1  }
0x2: {  	[smem:$0x3F9D] =	sst lr;
	_ =	strace $0xD0000000  }
0x3: {  	_ = 	snop  }
0x4: {  	_ = 	snop  }
0x5: {  	_ = 	snop  }
0x6: {  	_ = 	snop  }
0x7: {  	_ = 	snop  }
__scs_overlays_trampoline_lowered:
0x8: {  	[smem:$0x3FAC] =	sst s0  }
0x9: {  	[smem:$0x3FAD] =	sst s1  }
0xa: {  	[smem:$0x3FAE] =	sst s2  }
0xb: {  	[smem:$0x3FAF] =	sst s3  }
0xc: {  	[smem:$0x3FB0] =	sst s4  }
0xd: {  	[smem:$0x3FB1] =	sst s5  }
0xe: {  	[smem:$0x3FB2] =	sst s6  }
0xf: {  	[smem:$0x3FB3] =	sst s7  }
0x10: {  	[smem:$0x3FB4] =	sst s8  }
0x11: {  	[smem:$0x3FB5] =	sst s9;
	s0 =	simm.s32 @!p0 $0x0  }
0x12: {  	s1 =	sld [smem:$0x3F9B];
	s0 =	simm.s32 @p0 $0x1  }
0x13: {  	[smem:$0x3FB6] =	sst s0;
	s0 =	simm.s32 @!p1 $0x0  }
0x14: {  	s2 =	sld [smem:$0x3F9A];
	s0 =	simm.s32 @p1 $0x1  }
0x15: {  	[smem:$0x3FB7] =	sst s0;
	s0 =	simm.s32 @!p2 $0x0  }
0x16: {  	s3 =	sld [smem:$0x3FDB];
	s0 =	simm.s32 @p2 $0x1  }
0x17: {  	s4 =	simm.s32 $0x1BF5;
	[smem:$0x3FB9] =	sst s0  }
0x18: {  	s0 =	sld [smem:$0x3F9C];
	_ =	swait.ge [sflag:s4], $0x0  }
0x19: {  	s7 =	sld [smem:$0x3F9D]  }
0x1a: {  	s8 =	sadd.s32 $0xFFFFE003, lr  }
0x1b: {  	s9 =	sadd.s32 $0xFFFFFEF7, lr;
	s5 =	simm.s32 $0xFFFFFFFF;
	p2 =	slt.u32 s8, $0xFFFFF086  }
0x1c: {  	p1 =	slt.u32 s9, $0xF7A;
	s5 =	simm.s32 @!p2 $0x0  }
0x1d: {  	s5 =	simm.s32 @p1 $0x1;
	p0 =	seq.s32 s7, s2  }
0x1e: {  	s7 =	smul.u32 @!p0 $0xF7A, s2;
	p2 =	seq.s32 @!p0 s5, $0x0  }
0x1f: {  	s9 =	smul.u32 $0xF7A, s1;
	s8 =	simm.s32 @!p0 $0x1BF5;
	p2 =	por !p2, p0  }
0x20: {  	[sflag:s8] =	ssyncset.s32 @!p0 $0xFFFFF086;
	s6 =	sadd.s32 @!p0 s3, s7;
	s7 =	simm.s32 @!p0 $0x108  }
0x21: {  	s3 =	sadd.s32 s3, s9;
	s6 =	sadd.s32 @!p0 $0x88, s6;
	s7 =	simm.s32 @p2 $0x1082  }
0x22: {  	[simem:s7], [sflag:s8] =	dma.local @!p0 [hbm:s6], $0xF7A  }
0x23: {  	s9 =	sor.u32 $0xD0000000, s2;
	s6 =	simm.s32 $0x108;
	_ =	swait.ge @!p0 [sflag:s8], $0x0  }
0x24: {  	s3 =	sadd.s32 $0x88, s3;
	s6 =	simm.s32 @!p1 $0x1082;
	[sflag:s4] =	ssyncset.s32 $0xFFFFF086  }
0x25: {  	[simem:s6], [sflag:s4] =	dma.local [hbm:s3], $0xF7A  }
0x26: {  	[smem:$0x3F9D] =	sst s1;
	(tag) =	ssettag s2;
	_ =	strace s9  }
0x27: {  	s1 =	sld [smem:$0x3FAD]  }
0x28: {  	s2 =	sld [smem:$0x3FAE]  }
0x29: {  	s4 =	sld [smem:$0x3FB0]  }
0x2a: {  	p0 =	seq.s32 s5, $0x0;
	s5 =	sld [smem:$0x3FB1]  }
0x2b: {  	s6 =	sld [smem:$0x3FB2]  }
0x2c: {  	s7 =	sld [smem:$0x3FB3]  }
0x2d: {  	s3 =	simm.s32 $0x108;
	s8 =	sld [smem:$0x3FB4]  }
0x2e: {  	s3 =	simm.s32 @!p0 $0x1082;
	s9 =	sld [smem:$0x3FB5]  }
0x2f: {  	lr =	sadd.s32 s0, s3;
	s0 =	sld [smem:$0x3FAC]  }
0x30: {  	s3 =	sld [smem:$0x3FAF]  }
0x31: {  	[smem:$0x3FB8] =	sst s10  }
0x32: {  	s10 =	sld [smem:$0x3FB6];
	_ =	sdelay $0x3  }
0x33: {  	p0 =	seq.s32 s10, $0x1;
	s10 =	sld [smem:$0x3FB8];
	_ =	sdelay $0x3  }
0x34: {  	[smem:$0x3FB8] =	sst s10  }
0x35: {  	s10 =	sld [smem:$0x3FB7];
	_ =	sdelay $0x3  }
0x36: {  	p1 =	seq.s32 s10, $0x1;
	s10 =	sld [smem:$0x3FB8];
	_ =	sdelay $0x3  }
0x37: {  	[smem:$0x3FB8] =	sst s10  }
0x38: {  	s10 =	sld [smem:$0x3FB9]  }
0x39: {  	_ = 	snop;
	(pc) =	sbr.ind lr, $3  }
0x3a: {  	_ = 	snop  }
0x3b: {  	_ = 	snop  }
0x3c: {  	p2 =	seq.s32 s10, $0x1;
	s10 =	sld [smem:$0x3FB8]  }
0x3d: {  	_ =	shalt  }
0x3e: {  	_ =	shalt  }
0x3f: {  	_ =	shalt  }
0x40: {  	_ =	shalt  }
0x41: {  	_ =	shalt  }
0x42: {  	_ =	shalt  }
0x43: {  	_ =	shalt  }
0x44: {  	_ =	shalt  }
0x45: {  	_ =	shalt  }
0x46: {  	_ =	shalt  }
0x47: {  	_ =	shalt  }
0x48: {  	_ =	shalt  }
0x49: {  	_ =	shalt  }
0x4a: {  	_ =	shalt  }
0x4b: {  	_ =	shalt  }
0x4c: {  	_ =	shalt  }
0x4d: {  	_ =	shalt  }
0x4e: {  	_ =	shalt  }
0x4f: {  	_ =	shalt  }
0x50: {  	_ =	shalt  }
0x51: {  	_ =	shalt  }
0x52: {  	_ =	shalt  }
0x53: {  	_ =	shalt  }
0x54: {  	_ =	shalt  }
0x55: {  	_ =	shalt  }
0x56: {  	_ =	shalt  }
0x57: {  	_ =	shalt  }
0x58: {  	_ =	shalt  }
0x59: {  	_ =	shalt  }
0x5a: {  	_ =	shalt  }
0x5b: {  	_ =	shalt  }
0x5c: {  	_ =	shalt  }
0x5d: {  	_ =	shalt  }
0x5e: {  	_ =	shalt  }
0x5f: {  	_ =	shalt  }
0x60: {  	_ =	shalt  }
0x61: {  	_ =	shalt  }
0x62: {  	_ =	shalt  }
0x63: {  	_ =	shalt  }
0x64: {  	_ =	shalt  }
0x65: {  	_ =	shalt  }
0x66: {  	_ =	shalt  }
0x67: {  	_ =	shalt  }
0x68: {  	_ =	shalt  }
0x69: {  	_ =	shalt  }
0x6a: {  	_ =	shalt  }
0x6b: {  	_ =	shalt  }
0x6c: {  	_ =	shalt  }
0x6d: {  	_ =	shalt  }
0x6e: {  	_ =	shalt  }
0x6f: {  	_ =	shalt  }
0x70: {  	_ =	shalt  }
0x71: {  	_ =	shalt  }
0x72: {  	_ =	shalt  }
0x73: {  	_ =	shalt  }
0x74: {  	_ =	shalt  }
0x75: {  	_ =	shalt  }
0x76: {  	_ =	shalt  }
0x77: {  	_ =	shalt  }
0x78: {  	_ =	shalt  }
0x79: {  	_ =	shalt  }
0x7a: {  	_ =	shalt  }
0x7b: {  	_ =	shalt  }
0x7c: {  	_ =	shalt  }
0x7d: {  	_ =	shalt  }
0x7e: {  	_ =	shalt  }
0x7f: {  	_ =	shalt  }
0x80: {  	_ =	shalt  }
0x81: {  	_ =	shalt  }
0x82: {  	_ =	shalt  }
0x83: {  	_ =	shalt  }
0x84: {  	_ =	shalt  }
0x85: {  	_ =	shalt  }
0x86: {  	_ =	shalt  }
0x87: {  	_ =	shalt  }
.Lfunc_end0:
.L_simem_size_0:
called_computation_lowered:
.L_overlay_start_0:
0x88: {  	s2 =	sld [smem:$0x3FD9]  }
0x89: {  	s3 =	sld [smem:$0x3FFE];
	_ =	sdelay $0x1  }
0x8a: {  	s1 =	srdreg.scid  }
0x8b: {  	s0 =	sand.u32 $0x1, s1  }
0x8c: {  	s17 =	sshll.u32 s0, $0xA;
	s2 =	sadd.s32 s3, s2  }
0x8d: {  	s2 =	sadd.s32 s2, s17  }
0x8e: {  	[smem:$0x3FC4] =	sst s2  }
0x8f: {  	_ = 	snop  }
0x90: {  	s2 =	sld [smem:$0x3FD0];
	(tm) =	ssettm $0x1  }
0x91: {  	s18 =	sld [smem:$0x3FFB];
	_ =	sdelay $0x3  }
0x92: {  	_ =	strace s18  }
0x93: {  	s3 =	sld [smem:$0x3FFC];
	_ =	sdelay $0x3  }
0x94: {  	_ =	strace s3  }
0x95: {  	s3 =	sld [smem:$0x3FFD];
	_ =	sdelay $0x3  }
0x96: {  	_ =	strace s3  }
0x97: {  	_ =	strace $0x8FFFFFFF  }
0x98: {  	s19 =	sld [smem:$0x3FDB];
	_ =	sdelay $0x1  }
0x99: {  	s4 =	simm.s32 $_scs_section_size  }
0x9a: {  	s5 =	simm.s32 $_size__tile_overlayer_lowered;
	s6 =	simm.s32 $_tile_overlayer_lowered  }
0x9b: {  	s22 =	simm.s32 $0x1BFF;
	s21 =	sshll.u32 s6, $0x1;
	s3 =	sadd.s32 s4, s19  }
0x9c: {  	s7 =	simm.s32 $0x0;
	s20 =	sshll.u32 s5, $0x1;
	s5 =	sadd.s32 s21, s3  }
0x9d: {  	[timem:s7], [sflag:s22] =	dma.local [hbm:s5], s20  }
0x9e: {  	_ =	swait.ge [sflag:s22], s20  }
0x9f: {  	s4 =	ssub.s32 $0x0, s20;
	[sflag:s22] =	ssyncset.done $0x0  }
0xa0: {  	[sflag:s22] =	ssyncadd.s32 s4;
	_ =	sdelay $0x1  }
0xa1: {  	s23 =	simm.s32 $0x1B8B  }
0xa2: {  	_ =	swait.ge [sflag:s23], $0x1  }
0xa3: {  	[sflag:s23] =	ssyncset.done $0x0  }
0xa4: {  	s25 =	simm.s32 $0x1B8E;
	s24 =	sld [smem:$0x3FFE];
	[sflag:s23] =	ssyncadd.s32 $0xFFFFFFFF  }
0xa5: {  	s26 =	simm.s32 $execute0_lowered;
	[smem:$0x3FD2] =	sst s25  }
0xa6: {  	s5 =	sshll.u32 s26, $0x1;
	_ =	strace $0x80000046;
	[dreg:$0x1] =	wrdreg $0xFFFFFFFF  }
0xa7: {  	s28 =	simm.s32 $_size_execute0_lowered;
	s3 =	sadd.s32 s3, s5;
	[dreg:$0x0] =	wrdreg $0x0  }
0xa8: {  	s5 =	sshll.u32 s28, $0x1;
	[dreg:$0x2] =	wrdreg s3  }
0xa9: {  	[dreg:$0x3] =	wrdreg s5  }
0xaa: {  	[dreg:$0x4] =	wrdreg $0xC0  }
0xab: {  	_ =	task [dreg:s7], $0x5FFFF  }
0xac: {  	[dreg:$0x1] =	wrdreg $0xFFFFFFFF  }
0xad: {  	[dreg:$0x0] =	wrdreg $0x60  }
0xae: {  	[dreg:$0x2] =	wrdreg s2  }
0xaf: {  	[dreg:$0x3] =	wrdreg s24  }
0xb0: {  	[dreg:$0x4] =	wrdreg $0x9  }
0xb1: {  	_ =	task.clear_ibuf [dreg:s7], $0x5FFFF;
	_ =	strace $0x90000046  }
0xb2: {  	s29 =	simm.s32 $0x9;
	_ =	strace $0x80000048  }
0xb3: {  	_ =	swait.ge [sflag:s29], $0x1  }
0xb4: {  	[sflag:s29] =	ssyncadd.s32 $0xFFFFFFFF  }
0xb5: {  	_ =	strace $0x90000048  }
0xb6: {  	_ =	sfence  }
0xb7: {  	s30 =	sld [smem:$0x0];
	_ =	sdelay $0x2  }
0xb8: {  	s31 =	sshll.u32 s1, $0xD;
	s1 =	sshrl.u32 s1, $0x2  }
0xb9: {  	s3 =	sand.u32 $0x4000, s31;
	s1 =	sadd.s32 s1, s30  }
0xba: {  	s0 =	sor.u32 s3, s0;
	s1 =	sshll.u32 s1, $0x11  }
0xbb: {  	s0 =	sor.u32 s1, s0  }
0xbc: {  	s0 =	sadd.s32 $0x8F2B, s0  }
0xbd: {  	[sflag:s0] =	ssyncadd.remote.s32 $0x1  }
0xbe: {  	_ =	sfence.sel $0xFFFF  }
0xbf: {  	[dreg:$0x0] =	wrdreg $0xFFFFFFFF;
	(pc) =	sbr.abs _section_cstart, $3  }
0xc0: {  	[dreg:$0x1] =	wrdreg $0xFFFFFFFF  }
0xc1: {  	_ =	task.clear_ibuf [dreg:s7], $0x2FFFF;
	_ =	strace $0x9FFFFFFF  }
0xc2: {  	(tm) =	ssettm $0x7FFFFFFF  }
0xc3: {  	_ =	shalt  }
tec
execute0_lowered:
.L_overlay_start_1:
0x0: {  	(tag) =	ssettag $0x1  }
0x1: {  	s2 =	rddreg [dreg:$0x0];
	s0 =	srdreg.scid  }
0x2: {  	s3 =	stileid.u32;
	s1 =	rddreg [dreg:$0x1]  }
0x3: {  	s10 =	simm.s32 $0x3800;
	s13 =	simm.s32 $0x11800;
	s28 =	simm.s32 $0x18800  }
0x4: {  	s29 =	simm.s32 $0x19000;
	s30 =	simm.s32 $0x19800;
	s31 =	simm.s32 $0x1A000  }
0x5: {  	s8 =	simm.s32 $0x1C000;
	s9 =	simm.s32 $0x1C800;
	s11 =	simm.s32 $0x1D000  }
0x6: {  	s12 =	simm.s32 $0x1D800;
	s14 =	simm.s32 $0x1E000;
	s15 =	simm.s32 $0x1E800  }
0x7: {  	s16 =	simm.s32 $0x1F000;
	s17 =	simm.s32 $0x1;
	s18 =	simm.s32 $0x2  }
0x8: {  	s19 =	simm.s32 $0x3;
	s0 =	sand.u32 $0x1, s0;
	s4 =	sshll.u32 s3, $0x1  }
0x9: {  	s22 =	simm.s32 $0x0;
	s3 =	simm.s32 $0x0;
	s6 =	sor.u32 s0, s4  }
0xa: {  	[smem:$0x7FF] =	sst s3;
	s0 =	ssub.s32 $0x2, s0;
	s5 =	smul.u32 $0x700, s6  }
0xb: {  	s4 =	sadd.s32 $0x195E00, s1;
	_ =	strace $0x80000047;
	s25 =	sshrl.u32 s0, $0x1  }
0xc: {  	s6 =	smul.u32 $0x1C, s6;
	s0 =	ssub.s32 s0, s25;
	s7 =	sadd.s32 s5, s1  }
0xd: {  	s5 =	sadd.s32 $0x31C800, s1;
	s0 =	smax.u32 s0, $0x1;
	s1 =	simm.s32 $0x1A800  }
0xe: {  	s26 =	sadd.s32 $0xE00, s7;
	[dreg:$0x4] =	wrdreg s0;
	s0 =	simm.s32 $0x1B000  }
0xf: {  	vm0 =	vmmov $0xffff;
	s7 =	simm.s32 $0x1B800;
	[dreg:$0x3] =	wrdreg s26;
	s26 =	simm.s32 $0x18000  }
.LBB2_1:
0x10: {  	[dreg:$0x5] =	wrdreg s22  }
0x11: {  	s20 =	rddreg [dreg:$0x3];
	s23 =	simm.s32 $0x5  }
0x12: {  	[tilespmem:s3], [sflag:$0x5] =	stream.linear.gather [hbm4b:s20+s3], $0x3800, $0x38;
	[tilespmem:$0x1F800] =	vst v63  }
0x13: {  	_ =	swait.ge [sflag:s23], $0x3800  }
0x14: {  	[sflag:s23] =	ssyncset.done $0x0  }
0x15: {  	[sflag:s23] =	ssyncadd.s32 $0xFFFFC800  }
0x16: {  	v0 =	vld [tilespmem:$0x0];
	_ =	sdelay $0x7  }
0x17: {  	[tilespmem:s10], [sflag:$0x1] =	stream.indirect_vreg.gather [hbm4b:s2+s3], $0x80, v0, vm0, $0xb8;
	[tilespmem:$0x1F800] =	vst v63  }
0x18: {  	v0 =	vld [tilespmem:$0x10];
	_ =	sdelay $0x6  }
0x19: {  	s24 =	simm.s32 $0x4000  }
0x1a: {  	[tilespmem:s24], [sflag:$0x1] =	stream.indirect_vreg.gather [hbm4b:s2+s3], $0x80, v0, vm0, $0xb8;
	[tilespmem:$0x1F800] =	vst v63  }
0x1b: {  	v0 =	vld [tilespmem:$0x20];
	_ =	sdelay $0x6  }
0x1c: {  	s25 =	simm.s32 $0x4800  }
0x1d: {  	[tilespmem:s25], [sflag:$0x1] =	stream.indirect_vreg.gather [hbm4b:s2+s3], $0x80, v0, vm0, $0xb8;
	[tilespmem:$0x1F800] =	vst v63  }
0x1e: {  	v0 =	vld [tilespmem:$0x30];
	_ =	sdelay $0x6  }
0x1f: {  	s21 =	simm.s32 $0x5000  }
0x20: {  	[tilespmem:s21], [sflag:$0x1] =	stream.indirect_vreg.gather [hbm4b:s2+s3], $0x80, v0, vm0, $0xb8;
	[tilespmem:$0x1F800] =	vst v63  }
0x21: {  	v0 =	vld [tilespmem:$0x40];
	_ =	sdelay $0x6  }
0x22: {  	s22 =	simm.s32 $0x5800  }
0x23: {  	[tilespmem:s22], [sflag:$0x1] =	stream.indirect_vreg.gather [hbm4b:s2+s3], $0x80, v0, vm0, $0xb8;
	[tilespmem:$0x1F800] =	vst v63  }
0x24: {  	v0 =	vld [tilespmem:$0x50];
	_ =	sdelay $0x6  }
0x25: {  	s23 =	simm.s32 $0x6000  }
0x26: {  	[tilespmem:s23], [sflag:$0x1] =	stream.indirect_vreg.gather [hbm4b:s2+s3], $0x80, v0, vm0, $0xb8;
	[tilespmem:$0x1F800] =	vst v63  }
0x27: {  	v0 =	vld [tilespmem:$0x60];
	_ =	sdelay $0x6  }
0x28: {  	s24 =	simm.s32 $0x6800  }
0x29: {  	[tilespmem:s24], [sflag:$0x1] =	stream.indirect_vreg.gather [hbm4b:s2+s3], $0x80, v0, vm0, $0xb8;
	[tilespmem:$0x1F800] =	vst v63  }
0x2a: {  	v0 =	vld [tilespmem:$0x80];
	_ =	sdelay $0x6  }
0x2b: {  	s25 =	simm.s32 $0x7000  }
0x2c: {  	[tilespmem:s25], [sflag:$0x1] =	stream.indirect_vreg.gather [hbm4b:s4+s3], $0x80, v0, vm0, $0xb8;
	[tilespmem:$0x1F800] =	vst v63  }
0x2d: {  	v0 =	vld [tilespmem:$0x90];
	_ =	sdelay $0x6  }
0x2e: {  	s21 =	simm.s32 $0x7800  }
0x2f: {  	[tilespmem:s21], [sflag:$0x1] =	stream.indirect_vreg.gather [hbm4b:s4+s3], $0x80, v0, vm0, $0xb8;
	[tilespmem:$0x1F800] =	vst v63  }
0x30: {  	v0 =	vld [tilespmem:$0xA0];
	_ =	sdelay $0x6  }
0x31: {  	s22 =	simm.s32 $0x8000  }
0x32: {  	[tilespmem:s22], [sflag:$0x1] =	stream.indirect_vreg.gather [hbm4b:s4+s3], $0x80, v0, vm0, $0xb8;
	[tilespmem:$0x1F800] =	vst v63  }
0x33: {  	v0 =	vld [tilespmem:$0xB0];
	_ =	sdelay $0x6  }
0x34: {  	s23 =	simm.s32 $0x8800  }
0x35: {  	[tilespmem:s23], [sflag:$0x1] =	stream.indirect_vreg.gather [hbm4b:s4+s3], $0x80, v0, vm0, $0xb8;
	[tilespmem:$0x1F800] =	vst v63  }
0x36: {  	v0 =	vld [tilespmem:$0xC0];
	_ =	sdelay $0x6  }
0x37: {  	s24 =	simm.s32 $0x9000  }
0x38: {  	[tilespmem:s24], [sflag:$0x1] =	stream.indirect_vreg.gather [hbm4b:s4+s3], $0x80, v0, vm0, $0xb8;
	[tilespmem:$0x1F800] =	vst v63  }
0x39: {  	v0 =	vld [tilespmem:$0xD0];
	_ =	sdelay $0x6  }
0x3a: {  	s25 =	simm.s32 $0x9800  }
0x3b: {  	[tilespmem:s25], [sflag:$0x1] =	stream.indirect_vreg.gather [hbm4b:s4+s3], $0x80, v0, vm0, $0xb8;
	[tilespmem:$0x1F800] =	vst v63  }
0x3c: {  	v0 =	vld [tilespmem:$0xE0];
	_ =	sdelay $0x6  }
0x3d: {  	s21 =	simm.s32 $0xA000  }
0x3e: {  	[tilespmem:s21], [sflag:$0x1] =	stream.indirect_vreg.gather [hbm4b:s4+s3], $0x80, v0, vm0, $0xb8;
	[tilespmem:$0x1F800] =	vst v63  }
0x3f: {  	v0 =	vld [tilespmem:$0x100];
	_ =	sdelay $0x6  }
0x40: {  	s22 =	simm.s32 $0xA800  }
0x41: {  	[tilespmem:s22], [sflag:$0x1] =	stream.indirect_vreg.gather [hbm4b:s4+s3], $0x80, v0, vm0, $0xb8;
	[tilespmem:$0x1F800] =	vst v63  }
0x42: {  	v0 =	vld [tilespmem:$0x110];
	_ =	sdelay $0x6  }
0x43: {  	s23 =	simm.s32 $0xB000  }
0x44: {  	[tilespmem:s23], [sflag:$0x1] =	stream.indirect_vreg.gather [hbm4b:s4+s3], $0x80, v0, vm0, $0xb8;
	[tilespmem:$0x1F800] =	vst v63  }
0x45: {  	v0 =	vld [tilespmem:$0x120];
	_ =	sdelay $0x6  }
0x46: {  	s24 =	simm.s32 $0xB800  }
0x47: {  	[tilespmem:s24], [sflag:$0x1] =	stream.indirect_vreg.gather [hbm4b:s4+s3], $0x80, v0, vm0, $0xb8;
	[tilespmem:$0x1F800] =	vst v63  }
0x48: {  	v0 =	vld [tilespmem:$0x130];
	_ =	sdelay $0x6  }
0x49: {  	s25 =	simm.s32 $0xC000  }
0x4a: {  	[tilespmem:s25], [sflag:$0x1] =	stream.indirect_vreg.gather [hbm4b:s4+s3], $0x80, v0, vm0, $0xb8;
	[tilespmem:$0x1F800] =	vst v63  }
0x4b: {  	v0 =	vld [tilespmem:$0x140];
	_ =	sdelay $0x6  }
0x4c: {  	s21 =	simm.s32 $0xC800  }
0x4d: {  	[tilespmem:s21], [sflag:$0x1] =	stream.indirect_vreg.gather [hbm4b:s4+s3], $0x80, v0, vm0, $0xb8;
	[tilespmem:$0x1F800] =	vst v63  }
0x4e: {  	v0 =	vld [tilespmem:$0x150];
	_ =	sdelay $0x6  }
0x4f: {  	s22 =	simm.s32 $0xD000  }
0x50: {  	[tilespmem:s22], [sflag:$0x1] =	stream.indirect_vreg.gather [hbm4b:s4+s3], $0x80, v0, vm0, $0xb8;
	[tilespmem:$0x1F800] =	vst v63  }
0x51: {  	v0 =	vld [tilespmem:$0x160];
	_ =	sdelay $0x6  }
0x52: {  	s23 =	simm.s32 $0xD800  }
0x53: {  	[tilespmem:s23], [sflag:$0x1] =	stream.indirect_vreg.gather [hbm4b:s4+s3], $0x80, v0, vm0, $0xb8;
	[tilespmem:$0x1F800] =	vst v63  }
0x54: {  	v0 =	vld [tilespmem:$0x180];
	_ =	sdelay $0x6  }
0x55: {  	s24 =	simm.s32 $0xE000  }
0x56: {  	[tilespmem:s24], [sflag:$0x1] =	stream.indirect_vreg.gather [hbm4b:s4+s3], $0x80, v0, vm0, $0xb8;
	[tilespmem:$0x1F800] =	vst v63  }
0x57: {  	v0 =	vld [tilespmem:$0x190];
	_ =	sdelay $0x6  }
0x58: {  	s25 =	simm.s32 $0xE800  }
0x59: {  	[tilespmem:s25], [sflag:$0x1] =	stream.indirect_vreg.gather [hbm4b:s4+s3], $0x80, v0, vm0, $0xb8;
	[tilespmem:$0x1F800] =	vst v63  }
0x5a: {  	v0 =	vld [tilespmem:$0x1A0];
	_ =	sdelay $0x6  }
0x5b: {  	s21 =	simm.s32 $0xF000  }
0x5c: {  	[tilespmem:s21], [sflag:$0x1] =	stream.indirect_vreg.gather [hbm4b:s4+s3], $0x80, v0, vm0, $0xb8;
	[tilespmem:$0x1F800] =	vst v63  }
0x5d: {  	v0 =	vld [tilespmem:$0x1B0];
	_ =	sdelay $0x6  }
0x5e: {  	s22 =	simm.s32 $0xF800  }
0x5f: {  	[tilespmem:s22], [sflag:$0x1] =	stream.indirect_vreg.gather [hbm4b:s4+s3], $0x80, v0, vm0, $0xb8;
	[tilespmem:$0x1F800] =	vst v63  }
0x60: {  	v0 =	vld [tilespmem:$0x1C0];
	_ =	sdelay $0x6  }
0x61: {  	s23 =	simm.s32 $0x10000  }
0x62: {  	[tilespmem:s23], [sflag:$0x1] =	stream.indirect_vreg.gather [hbm4b:s4+s3], $0x80, v0, vm0, $0xb8;
	[tilespmem:$0x1F800] =	vst v63  }
0x63: {  	v0 =	vld [tilespmem:$0x1D0];
	_ =	sdelay $0x6  }
0x64: {  	s24 =	simm.s32 $0x10800  }
0x65: {  	[tilespmem:s24], [sflag:$0x1] =	stream.indirect_vreg.gather [hbm4b:s4+s3], $0x80, v0, vm0, $0xb8;
	[tilespmem:$0x1F800] =	vst v63  }
0x66: {  	v0 =	vld [tilespmem:$0x1E0];
	_ =	sdelay $0x6  }
0x67: {  	s20 =	simm.s32 $0x0;
	s25 =	simm.s32 $0x11000  }
0x68: {  	[tilespmem:s25], [sflag:$0x1] =	stream.indirect_vreg.gather [hbm4b:s4+s3], $0x80, v0, vm0, $0xb8;
	[tilespmem:$0x1F800] =	vst v63  }
.LBB2_2:
0x69: {  	p0 =	seq.s32 s20, $0x0  }
0x6a: {  	s22 =	simm.s32 @!p0 $0x4  }
0x6b: {  	s21 =	sshllo.u32 s20, $0x1;
	_ =	swait.ge @!p0 [sflag:s22], $0x3800  }
0x6c: {  	s23 =	sshll.u32 s21, $0x9;
	[sflag:s22] =	ssyncset.done @!p0 $0x0  }
0x6d: {  	[sflag:s22] =	ssyncadd.s32 @!p0 $0xFFFFC800;
	s22 =	sand.u32 $0x3FFFFE00, s23  }
0x6e: {  	v0 =	vld [tilespmem:s22+$0x0];
	_ =	sdelay $0x6  }
0x6f: {  	s23 =	simm.s32 $0x0  }
0x70: {  	[tilespmem:s13], [sflag:$0x2] =	stream.indirect_vreg.gather [hbm4b:s2+s23], $0x80, v0, vm0, $0xb8;
	[tilespmem:$0x1F800] =	vst v63  }
0x71: {  	v0 =	vld [tilespmem:s22+$0x10];
	_ =	sdelay $0x6  }
0x72: {  	s24 =	simm.s32 $0x12000  }
0x73: {  	[tilespmem:s24], [sflag:$0x2] =	stream.indirect_vreg.gather [hbm4b:s2+s23], $0x80, v0, vm0, $0xb8;
	[tilespmem:$0x1F800] =	vst v63  }
0x74: {  	v0 =	vld [tilespmem:s22+$0x20];
	_ =	sdelay $0x6  }
0x75: {  	s25 =	simm.s32 $0x12800  }
0x76: {  	[tilespmem:s25], [sflag:$0x2] =	stream.indirect_vreg.gather [hbm4b:s2+s23], $0x80, v0, vm0, $0xb8;
	[tilespmem:$0x1F800] =	vst v63  }
0x77: {  	v0 =	vld [tilespmem:s22+$0x30];
	_ =	sdelay $0x6  }
0x78: {  	s25 =	simm.s32 $0x13000  }
0x79: {  	[tilespmem:s25], [sflag:$0x2] =	stream.indirect_vreg.gather [hbm4b:s2+s23], $0x80, v0, vm0, $0xb8;
	[tilespmem:$0x1F800] =	vst v63  }
0x7a: {  	v0 =	vld [tilespmem:s22+$0x40];
	_ =	sdelay $0x6  }
0x7b: {  	s25 =	simm.s32 $0x13800  }
0x7c: {  	[tilespmem:s25], [sflag:$0x2] =	stream.indirect_vreg.gather [hbm4b:s2+s23], $0x80, v0, vm0, $0xb8;
	[tilespmem:$0x1F800] =	vst v63  }
0x7d: {  	v0 =	vld [tilespmem:s22+$0x50];
	_ =	sdelay $0x6  }
0x7e: {  	s25 =	simm.s32 $0x14000  }
0x7f: {  	[tilespmem:s25], [sflag:$0x2] =	stream.indirect_vreg.gather [hbm4b:s2+s23], $0x80, v0, vm0, $0xb8;
	[tilespmem:$0x1F800] =	vst v63  }
0x80: {  	v0 =	vld [tilespmem:s22+$0x60];
	_ =	sdelay $0x6  }
0x81: {  	s25 =	simm.s32 $0x14800  }
0x82: {  	[tilespmem:s25], [sflag:$0x2] =	stream.indirect_vreg.gather [hbm4b:s2+s23], $0x80, v0, vm0, $0xb8;
	[tilespmem:$0x1F800] =	vst v63  }
0x83: {  	v0 =	vld [tilespmem:s22+$0x80];
	_ =	sdelay $0x6  }
0x84: {  	s25 =	simm.s32 $0x15000  }
0x85: {  	[tilespmem:s25], [sflag:$0x2] =	stream.indirect_vreg.gather [hbm4b:s4+s23], $0x80, v0, vm0, $0xb8;
	[tilespmem:$0x1F800] =	vst v63  }
0x86: {  	v0 =	vld [tilespmem:s22+$0x90];
	_ =	sdelay $0x6  }
0x87: {  	s25 =	simm.s32 $0x15800  }
0x88: {  	[tilespmem:s25], [sflag:$0x2] =	stream.indirect_vreg.gather [hbm4b:s4+s23], $0x80, v0, vm0, $0xb8;
	[tilespmem:$0x1F800] =	vst v63  }
0x89: {  	v0 =	vld [tilespmem:s22+$0xA0];
	_ =	sdelay $0x6  }
0x8a: {  	s25 =	simm.s32 $0x16000  }
0x8b: {  	[tilespmem:s25], [sflag:$0x2] =	stream.indirect_vreg.gather [hbm4b:s4+s23], $0x80, v0, vm0, $0xb8;
	[tilespmem:$0x1F800] =	vst v63  }
0x8c: {  	v0 =	vld [tilespmem:s22+$0xB0];
	_ =	sdelay $0x6  }
0x8d: {  	s25 =	simm.s32 $0x16800  }
0x8e: {  	[tilespmem:s25], [sflag:$0x2] =	stream.indirect_vreg.gather [hbm4b:s4+s23], $0x80, v0, vm0, $0xb8;
	[tilespmem:$0x1F800] =	vst v63  }
0x8f: {  	v0 =	vld [tilespmem:s22+$0xC0];
	_ =	sdelay $0x6  }
0x90: {  	s25 =	simm.s32 $0x17000  }
0x91: {  	[tilespmem:s25], [sflag:$0x2] =	stream.indirect_vreg.gather [hbm4b:s4+s23], $0x80, v0, vm0, $0xb8;
	[tilespmem:$0x1F800] =	vst v63  }
0x92: {  	v0 =	vld [tilespmem:s22+$0xD0];
	_ =	sdelay $0x6  }
0x93: {  	s25 =	simm.s32 $0x17800  }
0x94: {  	[tilespmem:s25], [sflag:$0x2] =	stream.indirect_vreg.gather [hbm4b:s4+s23], $0x80, v0, vm0, $0xb8;
	[tilespmem:$0x1F800] =	vst v63  }
0x95: {  	v0 =	vld [tilespmem:s22+$0xE0];
	_ =	sdelay $0x7  }
0x96: {  	[tilespmem:s26], [sflag:$0x2] =	stream.indirect_vreg.gather [hbm4b:s4+s23], $0x80, v0, vm0, $0xb8;
	[tilespmem:$0x1F800] =	vst v63  }
0x97: {  	v0 =	vld [tilespmem:s22+$0x100];
	_ =	sdelay $0x7  }
0x98: {  	[tilespmem:s28], [sflag:$0x2] =	stream.indirect_vreg.gather [hbm4b:s4+s23], $0x80, v0, vm0, $0xb8;
	[tilespmem:$0x1F800] =	vst v63  }
0x99: {  	v0 =	vld [tilespmem:s22+$0x110];
	_ =	sdelay $0x7  }
0x9a: {  	[tilespmem:s29], [sflag:$0x2] =	stream.indirect_vreg.gather [hbm4b:s4+s23], $0x80, v0, vm0, $0xb8;
	[tilespmem:$0x1F800] =	vst v63  }
0x9b: {  	v0 =	vld [tilespmem:s22+$0x120];
	_ =	sdelay $0x7  }
0x9c: {  	[tilespmem:s30], [sflag:$0x2] =	stream.indirect_vreg.gather [hbm4b:s4+s23], $0x80, v0, vm0, $0xb8;
	[tilespmem:$0x1F800] =	vst v63  }
0x9d: {  	v0 =	vld [tilespmem:s22+$0x130];
	_ =	sdelay $0x7  }
0x9e: {  	[tilespmem:s31], [sflag:$0x2] =	stream.indirect_vreg.gather [hbm4b:s4+s23], $0x80, v0, vm0, $0xb8;
	[tilespmem:$0x1F800] =	vst v63  }
0x9f: {  	v0 =	vld [tilespmem:s22+$0x140];
	_ =	sdelay $0x7  }
0xa0: {  	[tilespmem:s1], [sflag:$0x2] =	stream.indirect_vreg.gather [hbm4b:s4+s23], $0x80, v0, vm0, $0xb8;
	[tilespmem:$0x1F800] =	vst v63  }
0xa1: {  	v0 =	vld [tilespmem:s22+$0x150];
	_ =	sdelay $0x7  }
0xa2: {  	[tilespmem:s0], [sflag:$0x2] =	stream.indirect_vreg.gather [hbm4b:s4+s23], $0x80, v0, vm0, $0xb8;
	[tilespmem:$0x1F800] =	vst v63  }
0xa3: {  	v0 =	vld [tilespmem:s22+$0x160];
	_ =	sdelay $0x7  }
0xa4: {  	[tilespmem:s7], [sflag:$0x2] =	stream.indirect_vreg.gather [hbm4b:s4+s23], $0x80, v0, vm0, $0xb8;
	[tilespmem:$0x1F800] =	vst v63  }
0xa5: {  	v0 =	vld [tilespmem:s22+$0x180];
	_ =	sdelay $0x7  }
0xa6: {  	[tilespmem:s8], [sflag:$0x2] =	stream.indirect_vreg.gather [hbm4b:s4+s23], $0x80, v0, vm0, $0xb8;
	[tilespmem:$0x1F800] =	vst v63  }
0xa7: {  	v0 =	vld [tilespmem:s22+$0x190];
	_ =	sdelay $0x7  }
0xa8: {  	[tilespmem:s9], [sflag:$0x2] =	stream.indirect_vreg.gather [hbm4b:s4+s23], $0x80, v0, vm0, $0xb8;
	[tilespmem:$0x1F800] =	vst v63  }
0xa9: {  	v0 =	vld [tilespmem:s22+$0x1A0];
	_ =	sdelay $0x7  }
0xaa: {  	[tilespmem:s11], [sflag:$0x2] =	stream.indirect_vreg.gather [hbm4b:s4+s23], $0x80, v0, vm0, $0xb8;
	[tilespmem:$0x1F800] =	vst v63  }
0xab: {  	v0 =	vld [tilespmem:s22+$0x1B0];
	_ =	sdelay $0x7  }
0xac: {  	[tilespmem:s12], [sflag:$0x2] =	stream.indirect_vreg.gather [hbm4b:s4+s23], $0x80, v0, vm0, $0xb8;
	[tilespmem:$0x1F800] =	vst v63  }
0xad: {  	v0 =	vld [tilespmem:s22+$0x1C0];
	_ =	sdelay $0x7  }
0xae: {  	[tilespmem:s14], [sflag:$0x2] =	stream.indirect_vreg.gather [hbm4b:s4+s23], $0x80, v0, vm0, $0xb8;
	[tilespmem:$0x1F800] =	vst v63  }
0xaf: {  	v0 =	vld [tilespmem:s22+$0x1D0];
	_ =	sdelay $0x7  }
0xb0: {  	[tilespmem:s15], [sflag:$0x2] =	stream.indirect_vreg.gather [hbm4b:s4+s23], $0x80, v0, vm0, $0xb8;
	[tilespmem:$0x1F800] =	vst v63  }
0xb1: {  	v0 =	vld [tilespmem:s22+$0x1E0];
	_ =	sdelay $0x7  }
0xb2: {  	[tilespmem:s16], [sflag:$0x2] =	stream.indirect_vreg.gather [hbm4b:s4+s23], $0x80, v0, vm0, $0xb8;
	[tilespmem:$0x1F800] =	vst v63  }
0xb3: {  	_ =	swait.ge [sflag:s17], $0x3800  }
0xb4: {  	[sflag:s17] =	ssyncset.done $0x0  }
0xb5: {  	[sflag:s17] =	ssyncadd.s32 $0xFFFFC800  }
0xb6: {  	_ =	swait.ge [sflag:s17], $0x3800  }
0xb7: {  	[sflag:s17] =	ssyncset.done $0x0  }
0xb8: {  	[sflag:s17] =	ssyncadd.s32 $0xFFFFC800  }
0xb9: {  	_ =	swait.ge [sflag:s17], $0x3800  }
0xba: {  	[sflag:s17] =	ssyncset.done $0x0  }
0xbb: {  	[sflag:s17] =	ssyncadd.s32 $0xFFFFC800  }
0xbc: {  	_ =	swait.ge [sflag:s17], $0x3800  }
0xbd: {  	[sflag:s17] =	ssyncset.done $0x0  }
0xbe: {  	s22 =	simm.s32 $0x0;
	[sflag:s17] =	ssyncadd.s32 $0xFFFFC800  }
0xbf: {  	v5 =	vld [tilespmem:s22+$0xE000]  }
0xc0: {  	v4 =	vld [tilespmem:s22+$0xE010]  }
0xc1: {  	v3 =	vld [tilespmem:s22+$0xE020]  }
0xc2: {  	v2 =	vld [tilespmem:s22+$0xE030]  }
0xc3: {  	v1 =	vld [tilespmem:s22+$0xE040]  }
0xc4: {  	v0 =	vld [tilespmem:s22+$0xE050]  }
0xc5: {  	v14 =	vld [tilespmem:s22+$0xA800]  }
0xc6: {  	v19 =	vld [tilespmem:s22+$0xA810]  }
0xc7: {  	v9 =	vld [tilespmem:s22+$0xA820]  }
0xc8: {  	v8 =	vld [tilespmem:s22+$0xA830]  }
0xc9: {  	v7 =	vld [tilespmem:s22+$0xA840]  }
0xca: {  	v6 =	vld [tilespmem:s22+$0xA850]  }
0xcb: {  	v11 =	vld [tilespmem:s22+$0x7000]  }
0xcc: {  	v15 =	vld [tilespmem:s22+$0x7010]  }
0xcd: {  	v16 =	vld [tilespmem:s22+$0x7020]  }
0xce: {  	v20 =	vld [tilespmem:s22+$0x7030]  }
0xcf: {  	v12 =	vld [tilespmem:s22+$0x7040]  }
0xd0: {  	v10 =	vld [tilespmem:s22+$0x7050]  }
0xd1: {  	v17 =	vld [tilespmem:s22+$0x3800]  }
0xd2: {  	v18 =	vld [tilespmem:s22+$0x3810]  }
0xd3: {  	v21 =	vld [tilespmem:s22+$0x3820]  }
0xd4: {  	v22 =	vld [tilespmem:s22+$0x3830]  }
0xd5: {  	v13 =	vld [tilespmem:s22+$0x7060]  }
0xd6: {  	v17 =	vadd.f32 v11, v17;
	v11 =	vld [tilespmem:s22+$0x7070]  }
0xd7: {  	v23 =	vadd.f32 v15, v18;
	v15 =	vld [tilespmem:s22+$0x3840]  }
0xd8: {  	v18 =	vadd.f32 v16, v21;
	v16 =	vld [tilespmem:s22+$0x3850];
	v17 =	vadd.f32 v14, v17  }
0xd9: {  	s24 =	simm.s32 $0x200;
	s23 =	sshll.u32 s20, $0x1;
	v20 =	vadd.f32 v20, v22;
	v19 =	vadd.f32 v19, v23;
	v14 =	vld [tilespmem:s22+$0x3860]  }
.LBB2_3:
0xda: {  	p0 =	sne.s32 s24, $0xDE00;
	v5 =	vadd.f32 v5, v17;
	v9 =	vadd.f32 v9, v18;
	v17 =	vld [tilespmem:s22+$0x3870]  }
0xdb: {  	v4 =	vadd.f32 v4, v19;
	v8 =	vadd.f32 v8, v20;
	v18 =	vld [tilespmem:s22+$0xA860]  }
0xdc: {  	v3 =	vadd.f32 v3, v9;
	v9 =	vadd.f32 v12, v15;
	v12 =	vld [tilespmem:s22+$0xA870]  }
0xdd: {  	v2 =	vadd.f32 v2, v8;
	v8 =	vadd.f32 v10, v16;
	v10 =	vld [tilespmem:s22+$0xE060]  }
0xde: {  	s25 =	sshra.s32 s24, $0x2;
	[tilespmem:s22+$0x3800] =	vst v5;
	v7 =	vadd.f32 v7, v9;
	v9 =	vadd.f32 v13, v14;
	v13 =	vld [tilespmem:s22+$0xE070]  }
0xdf: {  	v5 =	vld [tilespmem:s25+$0xE000];
	[tilespmem:s22+$0x3810] =	vst v4;
	v6 =	vadd.f32 v6, v8;
	v8 =	vadd.f32 v11, v17  }
0xe0: {  	v4 =	vld [tilespmem:s25+$0xE010];
	[tilespmem:s22+$0x3820] =	vst v3;
	v1 =	vadd.f32 v1, v7;
	v7 =	vadd.f32 v18, v9  }
0xe1: {  	v3 =	vld [tilespmem:s25+$0xE020];
	[tilespmem:s22+$0x3830] =	vst v2;
	v0 =	vadd.f32 v0, v6;
	v6 =	vadd.f32 v12, v8  }
0xe2: {  	v2 =	vld [tilespmem:s25+$0xE030];
	[tilespmem:s22+$0x3840] =	vst v1;
	v7 =	vadd.f32 v10, v7  }
0xe3: {  	v1 =	vld [tilespmem:s25+$0xE040];
	[tilespmem:s22+$0x3850] =	vst v0;
	v6 =	vadd.f32 v13, v6  }
0xe4: {  	v0 =	vld [tilespmem:s25+$0xE050];
	[tilespmem:s22+$0x3860] =	vst v7  }
0xe5: {  	v14 =	vld [tilespmem:s25+$0xA800];
	[tilespmem:s22+$0x3870] =	vst v6;
	s22 =	smov.u32 s25  }
0xe6: {  	v19 =	vld [tilespmem:s22+$0xA810]  }
0xe7: {  	v9 =	vld [tilespmem:s22+$0xA820]  }
0xe8: {  	v8 =	vld [tilespmem:s22+$0xA830]  }
0xe9: {  	v7 =	vld [tilespmem:s22+$0xA840]  }
0xea: {  	v6 =	vld [tilespmem:s22+$0xA850]  }
0xeb: {  	v11 =	vld [tilespmem:s22+$0x7000]  }
0xec: {  	v15 =	vld [tilespmem:s22+$0x7010]  }
0xed: {  	v16 =	vld [tilespmem:s22+$0x7020]  }
0xee: {  	v20 =	vld [tilespmem:s22+$0x7030]  }
0xef: {  	v12 =	vld [tilespmem:s22+$0x7040]  }
0xf0: {  	v10 =	vld [tilespmem:s22+$0x7050]  }
0xf1: {  	v17 =	vld [tilespmem:s22+$0x3800]  }
0xf2: {  	v18 =	vld [tilespmem:s22+$0x3810]  }
0xf3: {  	v21 =	vld [tilespmem:s22+$0x3820]  }
0xf4: {  	v22 =	vld [tilespmem:s22+$0x3830]  }
.Ltmp0:
0xf5: {  	v13 =	vld [tilespmem:s22+$0x7060];
	(pc) =	sbr.rel @p0 .LBB2_3-.Ltmp0, $4  }
0xf6: {  	v17 =	vadd.f32 v11, v17;
	v11 =	vld [tilespmem:s22+$0x7070]  }
0xf7: {  	v23 =	vadd.f32 v15, v18;
	v15 =	vld [tilespmem:s22+$0x3840]  }
0xf8: {  	v17 =	vadd.f32 v14, v17;
	v18 =	vadd.f32 v16, v21;
	v16 =	vld [tilespmem:s22+$0x3850]  }
0xf9: {  	s24 =	sadd.s32 $0x200, s24;
	v19 =	vadd.f32 v19, v23;
	v20 =	vadd.f32 v20, v22;
	v14 =	vld [tilespmem:s22+$0x3860]  }
0xfa: {  	v21 =	vld [tilespmem:s22+$0x3870];
	v5 =	vadd.f32 v5, v17;
	v9 =	vadd.f32 v9, v18  }
0xfb: {  	v50 =	vld [tilespmem:s22+$0xA860];
	v4 =	vadd.f32 v4, v19;
	v8 =	vadd.f32 v8, v20  }
0xfc: {  	v51 =	vld [tilespmem:s22+$0xA870];
	v3 =	vadd.f32 v3, v9;
	v52 =	vadd.f32 v12, v15  }
0xfd: {  	v53 =	vld [tilespmem:s22+$0xE060];
	v2 =	vadd.f32 v2, v8;
	v54 =	vadd.f32 v10, v16  }
0xfe: {  	v57 =	vld [tilespmem:s22+$0xE070];
	[tilespmem:s22+$0x3800] =	vst v5;
	v55 =	vadd.f32 v7, v52;
	v56 =	vadd.f32 v13, v14  }
0xff: {  	[tilespmem:s22+$0x3810] =	vst v4;
	v58 =	vadd.f32 v6, v54;
	v59 =	vadd.f32 v11, v21  }
0x100: {  	[tilespmem:s22+$0x3820] =	vst v3;
	v1 =	vadd.f32 v1, v55;
	v60 =	vadd.f32 v50, v56  }
0x101: {  	p0 =	seq.s32 s20, $0xD;
	[tilespmem:s22+$0x3830] =	vst v2;
	v0 =	vadd.f32 v0, v58;
	v61 =	vadd.f32 v51, v59  }
.Ltmp1:
0x102: {  	s23 =	sadd.s32 s6, s23;
	[tilespmem:s22+$0x3840] =	vst v1;
	v62 =	vadd.f32 v53, v60;
	(pc) =	sbr.rel @p0 .LBB2_6-.Ltmp1, $4  }
0x103: {  	s23 =	smul.u32 $0x700, s23;
	[tilespmem:s22+$0x3850] =	vst v0;
	v63 =	vadd.f32 v57, v61  }
0x104: {  	[tilespmem:s22+$0x3860] =	vst v62  }
0x105: {  	s25 =	sadd.s32 s5, s23;
	[tilespmem:s22+$0x3870] =	vst v63  }
0x106: {  	[hbm4b:s25+s3] =	stream.linear.scatter [tilespmem:s10], [sflag:$0x3], $0x3800, $0x38;
	[tilespmem:$0x1F800] =	vst v63  }
0x107: {  	_ =	swait.ge [sflag:s19], $0x3800  }
0x108: {  	s22 =	sshll.u32 s20, $0xA;
	[sflag:s19] =	ssyncset.done $0x0  }
0x109: {  	s22 =	sand.u32 $0x3FFFFC00, s22;
	[sflag:s19] =	ssyncadd.s32 $0xFFFFC800  }
0x10a: {  	v0 =	vld [tilespmem:s22+$0x400];
	_ =	sdelay $0x7  }
0x10b: {  	[tilespmem:s10], [sflag:$0x1] =	stream.indirect_vreg.gather [hbm4b:s2+s3], $0x80, v0, vm0, $0xb8;
	[tilespmem:$0x1F800] =	vst v63  }
0x10c: {  	v0 =	vld [tilespmem:s22+$0x410];
	_ =	sdelay $0x6  }
0x10d: {  	s23 =	simm.s32 $0x4000  }
0x10e: {  	[tilespmem:s23], [sflag:$0x1] =	stream.indirect_vreg.gather [hbm4b:s2+s3], $0x80, v0, vm0, $0xb8;
	[tilespmem:$0x1F800] =	vst v63  }
0x10f: {  	v0 =	vld [tilespmem:s22+$0x420];
	_ =	sdelay $0x6  }
0x110: {  	s24 =	simm.s32 $0x4800  }
0x111: {  	[tilespmem:s24], [sflag:$0x1] =	stream.indirect_vreg.gather [hbm4b:s2+s3], $0x80, v0, vm0, $0xb8;
	[tilespmem:$0x1F800] =	vst v63  }
0x112: {  	v0 =	vld [tilespmem:s22+$0x430];
	_ =	sdelay $0x6  }
0x113: {  	s25 =	simm.s32 $0x5000  }
0x114: {  	[tilespmem:s25], [sflag:$0x1] =	stream.indirect_vreg.gather [hbm4b:s2+s3], $0x80, v0, vm0, $0xb8;
	[tilespmem:$0x1F800] =	vst v63  }
0x115: {  	v0 =	vld [tilespmem:s22+$0x440];
	_ =	sdelay $0x6  }
0x116: {  	s24 =	simm.s32 $0x5800  }
0x117: {  	[tilespmem:s24], [sflag:$0x1] =	stream.indirect_vreg.gather [hbm4b:s2+s3], $0x80, v0, vm0, $0xb8;
	[tilespmem:$0x1F800] =	vst v63  }
0x118: {  	v0 =	vld [tilespmem:s22+$0x450];
	_ =	sdelay $0x6  }
0x119: {  	s25 =	simm.s32 $0x6000  }
0x11a: {  	[tilespmem:s25], [sflag:$0x1] =	stream.indirect_vreg.gather [hbm4b:s2+s3], $0x80, v0, vm0, $0xb8;
	[tilespmem:$0x1F800] =	vst v63  }
0x11b: {  	v0 =	vld [tilespmem:s22+$0x460];
	_ =	sdelay $0x6  }
0x11c: {  	s24 =	simm.s32 $0x6800  }
0x11d: {  	[tilespmem:s24], [sflag:$0x1] =	stream.indirect_vreg.gather [hbm4b:s2+s3], $0x80, v0, vm0, $0xb8;
	[tilespmem:$0x1F800] =	vst v63  }
0x11e: {  	v0 =	vld [tilespmem:s22+$0x480];
	_ =	sdelay $0x6  }
0x11f: {  	s25 =	simm.s32 $0x7000  }
0x120: {  	[tilespmem:s25], [sflag:$0x1] =	stream.indirect_vreg.gather [hbm4b:s4+s3], $0x80, v0, vm0, $0xb8;
	[tilespmem:$0x1F800] =	vst v63  }
0x121: {  	v0 =	vld [tilespmem:s22+$0x490];
	_ =	sdelay $0x6  }
0x122: {  	s24 =	simm.s32 $0x7800  }
0x123: {  	[tilespmem:s24], [sflag:$0x1] =	stream.indirect_vreg.gather [hbm4b:s4+s3], $0x80, v0, vm0, $0xb8;
	[tilespmem:$0x1F800] =	vst v63  }
0x124: {  	v0 =	vld [tilespmem:s22+$0x4A0];
	_ =	sdelay $0x6  }
0x125: {  	s25 =	simm.s32 $0x8000  }
0x126: {  	[tilespmem:s25], [sflag:$0x1] =	stream.indirect_vreg.gather [hbm4b:s4+s3], $0x80, v0, vm0, $0xb8;
	[tilespmem:$0x1F800] =	vst v63  }
0x127: {  	v0 =	vld [tilespmem:s22+$0x4B0];
	_ =	sdelay $0x6  }
0x128: {  	s24 =	simm.s32 $0x8800  }
0x129: {  	[tilespmem:s24], [sflag:$0x1] =	stream.indirect_vreg.gather [hbm4b:s4+s3], $0x80, v0, vm0, $0xb8;
	[tilespmem:$0x1F800] =	vst v63  }
0x12a: {  	v0 =	vld [tilespmem:s22+$0x4C0];
	_ =	sdelay $0x6  }
0x12b: {  	s25 =	simm.s32 $0x9000  }
0x12c: {  	[tilespmem:s25], [sflag:$0x1] =	stream.indirect_vreg.gather [hbm4b:s4+s3], $0x80, v0, vm0, $0xb8;
	[tilespmem:$0x1F800] =	vst v63  }
0x12d: {  	v0 =	vld [tilespmem:s22+$0x4D0];
	_ =	sdelay $0x6  }
0x12e: {  	s24 =	simm.s32 $0x9800  }
0x12f: {  	[tilespmem:s24], [sflag:$0x1] =	stream.indirect_vreg.gather [hbm4b:s4+s3], $0x80, v0, vm0, $0xb8;
	[tilespmem:$0x1F800] =	vst v63  }
0x130: {  	v0 =	vld [tilespmem:s22+$0x4E0];
	_ =	sdelay $0x6  }
0x131: {  	s25 =	simm.s32 $0xA000  }
0x132: {  	[tilespmem:s25], [sflag:$0x1] =	stream.indirect_vreg.gather [hbm4b:s4+s3], $0x80, v0, vm0, $0xb8;
	[tilespmem:$0x1F800] =	vst v63  }
0x133: {  	v0 =	vld [tilespmem:s22+$0x500];
	_ =	sdelay $0x6  }
0x134: {  	s24 =	simm.s32 $0xA800  }
0x135: {  	[tilespmem:s24], [sflag:$0x1] =	stream.indirect_vreg.gather [hbm4b:s4+s3], $0x80, v0, vm0, $0xb8;
	[tilespmem:$0x1F800] =	vst v63  }
0x136: {  	v0 =	vld [tilespmem:s22+$0x510];
	_ =	sdelay $0x6  }
0x137: {  	s25 =	simm.s32 $0xB000  }
0x138: {  	[tilespmem:s25], [sflag:$0x1] =	stream.indirect_vreg.gather [hbm4b:s4+s3], $0x80, v0, vm0, $0xb8;
	[tilespmem:$0x1F800] =	vst v63  }
0x139: {  	v0 =	vld [tilespmem:s22+$0x520];
	_ =	sdelay $0x6  }
0x13a: {  	s24 =	simm.s32 $0xB800  }
0x13b: {  	[tilespmem:s24], [sflag:$0x1] =	stream.indirect_vreg.gather [hbm4b:s4+s3], $0x80, v0, vm0, $0xb8;
	[tilespmem:$0x1F800] =	vst v63  }
0x13c: {  	v0 =	vld [tilespmem:s22+$0x530];
	_ =	sdelay $0x6  }
0x13d: {  	s25 =	simm.s32 $0xC000  }
0x13e: {  	[tilespmem:s25], [sflag:$0x1] =	stream.indirect_vreg.gather [hbm4b:s4+s3], $0x80, v0, vm0, $0xb8;
	[tilespmem:$0x1F800] =	vst v63  }
0x13f: {  	v0 =	vld [tilespmem:s22+$0x540];
	_ =	sdelay $0x6  }
0x140: {  	s24 =	simm.s32 $0xC800  }
0x141: {  	[tilespmem:s24], [sflag:$0x1] =	stream.indirect_vreg.gather [hbm4b:s4+s3], $0x80, v0, vm0, $0xb8;
	[tilespmem:$0x1F800] =	vst v63  }
0x142: {  	v0 =	vld [tilespmem:s22+$0x550];
	_ =	sdelay $0x6  }
0x143: {  	s25 =	simm.s32 $0xD000  }
0x144: {  	[tilespmem:s25], [sflag:$0x1] =	stream.indirect_vreg.gather [hbm4b:s4+s3], $0x80, v0, vm0, $0xb8;
	[tilespmem:$0x1F800] =	vst v63  }
0x145: {  	v0 =	vld [tilespmem:s22+$0x560];
	_ =	sdelay $0x6  }
0x146: {  	s24 =	simm.s32 $0xD800  }
0x147: {  	[tilespmem:s24], [sflag:$0x1] =	stream.indirect_vreg.gather [hbm4b:s4+s3], $0x80, v0, vm0, $0xb8;
	[tilespmem:$0x1F800] =	vst v63  }
0x148: {  	v0 =	vld [tilespmem:s22+$0x580];
	_ =	sdelay $0x6  }
0x149: {  	s25 =	simm.s32 $0xE000  }
0x14a: {  	[tilespmem:s25], [sflag:$0x1] =	stream.indirect_vreg.gather [hbm4b:s4+s3], $0x80, v0, vm0, $0xb8;
	[tilespmem:$0x1F800] =	vst v63  }
0x14b: {  	v0 =	vld [tilespmem:s22+$0x590];
	_ =	sdelay $0x6  }
0x14c: {  	s24 =	simm.s32 $0xE800  }
0x14d: {  	[tilespmem:s24], [sflag:$0x1] =	stream.indirect_vreg.gather [hbm4b:s4+s3], $0x80, v0, vm0, $0xb8;
	[tilespmem:$0x1F800] =	vst v63  }
0x14e: {  	v0 =	vld [tilespmem:s22+$0x5A0];
	_ =	sdelay $0x6  }
0x14f: {  	s25 =	simm.s32 $0xF000  }
0x150: {  	[tilespmem:s25], [sflag:$0x1] =	stream.indirect_vreg.gather [hbm4b:s4+s3], $0x80, v0, vm0, $0xb8;
	[tilespmem:$0x1F800] =	vst v63  }
0x151: {  	v0 =	vld [tilespmem:s22+$0x5B0];
	_ =	sdelay $0x6  }
0x152: {  	s24 =	simm.s32 $0xF800  }
0x153: {  	[tilespmem:s24], [sflag:$0x1] =	stream.indirect_vreg.gather [hbm4b:s4+s3], $0x80, v0, vm0, $0xb8;
	[tilespmem:$0x1F800] =	vst v63  }
0x154: {  	v0 =	vld [tilespmem:s22+$0x5C0];
	_ =	sdelay $0x6  }
0x155: {  	s25 =	simm.s32 $0x10000  }
0x156: {  	[tilespmem:s25], [sflag:$0x1] =	stream.indirect_vreg.gather [hbm4b:s4+s3], $0x80, v0, vm0, $0xb8;
	[tilespmem:$0x1F800] =	vst v63  }
0x157: {  	v0 =	vld [tilespmem:s22+$0x5D0];
	_ =	sdelay $0x6  }
0x158: {  	s24 =	simm.s32 $0x10800  }
0x159: {  	[tilespmem:s24], [sflag:$0x1] =	stream.indirect_vreg.gather [hbm4b:s4+s3], $0x80, v0, vm0, $0xb8;
	[tilespmem:$0x1F800] =	vst v63  }
0x15a: {  	v0 =	vld [tilespmem:s22+$0x5E0];
	_ =	sdelay $0x6  }
0x15b: {  	s25 =	simm.s32 $0x11000  }
0x15c: {  	[tilespmem:s25], [sflag:$0x1] =	stream.indirect_vreg.gather [hbm4b:s4+s3], $0x80, v0, vm0, $0xb8;
	[tilespmem:$0x1F800] =	vst v63  }
.LBB2_6:
0x15d: {  	_ =	swait.ge [sflag:s18], $0x3800  }
0x15e: {  	[sflag:s18] =	ssyncset.done $0x0  }
0x15f: {  	[sflag:s18] =	ssyncadd.s32 $0xFFFFC800  }
0x160: {  	_ =	swait.ge [sflag:s18], $0x3800  }
0x161: {  	[sflag:s18] =	ssyncset.done $0x0  }
0x162: {  	[sflag:s18] =	ssyncadd.s32 $0xFFFFC800  }
0x163: {  	_ =	swait.ge [sflag:s18], $0x3800  }
0x164: {  	[sflag:s18] =	ssyncset.done $0x0  }
0x165: {  	[sflag:s18] =	ssyncadd.s32 $0xFFFFC800  }
0x166: {  	_ =	swait.ge [sflag:s18], $0x3800  }
0x167: {  	[sflag:s18] =	ssyncset.done $0x0  }
0x168: {  	s22 =	simm.s32 $0x0;
	[sflag:s18] =	ssyncadd.s32 $0xFFFFC800  }
0x169: {  	v5 =	vld [tilespmem:s22+$0x1C000]  }
0x16a: {  	v4 =	vld [tilespmem:s22+$0x1C010]  }
0x16b: {  	v3 =	vld [tilespmem:s22+$0x1C020]  }
0x16c: {  	v2 =	vld [tilespmem:s22+$0x1C030]  }
0x16d: {  	v1 =	vld [tilespmem:s22+$0x1C040]  }
0x16e: {  	v0 =	vld [tilespmem:s22+$0x1C050]  }
0x16f: {  	v14 =	vld [tilespmem:s22+$0x18800]  }
0x170: {  	v19 =	vld [tilespmem:s22+$0x18810]  }
0x171: {  	v9 =	vld [tilespmem:s22+$0x18820]  }
0x172: {  	v8 =	vld [tilespmem:s22+$0x18830]  }
0x173: {  	v7 =	vld [tilespmem:s22+$0x18840]  }
0x174: {  	v6 =	vld [tilespmem:s22+$0x18850]  }
0x175: {  	v11 =	vld [tilespmem:s22+$0x15000]  }
0x176: {  	v15 =	vld [tilespmem:s22+$0x15010]  }
0x177: {  	v16 =	vld [tilespmem:s22+$0x15020]  }
0x178: {  	v20 =	vld [tilespmem:s22+$0x15030]  }
0x179: {  	v12 =	vld [tilespmem:s22+$0x15040]  }
0x17a: {  	v10 =	vld [tilespmem:s22+$0x15050]  }
0x17b: {  	v17 =	vld [tilespmem:s22+$0x11800]  }
0x17c: {  	v18 =	vld [tilespmem:s22+$0x11810]  }
0x17d: {  	v21 =	vld [tilespmem:s22+$0x11820]  }
0x17e: {  	v22 =	vld [tilespmem:s22+$0x11830]  }
0x17f: {  	v13 =	vld [tilespmem:s22+$0x15060]  }
0x180: {  	v17 =	vadd.f32 v11, v17;
	v11 =	vld [tilespmem:s22+$0x15070]  }
0x181: {  	v23 =	vadd.f32 v15, v18;
	v15 =	vld [tilespmem:s22+$0x11840]  }
0x182: {  	v18 =	vadd.f32 v16, v21;
	v16 =	vld [tilespmem:s22+$0x11850];
	v17 =	vadd.f32 v14, v17  }
0x183: {  	s23 =	simm.s32 $0x200;
	v20 =	vadd.f32 v20, v22;
	v19 =	vadd.f32 v19, v23;
	v14 =	vld [tilespmem:s22+$0x11860]  }
.LBB2_7:
0x184: {  	p0 =	sne.s32 s23, $0xDE00;
	v5 =	vadd.f32 v5, v17;
	v9 =	vadd.f32 v9, v18;
	v17 =	vld [tilespmem:s22+$0x11870]  }
0x185: {  	v4 =	vadd.f32 v4, v19;
	v8 =	vadd.f32 v8, v20;
	v18 =	vld [tilespmem:s22+$0x18860]  }
0x186: {  	v3 =	vadd.f32 v3, v9;
	v9 =	vadd.f32 v12, v15;
	v12 =	vld [tilespmem:s22+$0x18870]  }
0x187: {  	v2 =	vadd.f32 v2, v8;
	v8 =	vadd.f32 v10, v16;
	v10 =	vld [tilespmem:s22+$0x1C060]  }
0x188: {  	s24 =	sshra.s32 s23, $0x2;
	[tilespmem:s22+$0x11800] =	vst v5;
	v7 =	vadd.f32 v7, v9;
	v9 =	vadd.f32 v13, v14;
	v13 =	vld [tilespmem:s22+$0x1C070]  }
0x189: {  	v5 =	vld [tilespmem:s24+$0x1C000];
	[tilespmem:s22+$0x11810] =	vst v4;
	v6 =	vadd.f32 v6, v8;
	v8 =	vadd.f32 v11, v17  }
0x18a: {  	v4 =	vld [tilespmem:s24+$0x1C010];
	[tilespmem:s22+$0x11820] =	vst v3;
	v1 =	vadd.f32 v1, v7;
	v7 =	vadd.f32 v18, v9  }
0x18b: {  	v3 =	vld [tilespmem:s24+$0x1C020];
	[tilespmem:s22+$0x11830] =	vst v2;
	v0 =	vadd.f32 v0, v6;
	v6 =	vadd.f32 v12, v8  }
0x18c: {  	v2 =	vld [tilespmem:s24+$0x1C030];
	[tilespmem:s22+$0x11840] =	vst v1;
	v7 =	vadd.f32 v10, v7  }
0x18d: {  	v1 =	vld [tilespmem:s24+$0x1C040];
	[tilespmem:s22+$0x11850] =	vst v0;
	v6 =	vadd.f32 v13, v6  }
0x18e: {  	v0 =	vld [tilespmem:s24+$0x1C050];
	[tilespmem:s22+$0x11860] =	vst v7  }
0x18f: {  	v14 =	vld [tilespmem:s24+$0x18800];
	[tilespmem:s22+$0x11870] =	vst v6;
	s22 =	smov.u32 s24  }
0x190: {  	v19 =	vld [tilespmem:s22+$0x18810]  }
0x191: {  	v9 =	vld [tilespmem:s22+$0x18820]  }
0x192: {  	v8 =	vld [tilespmem:s22+$0x18830]  }
0x193: {  	v7 =	vld [tilespmem:s22+$0x18840]  }
0x194: {  	v6 =	vld [tilespmem:s22+$0x18850]  }
0x195: {  	v11 =	vld [tilespmem:s22+$0x15000]  }
0x196: {  	v15 =	vld [tilespmem:s22+$0x15010]  }
0x197: {  	v16 =	vld [tilespmem:s22+$0x15020]  }
0x198: {  	v20 =	vld [tilespmem:s22+$0x15030]  }
0x199: {  	v12 =	vld [tilespmem:s22+$0x15040]  }
0x19a: {  	v10 =	vld [tilespmem:s22+$0x15050]  }
0x19b: {  	v17 =	vld [tilespmem:s22+$0x11800]  }
0x19c: {  	v18 =	vld [tilespmem:s22+$0x11810]  }
0x19d: {  	v21 =	vld [tilespmem:s22+$0x11820]  }
0x19e: {  	v22 =	vld [tilespmem:s22+$0x11830]  }
.Ltmp2:
0x19f: {  	v13 =	vld [tilespmem:s22+$0x15060];
	(pc) =	sbr.rel @p0 .LBB2_7-.Ltmp2, $4  }
0x1a0: {  	v17 =	vadd.f32 v11, v17;
	v11 =	vld [tilespmem:s22+$0x15070]  }
0x1a1: {  	v23 =	vadd.f32 v15, v18;
	v15 =	vld [tilespmem:s22+$0x11840]  }
0x1a2: {  	v17 =	vadd.f32 v14, v17;
	v18 =	vadd.f32 v16, v21;
	v16 =	vld [tilespmem:s22+$0x11850]  }
0x1a3: {  	s23 =	sadd.s32 $0x200, s23;
	v19 =	vadd.f32 v19, v23;
	v20 =	vadd.f32 v20, v22;
	v14 =	vld [tilespmem:s22+$0x11860]  }
0x1a4: {  	v21 =	vld [tilespmem:s22+$0x11870];
	v5 =	vadd.f32 v5, v17;
	v9 =	vadd.f32 v9, v18  }
0x1a5: {  	v50 =	vld [tilespmem:s22+$0x18860];
	v4 =	vadd.f32 v4, v19;
	v8 =	vadd.f32 v8, v20  }
0x1a6: {  	v51 =	vld [tilespmem:s22+$0x18870];
	v3 =	vadd.f32 v3, v9;
	v52 =	vadd.f32 v12, v15  }
0x1a7: {  	v53 =	vld [tilespmem:s22+$0x1C060];
	v2 =	vadd.f32 v2, v8;
	v54 =	vadd.f32 v10, v16  }
0x1a8: {  	v57 =	vld [tilespmem:s22+$0x1C070];
	[tilespmem:s22+$0x11800] =	vst v5;
	v55 =	vadd.f32 v7, v52;
	v56 =	vadd.f32 v13, v14  }
0x1a9: {  	[tilespmem:s22+$0x11810] =	vst v4;
	v58 =	vadd.f32 v6, v54;
	v59 =	vadd.f32 v11, v21  }
0x1aa: {  	s20 =	sadd.s32 $0x1, s20;
	[tilespmem:s22+$0x11820] =	vst v3;
	v1 =	vadd.f32 v1, v55;
	v60 =	vadd.f32 v50, v56  }
0x1ab: {  	p0 =	sne.s32 s20, $0xE;
	[tilespmem:s22+$0x11830] =	vst v2;
	v0 =	vadd.f32 v0, v58;
	v61 =	vadd.f32 v51, v59  }
.Ltmp3:
0x1ac: {  	s21 =	sadd.s32 s6, s21;
	[tilespmem:s22+$0x11840] =	vst v1;
	v62 =	vadd.f32 v53, v60;
	(pc) =	sbr.rel @p0 .LBB2_2-.Ltmp3, $4  }
0x1ad: {  	s21 =	smul.u32 $0x700, s21;
	[tilespmem:s22+$0x11850] =	vst v0;
	v63 =	vadd.f32 v57, v61  }
0x1ae: {  	[tilespmem:s22+$0x11860] =	vst v62  }
0x1af: {  	s21 =	sadd.s32 s5, s21;
	[tilespmem:s22+$0x11870] =	vst v63  }
0x1b0: {  	[hbm4b:s21+s3] =	stream.linear.scatter [tilespmem:s13], [sflag:$0x4], $0x3800, $0x38;
	[tilespmem:$0x1F800] =	vst v63  }
0x1b1: {  	_ =	swait.ge [sflag:s19], $0x3800  }
0x1b2: {  	[sflag:s19] =	ssyncset.done $0x0  }
0x1b3: {  	s21 =	simm.s32 $0x4;
	[sflag:s19] =	ssyncadd.s32 $0xFFFFC800  }
0x1b4: {  	_ =	swait.ge [sflag:s21], $0x3800  }
0x1b5: {  	s22 =	rddreg [dreg:$0x5]  }
0x1b6: {  	s20 =	rddreg [dreg:$0x4];
	s22 =	sadd.s32 $0x1, s22  }
0x1b7: {  	p0 =	sne.s32 s22, s20  }
.Ltmp4:
0x1b8: {  	_ = 	snop;
	(pc) =	sbr.rel @p0 .LBB2_1-.Ltmp4, $3  }
0x1b9: {  	_ =	sdelay $0x1  }
0x1ba: {  	[sflag:s21] =	ssyncset.done $0x0  }
0x1bb: {  	[sflag:s21] =	ssyncadd.s32 $0xFFFFC800  }
0x1bc: {  	_ =	sfence.sel $0x180000  }
0x1bd: {  	[bflag:$0x0] =	sbarrier.arrive $0xFFFF  }
0x1be: {  	_ =	strace $0x90000047  }
0x1bf: {  	s0 =	stileid.u32;
	[bflag:$0x2] =	sbarrier.arrive $0xFFFF  }
0x1c0: {  	p0 =	sne.s32 s0, $0x0;
	s0 =	rddreg [dreg:$0x2]  }
0x1c1: {  	s0 =	sadd.s32 @!p0 $0x100000, s0  }
0x1c2: {  	[sflag:s0] =	ssyncadd.tile.s32 @!p0 $0x1;
	_ =	shalt  }
.Lfunc_end2:
_tile_overlayer_lowered:
.L_overlay_start_2:
0x1c3: {  	(tag) =	ssettag $0x2  }
0x1c4: {  	s0 =	rddreg [dreg:$0x0];
	s2 =	stileid.u32  }
0x1c5: {  	s1 =	rddreg [dreg:$0x1];
	p0 =	sne.s32 s2, $0x0  }
0x1c6: {  	s3 =	rddreg [dreg:$0x2];
	[bflag:$0x3] =	sbarrier.arrive $0xFFFF;
	s2 =	simm.s32 @!p0 $0x1C05  }
0x1c7: {  	[timem:s3], [sflag:s2] =	dma.local @!p0 [hbm:s0], s1  }
0x1c8: {  	s0 =	simm.s32 @!p0 $0x5  }
0x1c9: {  	_ =	swait.ge @!p0 [sflag:s0], s1  }
0x1ca: {  	s1 =	ssub.s32 @!p0 $0x0, s1;
	[sflag:s0] =	ssyncset.done @!p0 $0x0  }
0x1cb: {  	[sflag:s0] =	ssyncadd.s32 @!p0 s1  }
0x1cc: {  	[bflag:$0x3] =	sbarrier.arrive $0xFFFF  }
0x1cd: {  	_ =	shalt  }

</sc_bundles>
